<compile_context>
chip_gen: v7x
topology: tpu7x:2x2x1
jax: 0.10.2.dev20260603
libtpu: 0.0.44.dev20260713+nightly
codegen_flags: <defaults>
</compile_context>

<pallas_src>
import functools

import jax
import jax.numpy as jnp
from jax import lax
from jax.experimental import pallas as pl
from jax.experimental.pallas import tpu as pltpu
from jax.experimental.pallas import tpu_sc as plsc

NC, NS = 2, 16
NW = NC * NS
CHUNK = 200

BM_NODE = 1000
BM_EDGE = 2000


def _row_spec(bm, k):
    return pl.BlockSpec((bm, k), lambda i: (i, 0))


def _full_spec(shape):
    return pl.BlockSpec(shape, lambda i: tuple(0 for _ in shape))


def _relu(x):
    return jnp.maximum(x, 0.0)


def _dot(x, w):
    return jnp.dot(x, w, preferred_element_type=jnp.float32)


def _mlp3_body(x_ref, w1, b1, w2, b2, w3, b3, o_ref):
    h = _relu(_dot(x_ref[...], w1[...]) + b1[...])
    h = _relu(_dot(h, w2[...]) + b2[...])
    o_ref[...] = _dot(h, w3[...]) + b3[...]


def _mlp3(x, params, bm):
    (w1, b1), (w2, b2), (w3, b3) = params
    m, k = x.shape
    grid = (m + bm - 1) // bm
    return pl.pallas_call(
        _mlp3_body,
        grid=(grid,),
        in_specs=[
            _row_spec(bm, k),
            _full_spec(w1.shape), _full_spec((1, b1.shape[0])),
            _full_spec(w2.shape), _full_spec((1, b2.shape[0])),
            _full_spec(w3.shape), _full_spec((1, b3.shape[0])),
        ],
        out_specs=_row_spec(bm, w3.shape[1]),
        out_shape=jax.ShapeDtypeStruct((m, w3.shape[1]), jnp.float32),
    )(x, w1, b1.reshape(1, -1), w2, b2.reshape(1, -1), w3, b3.reshape(1, -1))


def _proj_body(x_ref, w_ref, o_ref):
    o_ref[0] = _dot(x_ref[...], w_ref[0])


def _proj(node_lat, ws, wr, n_pad):
    bm = 640
    grid = (n_pad // bm, 2)
    w2 = jnp.stack([ws, wr])
    return pl.pallas_call(
        _proj_body,
        grid=grid,
        in_specs=[
            pl.BlockSpec((bm, 128), lambda i, j: (i, 0)),
            pl.BlockSpec((1, 128, 128), lambda i, j: (j, 0, 0)),
        ],
        out_specs=pl.BlockSpec((1, bm, 128), lambda i, j: (j, i, 0)),
        out_shape=jax.ShapeDtypeStruct((2, n_pad, 128), jnp.float32),
    )(node_lat, w2)


def _edge_body(gs_ref, gr_ref, el_ref, we, b1, w2, b2, w3, b3, o_ref):
    el = el_ref[...]
    h = _relu(gs_ref[0] + gr_ref[0] + _dot(el, we[...]) + b1[...])
    h = _relu(_dot(h, w2[...]) + b2[...])
    o_ref[...] = _dot(h, w3[...]) + b3[...] + el


def _edge_update(g, edge_lat, we, b1, w2, b2, w3, b3):
    m = edge_lat.shape[0]
    grid = (m + BM_EDGE - 1) // BM_EDGE
    return pl.pallas_call(
        _edge_body,
        grid=(grid,),
        in_specs=[
            pl.BlockSpec((1, BM_EDGE, 128), lambda i: (0, i, 0)),
            pl.BlockSpec((1, BM_EDGE, 128), lambda i: (1, i, 0)),
            _row_spec(BM_EDGE, 128),
            _full_spec((128, 128)), _full_spec((1, 128)),
            _full_spec((128, 128)), _full_spec((1, 128)),
            _full_spec((128, 128)), _full_spec((1, 128)),
        ],
        out_specs=_row_spec(BM_EDGE, 128),
        out_shape=jax.ShapeDtypeStruct((m, 128), jnp.float32),
    )(g, g, edge_lat, we, b1.reshape(1, -1), w2, b2.reshape(1, -1), w3, b3.reshape(1, -1))


def _node_body(nl_ref, p0_ref, p1_ref, wn, wa, b1, w2, b2, w3, b3, o_ref):
    nl = nl_ref[...]
    agg = p0_ref[0] + p1_ref[0]
    h = _relu(_dot(nl, wn[...]) + _dot(agg, wa[...]) + b1[...])
    h = _relu(_dot(h, w2[...]) + b2[...])
    o_ref[...] = _dot(h, w3[...]) + b3[...] + nl


def _node_update(node_lat, parts, wn, wa, b1, w2, b2, w3, b3):
    m = node_lat.shape[0]
    grid = (m + BM_NODE - 1) // BM_NODE
    return pl.pallas_call(
        _node_body,
        grid=(grid,),
        in_specs=[
            _row_spec(BM_NODE, 128),
            pl.BlockSpec((1, BM_NODE, 128), lambda i: (0, i, 0)),
            pl.BlockSpec((1, BM_NODE, 128), lambda i: (1, i, 0)),
            _full_spec((128, 128)), _full_spec((128, 128)), _full_spec((1, 128)),
            _full_spec((128, 128)), _full_spec((1, 128)),
            _full_spec((128, 128)), _full_spec((1, 128)),
        ],
        out_specs=_row_spec(BM_NODE, 128),
        out_shape=jax.ShapeDtypeStruct((m, 128), jnp.float32),
    )(node_lat, parts, parts, wn, wa, b1.reshape(1, -1),
      w2, b2.reshape(1, -1), w3, b3.reshape(1, -1))


def _sc_gather(tbl, idx):
    per_s = idx.shape[3]
    e = per_s * NS
    ch = 136
    n_full = per_s // ch
    tail = per_s - n_full * ch
    n_pad = tbl.shape[1]
    rows_per_sub = n_pad // NS
    mesh = plsc.VectorSubcoreMesh(core_axis_name="c", subcore_axis_name="s",
                                  num_cores=NC, num_subcores=NS)

    @functools.partial(
        pl.kernel,
        out_type=jax.ShapeDtypeStruct((2, e, 128), jnp.float32),
        mesh=mesh,
        scratch_types=[
            pltpu.VMEM((per_s,), jnp.int32),
            pltpu.VMEM((ch, 128), jnp.float32),
            pltpu.VMEM((ch, 128), jnp.float32),
            pltpu.VMEM_SHARED((n_pad, 128), jnp.float32),
            [pltpu.SemaphoreType.DMA] * 2,
            [pltpu.SemaphoreType.DMA] * 2,
        ],
    )
    def k(tbl_hbm, idx_hbm, out_hbm, eidx, rw0, rw1, stbl, sg, sw):
        rows = (rw0, rw1)
        cid = lax.axis_index("c")
        sid = lax.axis_index("s")
        base = pl.multiple_of(sid * per_s, 8)
        srow = pl.multiple_of(sid * rows_per_sub, 8)

        pltpu.sync_copy(tbl_hbm.at[cid, pl.ds(srow, rows_per_sub)],
                        stbl.at[pl.ds(srow, rows_per_sub)])
        pltpu.sync_copy(idx_hbm.at[cid, sid, 0], eidx)
        plsc.subcore_barrier()

        def g_start(i, b):
            ioff = pl.multiple_of(i * ch, 8)
            pltpu.async_copy(stbl.at[eidx.at[pl.ds(ioff, ch)]], rows[b], sg[b])

        def g_wait(b):
            pltpu.make_async_copy(tbl_hbm.at[0, pl.ds(0, ch)], rows[b], sg[b]).wait()

        def w_start(i, b):
            off = pl.multiple_of(base + i * ch, 8)
            pltpu.async_copy(rows[b], out_hbm.at[cid, pl.ds(off, ch)], sw[b])

        def w_wait(b):
            pltpu.make_async_copy(tbl_hbm.at[0, pl.ds(0, ch)], rows[b], sw[b]).wait()

        for b in range(2):
            g_start(jnp.int32(b), b)

        def body(g, _):
            for b in range(2):
                i = 2 * g + b
                g_wait(b)
                w_start(i, b)

                @pl.when(i + 2 < n_full)
                def _():
                    w_wait(b)
                    g_start(i + 2, b)

            return 0

        lax.fori_loop(0, n_full // 2, body, 0)

        if n_full % 2:
            bl = (n_full - 1) % 2
            g_wait(bl)
            off = pl.multiple_of(base + (n_full - 1) * ch, 8)
            pltpu.sync_copy(rows[bl], out_hbm.at[cid, pl.ds(off, ch)])
            w_wait((n_full - 2) % 2)
        else:
            w_wait((n_full - 2) % 2)
            w_wait((n_full - 1) % 2)

        if tail:
            toff = pl.multiple_of(jnp.int32(n_full * ch), 8)
            pltpu.sync_copy(stbl.at[eidx.at[pl.ds(toff, tail)]],
                            rows[0].at[pl.ds(0, tail)])
            pltpu.sync_copy(rows[0].at[pl.ds(0, tail)],
                            out_hbm.at[cid, pl.ds(base + toff, tail)])

    return k(tbl, idx)


def _sc_scatter(new_edge, receivers, n_pad):
    e = new_edge.shape[0]
    per_w = e // NW
    ch = 104
    n_full = per_w // ch
    tail = per_w - n_full * ch
    rows_per_sub = n_pad // NS
    mesh = plsc.VectorSubcoreMesh(core_axis_name="c", subcore_axis_name="s",
                                  num_cores=NC, num_subcores=NS)
    zeros = jnp.zeros((n_pad, 128), jnp.float32)

    @functools.partial(
        pl.kernel,
        out_type=jax.ShapeDtypeStruct((NC, n_pad, 128), jnp.float32),
        mesh=mesh,
        scratch_types=[
            pltpu.VMEM((per_w,), jnp.int32),
            pltpu.VMEM((ch, 128), jnp.float32),
            pltpu.VMEM((ch, 128), jnp.float32),
            pltpu.VMEM_SHARED((n_pad, 128), jnp.float32),
            [pltpu.SemaphoreType.DMA] * 2,
        ],
    )
    def k(edge_hbm, r_hbm, z_hbm, out_hbm, ridx, rw0, rw1, acc, se):
        rows = (rw0, rw1)
        cid = lax.axis_index("c")
        sid = lax.axis_index("s")
        wid = sid * NC + cid
        base = pl.multiple_of(wid * per_w, 8)
        srow = pl.multiple_of(sid * rows_per_sub, 8)

        pltpu.sync_copy(z_hbm.at[pl.ds(srow, rows_per_sub)],
                        acc.at[pl.ds(srow, rows_per_sub)])
        pltpu.sync_copy(r_hbm.at[pl.ds(base, per_w)], ridx)
        plsc.subcore_barrier()

        def l_start(i, b):
            off = pl.multiple_of(base + i * ch, 8)
            pltpu.async_copy(edge_hbm.at[pl.ds(off, ch)], rows[b], se[b])

        def l_wait(b):
            pltpu.make_async_copy(edge_hbm.at[pl.ds(0, ch)], rows[b], se[b]).wait()

        def sc_add(i, b):
            ioff = pl.multiple_of(i * ch, 8)
            pltpu.sync_copy(rows[b], acc.at[ridx.at[pl.ds(ioff, ch)]], add=True)

        for b in range(2):
            l_start(jnp.int32(b), b)

        def body(g, _):
            for b in range(2):
                i = 2 * g + b
                l_wait(b)
                sc_add(i, b)

                @pl.when(i + 2 < n_full)
                def _():
                    l_start(i + 2, b)

            return 0

        lax.fori_loop(0, (n_full // 2), body, 0)

        if n_full % 2:
            l_wait((n_full - 1) % 2)
            sc_add(jnp.int32(n_full - 1), (n_full - 1) % 2)

        if tail:
            toff = pl.multiple_of(base + n_full * ch, 8)
            pltpu.sync_copy(edge_hbm.at[pl.ds(toff, tail)],
                            rows[0].at[pl.ds(0, tail)])
            tioff = pl.multiple_of(jnp.int32(n_full * ch), 8)
            pltpu.sync_copy(rows[0].at[pl.ds(0, tail)],
                            acc.at[ridx.at[pl.ds(tioff, tail)]], add=True)

        plsc.subcore_barrier()
        pltpu.sync_copy(acc.at[pl.ds(srow, rows_per_sub)],
                        out_hbm.at[cid, pl.ds(srow, rows_per_sub)])

    return k(new_edge, receivers, zeros)


def kernel(node_features, edge_features, senders, receivers, enc_node, enc_edge, proc, dec):
    n_nodes = node_features.shape[0]
    n_pad = ((n_nodes + 639) // 640) * 640
    idx = jnp.stack([senders, receivers]).reshape(2, NS, 1, -1)

    node_lat = _mlp3(node_features, enc_node, BM_NODE)
    edge_lat = _mlp3(edge_features, enc_edge, BM_EDGE)

    for edge_p, node_p in proc:
        (w1, b1), (w2, b2), (w3, b3) = edge_p
        ws, wr, we = w1[:128], w1[128:256], w1[256:]
        tbl = _proj(node_lat, ws, wr, n_pad)
        g = _sc_gather(tbl, idx)
        new_edge = _edge_update(g, edge_lat, we, b1, w2, b2, w3, b3)
        parts = _sc_scatter(new_edge, receivers, n_pad)
        (n1, nb1), (n2, nb2), (n3, nb3) = node_p
        node_lat = _node_update(node_lat, parts, n1[:128], n1[128:], nb1,
                                n2, nb2, n3, nb3)
        edge_lat = new_edge

    return _mlp3(node_lat, dec, BM_NODE)

# --- scband reference (transcript-rebuilt; emitter-appended) ---
"""Pipeline reference for scband-encode-process-decode-28114855920037 (READ-ONLY COPY).

The authoritative reference and input builder live on the scoring server;
editing this copy changes nothing except your own understanding.
"""

import jax, jax.numpy as jnp
import numpy as np

N_NODES = 10000
N_EDGES = 160000
D_NODE = 128
D_EDGE = 16
LATENT = 128
OUT = 3
STEPS = 2


def _mlp_params(key, sizes):
    params = []
    for i in range(len(sizes) - 1):
        key, k1 = jax.random.split(key)
        W = jax.random.normal(k1, (sizes[i], sizes[i + 1]), dtype=jnp.float32) / jnp.sqrt(float(sizes[i]))
        b = jnp.zeros((sizes[i + 1],), dtype=jnp.float32)
        params.append((W, b))
    return params


def _mlp_apply(params, x):
    n = len(params)
    for i, (W, b) in enumerate(params):
        x = x @ W + b
        if i < n - 1:
            x = jax.nn.relu(x)
    return x


def setup_inputs(seed: int = 0) -> dict:
    key = jax.random.key(seed)
    ks = jax.random.split(key, 8)
    node_features = jax.random.normal(ks[0], (N_NODES, D_NODE), dtype=jnp.float32)
    edge_features = jax.random.normal(ks[1], (N_EDGES, D_EDGE), dtype=jnp.float32)
    senders = jax.random.randint(ks[2], (N_EDGES,), 0, N_NODES, dtype=jnp.int32)
    receivers = jax.random.randint(ks[3], (N_EDGES,), 0, N_NODES, dtype=jnp.int32)
    enc_node = _mlp_params(ks[4], [D_NODE, LATENT, LATENT, LATENT])
    enc_edge = _mlp_params(ks[5], [D_EDGE, LATENT, LATENT, LATENT])
    proc = []
    for s in range(STEPS):
        ek = jax.random.fold_in(ks[6], 2 * s)
        nk = jax.random.fold_in(ks[6], 2 * s + 1)
        proc.append((_mlp_params(ek, [3 * LATENT, LATENT, LATENT, LATENT]),
                     _mlp_params(nk, [2 * LATENT, LATENT, LATENT, LATENT])))
    dec = _mlp_params(ks[7], [LATENT, LATENT, LATENT, OUT])
    return {"node_features": node_features, "edge_features": edge_features,
            "senders": senders, "receivers": receivers,
            "enc_node": enc_node, "enc_edge": enc_edge, "proc": proc, "dec": dec}


def reference(node_features, edge_features, senders, receivers, enc_node, enc_edge, proc, dec):
    # Encoder
    node_lat = _mlp_apply(enc_node, node_features)
    edge_lat = _mlp_apply(enc_edge, edge_features)
    # Processor: GraphNetBlocks with residual connections
    for edge_p, node_p in proc:
        sender_f = jnp.take(node_lat, senders, axis=0)
        receiver_f = jnp.take(node_lat, receivers, axis=0)
        edge_in = jnp.concatenate([sender_f, receiver_f, edge_lat], axis=-1)
        new_edge = _mlp_apply(edge_p, edge_in) + edge_lat
        agg = jax.ops.segment_sum(new_edge, receivers, num_segments=node_lat.shape[0])
        node_in = jnp.concatenate([node_lat, agg], axis=-1)
        new_node = _mlp_apply(node_p, node_in) + node_lat
        node_lat, edge_lat = new_node, new_edge
    # Decoder
    return _mlp_apply(dec, node_lat)

if __name__ == "__main__":
    import jax
    _d = setup_inputs()
    print(jax.jit(kernel)(*tuple(_d.values())))

</pallas_src>

<mosaic_0001>
#map = affine_map<(d0, d1) -> (0, 0, 0)>
#map1 = affine_map<(d0, d1) -> (0, 0, 0, 0)>
module attributes {stable_mosaic.version = 14 : i64} {
  func.func @k(%arg0: i32, %arg1: i32, %arg2: memref<2x10240x128xf32, #tpu.memory_space<hbm>>, %arg3: memref<2x16x1x10000xi32, #tpu.memory_space<hbm>>, %arg4: memref<2x160000x128xf32, #tpu.memory_space<hbm>>, %arg5: memref<10000xi32, #tpu.memory_space<vmem>>, %arg6: memref<136x128xf32, #tpu.memory_space<vmem>>, %arg7: memref<136x128xf32, #tpu.memory_space<vmem>>, %arg8: memref<10240x128xf32, #tpu.memory_space<vmem_shared>>, %arg9: memref<!tpu.dma_semaphore, #tpu.memory_space<semaphore_mem>>, %arg10: memref<!tpu.dma_semaphore, #tpu.memory_space<semaphore_mem>>, %arg11: memref<!tpu.dma_semaphore, #tpu.memory_space<semaphore_mem>>, %arg12: memref<!tpu.dma_semaphore, #tpu.memory_space<semaphore_mem>>) attributes {dimension_semantics = [#tpu.dimension_semantics<core_parallel>, #tpu.dimension_semantics<subcore_parallel>], iteration_bounds = array<i64: 2, 16>, scalar_prefetch = 0 : i64, scratch_operands = 8 : i64, tpu.core_type = #tpu.core_type<sc_vector_subcore>, window_params = [{transform_indices = #map}, {transform_indices = #map1}, {transform_indices = #map}]} {
    %mul3A = arith.constant 10000 : i32
    %mul3A_0 = arith.muli %arg1, %mul3A : i32
    %multiple_of3A = tpu.assume_multiple %mul3A_0, 8 : i32
    %mul3A_1 = arith.constant 640 : i32
    %mul3A_2 = arith.muli %arg1, %mul3A_1 : i32
    %multiple_of3A_3 = tpu.assume_multiple %mul3A_2, 8 : i32
    "tpu.region"() ({
      %run_scoped3A_47 = tpu.sem_alloc : memref<!tpu.dma_semaphore, #tpu.memory_space<semaphore_mem>>
      %dma_start3A_48 = arith.constant 0 : i32
      %dma_start3A_49 = tpu.memref_slice %arg8[%multiple_of3A_3, %dma_start3A_48] : memref<10240x128xf32, #tpu.memory_space<vmem_shared>> -> memref<640x128xf32, #tpu.memory_space<vmem_shared>>
      %dma_start3A_50 = arith.constant 0 : i32
      %dma_start3A_51 = tpu.memref_slice %arg2[%arg0, %multiple_of3A_3, %dma_start3A_50] : memref<2x10240x128xf32, #tpu.memory_space<hbm>> -> memref<1x640x128xf32, #tpu.memory_space<hbm>>
      %dma_start3A_52 = tpu.memref_squeeze %dma_start3A_51 : memref<1x640x128xf32, #tpu.memory_space<hbm>> -> memref<640x128xf32, #tpu.memory_space<hbm>>
      tpu.enqueue_dma source(%dma_start3A_52 : memref<640x128xf32, #tpu.memory_space<hbm>>) target(%dma_start3A_49 : memref<640x128xf32, #tpu.memory_space<vmem_shared>>) target_semaphore(%run_scoped3A_47 : memref<!tpu.dma_semaphore, #tpu.memory_space<semaphore_mem>>)
      %dma_wait3A_53 = arith.constant 0 : i32
      %dma_wait3A_54 = tpu.memref_slice %arg8[%multiple_of3A_3, %dma_wait3A_53] : memref<10240x128xf32, #tpu.memory_space<vmem_shared>> -> memref<640x128xf32, #tpu.memory_space<vmem_shared>>
      %dma_wait3A_55 = arith.constant 0 : i32
      %dma_wait3A_56 = tpu.memref_slice %arg2[%arg0, %multiple_of3A_3, %dma_wait3A_55] : memref<2x10240x128xf32, #tpu.memory_space<hbm>> -> memref<1x640x128xf32, #tpu.memory_space<hbm>>
      %dma_wait3A_57 = tpu.memref_squeeze %dma_wait3A_56 : memref<1x640x128xf32, #tpu.memory_space<hbm>> -> memref<640x128xf32, #tpu.memory_space<hbm>>
      tpu.wait_dma2 semaphore(%run_scoped3A_47 : memref<!tpu.dma_semaphore, #tpu.memory_space<semaphore_mem>>) src(%dma_wait3A_57 : memref<640x128xf32, #tpu.memory_space<hbm>>) dst(%dma_wait3A_54 : memref<640x128xf32, #tpu.memory_space<vmem_shared>>)
      tpu.yield
    }) : () -> ()
    %run_scoped3A = arith.constant 0 : i32
    "tpu.region"() ({
      %run_scoped3A_47 = tpu.sem_alloc : memref<!tpu.dma_semaphore, #tpu.memory_space<semaphore_mem>>
      %dma_start3A_48 = arith.constant 0 : i32
      %dma_start3A_49 = tpu.memref_slice %arg3[%arg0, %arg1, %run_scoped3A, %dma_start3A_48] : memref<2x16x1x10000xi32, #tpu.memory_space<hbm>> -> memref<1x1x1x10000xi32, #tpu.memory_space<hbm>>
      %dma_start3A_50 = tpu.memref_squeeze %dma_start3A_49 : memref<1x1x1x10000xi32, #tpu.memory_space<hbm>> -> memref<10000xi32, #tpu.memory_space<hbm>>
      %dma_start3A_51 = arith.constant 0 : i32
      %dma_start3A_52 = tpu.memref_slice %arg3[%arg0, %arg1, %run_scoped3A, %dma_start3A_51] : memref<2x16x1x10000xi32, #tpu.memory_space<hbm>> -> memref<1x1x1x10000xi32, #tpu.memory_space<hbm>>
      %dma_start3A_53 = tpu.memref_squeeze %dma_start3A_52 : memref<1x1x1x10000xi32, #tpu.memory_space<hbm>> -> memref<10000xi32, #tpu.memory_space<hbm>>
      tpu.enqueue_dma source(%dma_start3A_53 : memref<10000xi32, #tpu.memory_space<hbm>>) target(%arg5 : memref<10000xi32, #tpu.memory_space<vmem>>) target_semaphore(%run_scoped3A_47 : memref<!tpu.dma_semaphore, #tpu.memory_space<semaphore_mem>>)
      %dma_wait3A_54 = arith.constant 0 : i32
      %dma_wait3A_55 = tpu.memref_slice %arg3[%arg0, %arg1, %run_scoped3A, %dma_wait3A_54] : memref<2x16x1x10000xi32, #tpu.memory_space<hbm>> -> memref<1x1x1x10000xi32, #tpu.memory_space<hbm>>
      %dma_wait3A_56 = tpu.memref_squeeze %dma_wait3A_55 : memref<1x1x1x10000xi32, #tpu.memory_space<hbm>> -> memref<10000xi32, #tpu.memory_space<hbm>>
      %dma_wait3A_57 = arith.constant 0 : i32
      %dma_wait3A_58 = tpu.memref_slice %arg3[%arg0, %arg1, %run_scoped3A, %dma_wait3A_57] : memref<2x16x1x10000xi32, #tpu.memory_space<hbm>> -> memref<1x1x1x10000xi32, #tpu.memory_space<hbm>>
      %dma_wait3A_59 = tpu.memref_squeeze %dma_wait3A_58 : memref<1x1x1x10000xi32, #tpu.memory_space<hbm>> -> memref<10000xi32, #tpu.memory_space<hbm>>
      tpu.wait_dma2 semaphore(%run_scoped3A_47 : memref<!tpu.dma_semaphore, #tpu.memory_space<semaphore_mem>>) src(%dma_wait3A_59 : memref<10000xi32, #tpu.memory_space<hbm>>) dst(%arg5 : memref<10000xi32, #tpu.memory_space<vmem>>)
      tpu.yield
    }) : () -> ()
    %barrier3A = arith.constant 0 : index
    tpu.barrier barrier_id(%barrier3A)
    %mul3A_4 = arith.constant 0 : i32
    %mul3A_5 = arith.constant 136 : i32
    %mul3A_6 = arith.muli %mul3A_4, %mul3A_5 : i32
    %multiple_of3A_7 = tpu.assume_multiple %mul3A_6, 8 : i32
    %dma_start3A = tpu.memref_slice %arg5[%multiple_of3A_7] : memref<10000xi32, #tpu.memory_space<vmem>> -> memref<136xi32, #tpu.memory_space<vmem>>
    %dma_start3A_8 = arith.constant 0 : i32
    %dma_start3A_9 = arith.constant 0 : i32
    %dma_start3A_10 = tpu.memref_slice %arg8[%dma_start3A_8, %dma_start3A_9] : memref<10240x128xf32, #tpu.memory_space<vmem_shared>> -> memref<10240x128xf32, #tpu.memory_space<vmem_shared>>
    tpu.enqueue_indirect_dma source(%dma_start3A_10 : memref<10240x128xf32, #tpu.memory_space<vmem_shared>>) target(%arg6 : memref<136x128xf32, #tpu.memory_space<vmem>>) offsets(%dma_start3A : memref<136xi32, #tpu.memory_space<vmem>>) semaphore(%arg9 : memref<!tpu.dma_semaphore, #tpu.memory_space<semaphore_mem>>)
    %mul3A_11 = arith.constant 1 : i32
    %mul3A_12 = arith.constant 136 : i32
    %mul3A_13 = arith.muli %mul3A_11, %mul3A_12 : i32
    %multiple_of3A_14 = tpu.assume_multiple %mul3A_13, 8 : i32
    %dma_start3A_15 = tpu.memref_slice %arg5[%multiple_of3A_14] : memref<10000xi32, #tpu.memory_space<vmem>> -> memref<136xi32, #tpu.memory_space<vmem>>
    %dma_start3A_16 = arith.constant 0 : i32
    %dma_start3A_17 = arith.constant 0 : i32
    %dma_start3A_18 = tpu.memref_slice %arg8[%dma_start3A_16, %dma_start3A_17] : memref<10240x128xf32, #tpu.memory_space<vmem_shared>> -> memref<10240x128xf32, #tpu.memory_space<vmem_shared>>
    tpu.enqueue_indirect_dma source(%dma_start3A_18 : memref<10240x128xf32, #tpu.memory_space<vmem_shared>>) target(%arg7 : memref<136x128xf32, #tpu.memory_space<vmem>>) offsets(%dma_start3A_15 : memref<136xi32, #tpu.memory_space<vmem>>) semaphore(%arg10 : memref<!tpu.dma_semaphore, #tpu.memory_space<semaphore_mem>>)
    %scan3A = arith.constant 0 : i32
    %scan3A_19 = arith.constant 0 : i32
    %scan3A_20 = arith.constant 36 : i32
    %scan3A_21 = arith.addi %scan3A_19, %scan3A_20 : i32
    %scan3A_22 = arith.constant 1 : i32
    %scan3A_23 = scf.for %scan3A_47 = %scan3A_19 to %scan3A_21 step %scan3A_22 iter_args(%scan3A_48 = %scan3A) -> (i32)  : i32 {
      %mul3A_49 = arith.constant 2 : i32
      %mul3A_50 = arith.muli %mul3A_49, %scan3A_47 : i32
      %add3A_51 = arith.constant 0 : i32
      %add3A_52 = arith.addi %mul3A_50, %add3A_51 : i32
      %dma_wait3A_53 = arith.constant 0 : i32
      %dma_wait3A_54 = arith.constant 0 : i32
      %dma_wait3A_55 = arith.constant 0 : i32
      %dma_wait3A_56 = tpu.memref_slice %arg2[%dma_wait3A_53, %dma_wait3A_54, %dma_wait3A_55] : memref<2x10240x128xf32, #tpu.memory_space<hbm>> -> memref<1x136x128xf32, #tpu.memory_space<hbm>>
      %dma_wait3A_57 = tpu.memref_squeeze %dma_wait3A_56 : memref<1x136x128xf32, #tpu.memory_space<hbm>> -> memref<136x128xf32, #tpu.memory_space<hbm>>
      %dma_wait3A_58 = arith.constant 0 : i32
      %dma_wait3A_59 = arith.constant 0 : i32
      %dma_wait3A_60 = tpu.memref_slice %arg2[%dma_wait3A_53, %dma_wait3A_58, %dma_wait3A_59] : memref<2x10240x128xf32, #tpu.memory_space<hbm>> -> memref<1x136x128xf32, #tpu.memory_space<hbm>>
      %dma_wait3A_61 = tpu.memref_squeeze %dma_wait3A_60 : memref<1x136x128xf32, #tpu.memory_space<hbm>> -> memref<136x128xf32, #tpu.memory_space<hbm>>
      tpu.wait_dma2 semaphore(%arg9 : memref<!tpu.dma_semaphore, #tpu.memory_space<semaphore_mem>>) src(%dma_wait3A_61 : memref<136x128xf32, #tpu.memory_space<hbm>>) dst(%arg6 : memref<136x128xf32, #tpu.memory_space<vmem>>)
      %mul3A_62 = arith.constant 136 : i32
      %mul3A_63 = arith.muli %add3A_52, %mul3A_62 : i32
      %add3A_64 = arith.addi %multiple_of3A, %mul3A_63 : i32
      %multiple_of3A_65 = tpu.assume_multiple %add3A_64, 8 : i32
      %dma_start3A_66 = arith.constant 0 : i32
      %dma_start3A_67 = tpu.memref_slice %arg4[%arg0, %multiple_of3A_65, %dma_start3A_66] : memref<2x160000x128xf32, #tpu.memory_space<hbm>> -> memref<1x136x128xf32, #tpu.memory_space<hbm>>
      %dma_start3A_68 = tpu.memref_squeeze %dma_start3A_67 : memref<1x136x128xf32, #tpu.memory_space<hbm>> -> memref<136x128xf32, #tpu.memory_space<hbm>>
      %dma_start3A_69 = arith.constant 0 : i32
      %dma_start3A_70 = tpu.memref_slice %arg4[%arg0, %multiple_of3A_65, %dma_start3A_69] : memref<2x160000x128xf32, #tpu.memory_space<hbm>> -> memref<1x136x128xf32, #tpu.memory_space<hbm>>
      %dma_start3A_71 = tpu.memref_squeeze %dma_start3A_70 : memref<1x136x128xf32, #tpu.memory_space<hbm>> -> memref<136x128xf32, #tpu.memory_space<hbm>>
      tpu.enqueue_dma source(%arg6 : memref<136x128xf32, #tpu.memory_space<vmem>>) target(%dma_start3A_71 : memref<136x128xf32, #tpu.memory_space<hbm>>) target_semaphore(%arg11 : memref<!tpu.dma_semaphore, #tpu.memory_space<semaphore_mem>>)
      %add3A_72 = arith.constant 2 : i32
      %add3A_73 = arith.addi %add3A_52, %add3A_72 : i32
      %lt3A = arith.constant 73 : i32
      %lt3A_74 = arith.cmpi slt, %add3A_73, %lt3A : i32
      %convert_element_type3A = arith.extui %lt3A_74 : i1 to i32
      %cond3A = arith.constant 0 : i32
      %cond3A_75 = arith.cmpi ne, %convert_element_type3A, %cond3A : i32
      scf.if %cond3A_75 {
        %dma_wait3A_107 = arith.constant 0 : i32
        %dma_wait3A_108 = arith.constant 0 : i32
        %dma_wait3A_109 = arith.constant 0 : i32
        %dma_wait3A_110 = tpu.memref_slice %arg2[%dma_wait3A_107, %dma_wait3A_108, %dma_wait3A_109] : memref<2x10240x128xf32, #tpu.memory_space<hbm>> -> memref<1x136x128xf32, #tpu.memory_space<hbm>>
        %dma_wait3A_111 = tpu.memref_squeeze %dma_wait3A_110 : memref<1x136x128xf32, #tpu.memory_space<hbm>> -> memref<136x128xf32, #tpu.memory_space<hbm>>
        %dma_wait3A_112 = arith.constant 0 : i32
        %dma_wait3A_113 = arith.constant 0 : i32
        %dma_wait3A_114 = tpu.memref_slice %arg2[%dma_wait3A_107, %dma_wait3A_112, %dma_wait3A_113] : memref<2x10240x128xf32, #tpu.memory_space<hbm>> -> memref<1x136x128xf32, #tpu.memory_space<hbm>>
        %dma_wait3A_115 = tpu.memref_squeeze %dma_wait3A_114 : memref<1x136x128xf32, #tpu.memory_space<hbm>> -> memref<136x128xf32, #tpu.memory_space<hbm>>
        tpu.wait_dma2 semaphore(%arg11 : memref<!tpu.dma_semaphore, #tpu.memory_space<semaphore_mem>>) src(%dma_wait3A_115 : memref<136x128xf32, #tpu.memory_space<hbm>>) dst(%arg6 : memref<136x128xf32, #tpu.memory_space<vmem>>)
        %add3A_116 = arith.constant 2 : i32
        %add3A_117 = arith.addi %add3A_52, %add3A_116 : i32
        %mul3A_118 = arith.constant 136 : i32
        %mul3A_119 = arith.muli %add3A_117, %mul3A_118 : i32
        %multiple_of3A_120 = tpu.assume_multiple %mul3A_119, 8 : i32
        %dma_start3A_121 = tpu.memref_slice %arg5[%multiple_of3A_120] : memref<10000xi32, #tpu.memory_space<vmem>> -> memref<136xi32, #tpu.memory_space<vmem>>
        %dma_start3A_122 = arith.constant 0 : i32
        %dma_start3A_123 = arith.constant 0 : i32
        %dma_start3A_124 = tpu.memref_slice %arg8[%dma_start3A_122, %dma_start3A_123] : memref<10240x128xf32, #tpu.memory_space<vmem_shared>> -> memref<10240x128xf32, #tpu.memory_space<vmem_shared>>
        tpu.enqueue_indirect_dma source(%dma_start3A_124 : memref<10240x128xf32, #tpu.memory_space<vmem_shared>>) target(%arg6 : memref<136x128xf32, #tpu.memory_space<vmem>>) offsets(%dma_start3A_121 : memref<136xi32, #tpu.memory_space<vmem>>) semaphore(%arg9 : memref<!tpu.dma_semaphore, #tpu.memory_space<semaphore_mem>>)
      } else {
      }
      %mul3A_76 = arith.constant 2 : i32
      %mul3A_77 = arith.muli %mul3A_76, %scan3A_47 : i32
      %add3A_78 = arith.constant 1 : i32
      %add3A_79 = arith.addi %mul3A_77, %add3A_78 : i32
      %dma_wait3A_80 = arith.constant 0 : i32
      %dma_wait3A_81 = arith.constant 0 : i32
      %dma_wait3A_82 = arith.constant 0 : i32
      %dma_wait3A_83 = tpu.memref_slice %arg2[%dma_wait3A_80, %dma_wait3A_81, %dma_wait3A_82] : memref<2x10240x128xf32, #tpu.memory_space<hbm>> -> memref<1x136x128xf32, #tpu.memory_space<hbm>>
      %dma_wait3A_84 = tpu.memref_squeeze %dma_wait3A_83 : memref<1x136x128xf32, #tpu.memory_space<hbm>> -> memref<136x128xf32, #tpu.memory_space<hbm>>
      %dma_wait3A_85 = arith.constant 0 : i32
      %dma_wait3A_86 = arith.constant 0 : i32
      %dma_wait3A_87 = tpu.memref_slice %arg2[%dma_wait3A_80, %dma_wait3A_85, %dma_wait3A_86] : memref<2x10240x128xf32, #tpu.memory_space<hbm>> -> memref<1x136x128xf32, #tpu.memory_space<hbm>>
      %dma_wait3A_88 = tpu.memref_squeeze %dma_wait3A_87 : memref<1x136x128xf32, #tpu.memory_space<hbm>> -> memref<136x128xf32, #tpu.memory_space<hbm>>
      tpu.wait_dma2 semaphore(%arg10 : memref<!tpu.dma_semaphore, #tpu.memory_space<semaphore_mem>>) src(%dma_wait3A_88 : memref<136x128xf32, #tpu.memory_space<hbm>>) dst(%arg7 : memref<136x128xf32, #tpu.memory_space<vmem>>)
      %mul3A_89 = arith.constant 136 : i32
      %mul3A_90 = arith.muli %add3A_79, %mul3A_89 : i32
      %add3A_91 = arith.addi %multiple_of3A, %mul3A_90 : i32
      %multiple_of3A_92 = tpu.assume_multiple %add3A_91, 8 : i32
      %dma_start3A_93 = arith.constant 0 : i32
      %dma_start3A_94 = tpu.memref_slice %arg4[%arg0, %multiple_of3A_92, %dma_start3A_93] : memref<2x160000x128xf32, #tpu.memory_space<hbm>> -> memref<1x136x128xf32, #tpu.memory_space<hbm>>
      %dma_start3A_95 = tpu.memref_squeeze %dma_start3A_94 : memref<1x136x128xf32, #tpu.memory_space<hbm>> -> memref<136x128xf32, #tpu.memory_space<hbm>>
      %dma_start3A_96 = arith.constant 0 : i32
      %dma_start3A_97 = tpu.memref_slice %arg4[%arg0, %multiple_of3A_92, %dma_start3A_96] : memref<2x160000x128xf32, #tpu.memory_space<hbm>> -> memref<1x136x128xf32, #tpu.memory_space<hbm>>
      %dma_start3A_98 = tpu.memref_squeeze %dma_start3A_97 : memref<1x136x128xf32, #tpu.memory_space<hbm>> -> memref<136x128xf32, #tpu.memory_space<hbm>>
      tpu.enqueue_dma source(%arg7 : memref<136x128xf32, #tpu.memory_space<vmem>>) target(%dma_start3A_98 : memref<136x128xf32, #tpu.memory_space<hbm>>) target_semaphore(%arg12 : memref<!tpu.dma_semaphore, #tpu.memory_space<semaphore_mem>>)
      %add3A_99 = arith.constant 2 : i32
      %add3A_100 = arith.addi %add3A_79, %add3A_99 : i32
      %lt3A_101 = arith.constant 73 : i32
      %lt3A_102 = arith.cmpi slt, %add3A_100, %lt3A_101 : i32
      %convert_element_type3A_103 = arith.extui %lt3A_102 : i1 to i32
      %cond3A_104 = arith.constant 0 : i32
      %cond3A_105 = arith.cmpi ne, %convert_element_type3A_103, %cond3A_104 : i32
      scf.if %cond3A_105 {
        %dma_wait3A_107 = arith.constant 0 : i32
        %dma_wait3A_108 = arith.constant 0 : i32
        %dma_wait3A_109 = arith.constant 0 : i32
        %dma_wait3A_110 = tpu.memref_slice %arg2[%dma_wait3A_107, %dma_wait3A_108, %dma_wait3A_109] : memref<2x10240x128xf32, #tpu.memory_space<hbm>> -> memref<1x136x128xf32, #tpu.memory_space<hbm>>
        %dma_wait3A_111 = tpu.memref_squeeze %dma_wait3A_110 : memref<1x136x128xf32, #tpu.memory_space<hbm>> -> memref<136x128xf32, #tpu.memory_space<hbm>>
        %dma_wait3A_112 = arith.constant 0 : i32
        %dma_wait3A_113 = arith.constant 0 : i32
        %dma_wait3A_114 = tpu.memref_slice %arg2[%dma_wait3A_107, %dma_wait3A_112, %dma_wait3A_113] : memref<2x10240x128xf32, #tpu.memory_space<hbm>> -> memref<1x136x128xf32, #tpu.memory_space<hbm>>
        %dma_wait3A_115 = tpu.memref_squeeze %dma_wait3A_114 : memref<1x136x128xf32, #tpu.memory_space<hbm>> -> memref<136x128xf32, #tpu.memory_space<hbm>>
        tpu.wait_dma2 semaphore(%arg12 : memref<!tpu.dma_semaphore, #tpu.memory_space<semaphore_mem>>) src(%dma_wait3A_115 : memref<136x128xf32, #tpu.memory_space<hbm>>) dst(%arg7 : memref<136x128xf32, #tpu.memory_space<vmem>>)
        %add3A_116 = arith.constant 2 : i32
        %add3A_117 = arith.addi %add3A_79, %add3A_116 : i32
        %mul3A_118 = arith.constant 136 : i32
        %mul3A_119 = arith.muli %add3A_117, %mul3A_118 : i32
        %multiple_of3A_120 = tpu.assume_multiple %mul3A_119, 8 : i32
        %dma_start3A_121 = tpu.memref_slice %arg5[%multiple_of3A_120] : memref<10000xi32, #tpu.memory_space<vmem>> -> memref<136xi32, #tpu.memory_space<vmem>>
        %dma_start3A_122 = arith.constant 0 : i32
        %dma_start3A_123 = arith.constant 0 : i32
        %dma_start3A_124 = tpu.memref_slice %arg8[%dma_start3A_122, %dma_start3A_123] : memref<10240x128xf32, #tpu.memory_space<vmem_shared>> -> memref<10240x128xf32, #tpu.memory_space<vmem_shared>>
        tpu.enqueue_indirect_dma source(%dma_start3A_124 : memref<10240x128xf32, #tpu.memory_space<vmem_shared>>) target(%arg7 : memref<136x128xf32, #tpu.memory_space<vmem>>) offsets(%dma_start3A_121 : memref<136xi32, #tpu.memory_space<vmem>>) semaphore(%arg10 : memref<!tpu.dma_semaphore, #tpu.memory_space<semaphore_mem>>)
      } else {
      }
      %scan3A_106 = arith.constant 0 : i32
      scf.yield %scan3A_106 : i32
    }
    %scan3A_24 = arith.constant 36 : i32
    %dma_wait3A = arith.constant 0 : i32
    %dma_wait3A_25 = arith.constant 0 : i32
    %dma_wait3A_26 = arith.constant 0 : i32
    %dma_wait3A_27 = tpu.memref_slice %arg2[%dma_wait3A, %dma_wait3A_25, %dma_wait3A_26] : memref<2x10240x128xf32, #tpu.memory_space<hbm>> -> memref<1x136x128xf32, #tpu.memory_space<hbm>>
    %dma_wait3A_28 = tpu.memref_squeeze %dma_wait3A_27 : memref<1x136x128xf32, #tpu.memory_space<hbm>> -> memref<136x128xf32, #tpu.memory_space<hbm>>
    %dma_wait3A_29 = arith.constant 0 : i32
    %dma_wait3A_30 = arith.constant 0 : i32
    %dma_wait3A_31 = tpu.memref_slice %arg2[%dma_wait3A, %dma_wait3A_29, %dma_wait3A_30] : memref<2x10240x128xf32, #tpu.memory_space<hbm>> -> memref<1x136x128xf32, #tpu.memory_space<hbm>>
    %dma_wait3A_32 = tpu.memref_squeeze %dma_wait3A_31 : memref<1x136x128xf32, #tpu.memory_space<hbm>> -> memref<136x128xf32, #tpu.memory_space<hbm>>
    tpu.wait_dma2 semaphore(%arg9 : memref<!tpu.dma_semaphore, #tpu.memory_space<semaphore_mem>>) src(%dma_wait3A_32 : memref<136x128xf32, #tpu.memory_space<hbm>>) dst(%arg6 : memref<136x128xf32, #tpu.memory_space<vmem>>)
    %add3A = arith.constant 9792 : i32
    %add3A_33 = arith.addi %multiple_of3A, %add3A : i32
    %multiple_of3A_34 = tpu.assume_multiple %add3A_33, 8 : i32
    "tpu.region"() ({
      %run_scoped3A_47 = tpu.sem_alloc : memref<!tpu.dma_semaphore, #tpu.memory_space<semaphore_mem>>
      %dma_start3A_48 = arith.constant 0 : i32
      %dma_start3A_49 = tpu.memref_slice %arg4[%arg0, %multiple_of3A_34, %dma_start3A_48] : memref<2x160000x128xf32, #tpu.memory_space<hbm>> -> memref<1x136x128xf32, #tpu.memory_space<hbm>>
      %dma_start3A_50 = tpu.memref_squeeze %dma_start3A_49 : memref<1x136x128xf32, #tpu.memory_space<hbm>> -> memref<136x128xf32, #tpu.memory_space<hbm>>
      %dma_start3A_51 = arith.constant 0 : i32
      %dma_start3A_52 = tpu.memref_slice %arg4[%arg0, %multiple_of3A_34, %dma_start3A_51] : memref<2x160000x128xf32, #tpu.memory_space<hbm>> -> memref<1x136x128xf32, #tpu.memory_space<hbm>>
      %dma_start3A_53 = tpu.memref_squeeze %dma_start3A_52 : memref<1x136x128xf32, #tpu.memory_space<hbm>> -> memref<136x128xf32, #tpu.memory_space<hbm>>
      tpu.enqueue_dma source(%arg6 : memref<136x128xf32, #tpu.memory_space<vmem>>) target(%dma_start3A_53 : memref<136x128xf32, #tpu.memory_space<hbm>>) target_semaphore(%run_scoped3A_47 : memref<!tpu.dma_semaphore, #tpu.memory_space<semaphore_mem>>)
      %dma_wait3A_54 = arith.constant 0 : i32
      %dma_wait3A_55 = tpu.memref_slice %arg4[%arg0, %multiple_of3A_34, %dma_wait3A_54] : memref<2x160000x128xf32, #tpu.memory_space<hbm>> -> memref<1x136x128xf32, #tpu.memory_space<hbm>>
      %dma_wait3A_56 = tpu.memref_squeeze %dma_wait3A_55 : memref<1x136x128xf32, #tpu.memory_space<hbm>> -> memref<136x128xf32, #tpu.memory_space<hbm>>
      %dma_wait3A_57 = arith.constant 0 : i32
      %dma_wait3A_58 = tpu.memref_slice %arg4[%arg0, %multiple_of3A_34, %dma_wait3A_57] : memref<2x160000x128xf32, #tpu.memory_space<hbm>> -> memref<1x136x128xf32, #tpu.memory_space<hbm>>
      %dma_wait3A_59 = tpu.memref_squeeze %dma_wait3A_58 : memref<1x136x128xf32, #tpu.memory_space<hbm>> -> memref<136x128xf32, #tpu.memory_space<hbm>>
      tpu.wait_dma2 semaphore(%run_scoped3A_47 : memref<!tpu.dma_semaphore, #tpu.memory_space<semaphore_mem>>) src(%arg6 : memref<136x128xf32, #tpu.memory_space<vmem>>) dst(%dma_wait3A_59 : memref<136x128xf32, #tpu.memory_space<hbm>>)
      tpu.yield
    }) : () -> ()
    %dma_wait3A_35 = arith.constant 0 : i32
    %dma_wait3A_36 = arith.constant 0 : i32
    %dma_wait3A_37 = arith.constant 0 : i32
    %dma_wait3A_38 = tpu.memref_slice %arg2[%dma_wait3A_35, %dma_wait3A_36, %dma_wait3A_37] : memref<2x10240x128xf32, #tpu.memory_space<hbm>> -> memref<1x136x128xf32, #tpu.memory_space<hbm>>
    %dma_wait3A_39 = tpu.memref_squeeze %dma_wait3A_38 : memref<1x136x128xf32, #tpu.memory_space<hbm>> -> memref<136x128xf32, #tpu.memory_space<hbm>>
    %dma_wait3A_40 = arith.constant 0 : i32
    %dma_wait3A_41 = arith.constant 0 : i32
    %dma_wait3A_42 = tpu.memref_slice %arg2[%dma_wait3A_35, %dma_wait3A_40, %dma_wait3A_41] : memref<2x10240x128xf32, #tpu.memory_space<hbm>> -> memref<1x136x128xf32, #tpu.memory_space<hbm>>
    %dma_wait3A_43 = tpu.memref_squeeze %dma_wait3A_42 : memref<1x136x128xf32, #tpu.memory_space<hbm>> -> memref<136x128xf32, #tpu.memory_space<hbm>>
    tpu.wait_dma2 semaphore(%arg12 : memref<!tpu.dma_semaphore, #tpu.memory_space<semaphore_mem>>) src(%dma_wait3A_43 : memref<136x128xf32, #tpu.memory_space<hbm>>) dst(%arg7 : memref<136x128xf32, #tpu.memory_space<vmem>>)
    %multiple_of3A_44 = arith.constant 9928 : i32
    %multiple_of3A_45 = tpu.assume_multiple %multiple_of3A_44, 8 : i32
    "tpu.region"() ({
      %run_scoped3A_47 = tpu.sem_alloc : memref<!tpu.dma_semaphore, #tpu.memory_space<semaphore_mem>>
      %dma_start3A_48 = arith.constant 0 : i32
      %dma_start3A_49 = arith.constant 0 : i32
      %dma_start3A_50 = tpu.memref_slice %arg6[%dma_start3A_48, %dma_start3A_49] : memref<136x128xf32, #tpu.memory_space<vmem>> -> memref<72x128xf32, #tpu.memory_space<vmem>>
      %dma_start3A_51 = tpu.memref_slice %arg5[%multiple_of3A_45] : memref<10000xi32, #tpu.memory_space<vmem>> -> memref<72xi32, #tpu.memory_space<vmem>>
      %dma_start3A_52 = arith.constant 0 : i32
      %dma_start3A_53 = arith.constant 0 : i32
      %dma_start3A_54 = tpu.memref_slice %arg8[%dma_start3A_52, %dma_start3A_53] : memref<10240x128xf32, #tpu.memory_space<vmem_shared>> -> memref<10240x128xf32, #tpu.memory_space<vmem_shared>>
      tpu.enqueue_indirect_dma source(%dma_start3A_54 : memref<10240x128xf32, #tpu.memory_space<vmem_shared>>) target(%dma_start3A_50 : memref<72x128xf32, #tpu.memory_space<vmem>>) offsets(%dma_start3A_51 : memref<72xi32, #tpu.memory_space<vmem>>) semaphore(%run_scoped3A_47 : memref<!tpu.dma_semaphore, #tpu.memory_space<semaphore_mem>>)
      %dma_wait3A_55 = arith.constant 0 : i32
      %dma_wait3A_56 = arith.constant 0 : i32
      %dma_wait3A_57 = tpu.memref_slice %arg6[%dma_wait3A_55, %dma_wait3A_56] : memref<136x128xf32, #tpu.memory_space<vmem>> -> memref<72x128xf32, #tpu.memory_space<vmem>>
      %dma_wait3A_58 = tpu.memref_slice %arg5[%multiple_of3A_45] : memref<10000xi32, #tpu.memory_space<vmem>> -> memref<72xi32, #tpu.memory_space<vmem>>
      %dma_wait3A_59 = arith.constant 0 : i32
      %dma_wait3A_60 = arith.constant 0 : i32
      %dma_wait3A_61 = tpu.memref_slice %arg8[%dma_wait3A_59, %dma_wait3A_60] : memref<10240x128xf32, #tpu.memory_space<vmem_shared>> -> memref<10240x128xf32, #tpu.memory_space<vmem_shared>>
      tpu.wait_indirect_dma semaphore(%run_scoped3A_47 : memref<!tpu.dma_semaphore, #tpu.memory_space<semaphore_mem>>) src(%dma_wait3A_61 : memref<10240x128xf32, #tpu.memory_space<vmem_shared>>) dst(%dma_wait3A_57 : memref<72x128xf32, #tpu.memory_space<vmem>>)
      tpu.yield
    }) : () -> ()
    %add3A_46 = arith.addi %multiple_of3A, %multiple_of3A_45 : i32
    "tpu.region"() ({
      %run_scoped3A_47 = tpu.sem_alloc : memref<!tpu.dma_semaphore, #tpu.memory_space<semaphore_mem>>
      %dma_start3A_48 = arith.constant 0 : i32
      %dma_start3A_49 = arith.constant 0 : i32
      %dma_start3A_50 = tpu.memref_slice %arg6[%dma_start3A_48, %dma_start3A_49] : memref<136x128xf32, #tpu.memory_space<vmem>> -> memref<72x128xf32, #tpu.memory_space<vmem>>
      %dma_start3A_51 = arith.constant 0 : i32
      %dma_start3A_52 = tpu.memref_slice %arg4[%arg0, %add3A_46, %dma_start3A_51] : memref<2x160000x128xf32, #tpu.memory_space<hbm>> -> memref<1x72x128xf32, #tpu.memory_space<hbm>>
      %dma_start3A_53 = tpu.memref_squeeze %dma_start3A_52 : memref<1x72x128xf32, #tpu.memory_space<hbm>> -> memref<72x128xf32, #tpu.memory_space<hbm>>
      %dma_start3A_54 = arith.constant 0 : i32
      %dma_start3A_55 = tpu.memref_slice %arg4[%arg0, %add3A_46, %dma_start3A_54] : memref<2x160000x128xf32, #tpu.memory_space<hbm>> -> memref<1x72x128xf32, #tpu.memory_space<hbm>>
      %dma_start3A_56 = tpu.memref_squeeze %dma_start3A_55 : memref<1x72x128xf32, #tpu.memory_space<hbm>> -> memref<72x128xf32, #tpu.memory_space<hbm>>
      %dma_start3A_57 = arith.constant 0 : i32
      %dma_start3A_58 = arith.constant 0 : i32
      %dma_start3A_59 = tpu.memref_slice %arg6[%dma_start3A_57, %dma_start3A_58] : memref<136x128xf32, #tpu.memory_space<vmem>> -> memref<72x128xf32, #tpu.memory_space<vmem>>
      tpu.enqueue_dma source(%dma_start3A_59 : memref<72x128xf32, #tpu.memory_space<vmem>>) target(%dma_start3A_56 : memref<72x128xf32, #tpu.memory_space<hbm>>) target_semaphore(%run_scoped3A_47 : memref<!tpu.dma_semaphore, #tpu.memory_space<semaphore_mem>>)
      %dma_wait3A_60 = arith.constant 0 : i32
      %dma_wait3A_61 = arith.constant 0 : i32
      %dma_wait3A_62 = tpu.memref_slice %arg6[%dma_wait3A_60, %dma_wait3A_61] : memref<136x128xf32, #tpu.memory_space<vmem>> -> memref<72x128xf32, #tpu.memory_space<vmem>>
      %dma_wait3A_63 = arith.constant 0 : i32
      %dma_wait3A_64 = tpu.memref_slice %arg4[%arg0, %add3A_46, %dma_wait3A_63] : memref<2x160000x128xf32, #tpu.memory_space<hbm>> -> memref<1x72x128xf32, #tpu.memory_space<hbm>>
      %dma_wait3A_65 = tpu.memref_squeeze %dma_wait3A_64 : memref<1x72x128xf32, #tpu.memory_space<hbm>> -> memref<72x128xf32, #tpu.memory_space<hbm>>
      %dma_wait3A_66 = arith.constant 0 : i32
      %dma_wait3A_67 = tpu.memref_slice %arg4[%arg0, %add3A_46, %dma_wait3A_66] : memref<2x160000x128xf32, #tpu.memory_space<hbm>> -> memref<1x72x128xf32, #tpu.memory_space<hbm>>
      %dma_wait3A_68 = tpu.memref_squeeze %dma_wait3A_67 : memref<1x72x128xf32, #tpu.memory_space<hbm>> -> memref<72x128xf32, #tpu.memory_space<hbm>>
      %dma_wait3A_69 = arith.constant 0 : i32
      %dma_wait3A_70 = arith.constant 0 : i32
      %dma_wait3A_71 = tpu.memref_slice %arg6[%dma_wait3A_69, %dma_wait3A_70] : memref<136x128xf32, #tpu.memory_space<vmem>> -> memref<72x128xf32, #tpu.memory_space<vmem>>
      tpu.wait_dma2 semaphore(%run_scoped3A_47 : memref<!tpu.dma_semaphore, #tpu.memory_space<semaphore_mem>>) src(%dma_wait3A_71 : memref<72x128xf32, #tpu.memory_space<vmem>>) dst(%dma_wait3A_68 : memref<72x128xf32, #tpu.memory_space<hbm>>)
      tpu.yield
    }) : () -> ()
    return
  }
}

#map = affine_map<(d0, d1) -> (0, 0, 0)>
#map1 = affine_map<(d0, d1) -> (0, 0, 0, 0)>
module attributes {stable_mosaic.version = 14 : i64} {
  func.func @k(%arg0: i32, %arg1: i32, %arg2: memref<2x10240x128xf32, #tpu.memory_space<hbm>>, %arg3: memref<2x16x1x10000xi32, #tpu.memory_space<hbm>>, %arg4: memref<2x160000x128xf32, #tpu.memory_space<hbm>>, %arg5: memref<10000xi32, #tpu.memory_space<vmem>>, %arg6: memref<136x128xf32, #tpu.memory_space<vmem>>, %arg7: memref<136x128xf32, #tpu.memory_space<vmem>>, %arg8: memref<10240x128xf32, #tpu.memory_space<vmem_shared>>, %arg9: memref<!tpu.dma_semaphore, #tpu.memory_space<semaphore_mem>>, %arg10: memref<!tpu.dma_semaphore, #tpu.memory_space<semaphore_mem>>, %arg11: memref<!tpu.dma_semaphore, #tpu.memory_space<semaphore_mem>>, %arg12: memref<!tpu.dma_semaphore, #tpu.memory_space<semaphore_mem>>) attributes {dimension_semantics = [#tpu.dimension_semantics<core_parallel>, #tpu.dimension_semantics<subcore_parallel>], iteration_bounds = array<i64: 2, 16>, scalar_prefetch = 0 : i64, scratch_operands = 8 : i64, tpu.core_type = #tpu.core_type<sc_vector_subcore>, window_params = [{transform_indices = #map}, {transform_indices = #map1}, {transform_indices = #map}]} {
    %mul3A = arith.constant 10000 : i32
    %mul3A_0 = arith.muli %arg1, %mul3A : i32
    %multiple_of3A = tpu.assume_multiple %mul3A_0, 8 : i32
    %mul3A_1 = arith.constant 640 : i32
    %mul3A_2 = arith.muli %arg1, %mul3A_1 : i32
    %multiple_of3A_3 = tpu.assume_multiple %mul3A_2, 8 : i32
    "tpu.region"() ({
      %run_scoped3A_47 = tpu.sem_alloc : memref<!tpu.dma_semaphore, #tpu.memory_space<semaphore_mem>>
      %dma_start3A_48 = arith.constant 0 : i32
      %dma_start3A_49 = tpu.memref_slice %arg8[%multiple_of3A_3, %dma_start3A_48] : memref<10240x128xf32, #tpu.memory_space<vmem_shared>> -> memref<640x128xf32, #tpu.memory_space<vmem_shared>>
      %dma_start3A_50 = arith.constant 0 : i32
      %dma_start3A_51 = tpu.memref_slice %arg2[%arg0, %multiple_of3A_3, %dma_start3A_50] : memref<2x10240x128xf32, #tpu.memory_space<hbm>> -> memref<1x640x128xf32, #tpu.memory_space<hbm>>
      %dma_start3A_52 = tpu.memref_squeeze %dma_start3A_51 : memref<1x640x128xf32, #tpu.memory_space<hbm>> -> memref<640x128xf32, #tpu.memory_space<hbm>>
      tpu.enqueue_dma source(%dma_start3A_52 : memref<640x128xf32, #tpu.memory_space<hbm>>) target(%dma_start3A_49 : memref<640x128xf32, #tpu.memory_space<vmem_shared>>) target_semaphore(%run_scoped3A_47 : memref<!tpu.dma_semaphore, #tpu.memory_space<semaphore_mem>>)
      %dma_wait3A_53 = arith.constant 0 : i32
      %dma_wait3A_54 = tpu.memref_slice %arg8[%multiple_of3A_3, %dma_wait3A_53] : memref<10240x128xf32, #tpu.memory_space<vmem_shared>> -> memref<640x128xf32, #tpu.memory_space<vmem_shared>>
      %dma_wait3A_55 = arith.constant 0 : i32
      %dma_wait3A_56 = tpu.memref_slice %arg2[%arg0, %multiple_of3A_3, %dma_wait3A_55] : memref<2x10240x128xf32, #tpu.memory_space<hbm>> -> memref<1x640x128xf32, #tpu.memory_space<hbm>>
      %dma_wait3A_57 = tpu.memref_squeeze %dma_wait3A_56 : memref<1x640x128xf32, #tpu.memory_space<hbm>> -> memref<640x128xf32, #tpu.memory_space<hbm>>
      tpu.wait_dma2 semaphore(%run_scoped3A_47 : memref<!tpu.dma_semaphore, #tpu.memory_space<semaphore_mem>>) src(%dma_wait3A_57 : memref<640x128xf32, #tpu.memory_space<hbm>>) dst(%dma_wait3A_54 : memref<640x128xf32, #tpu.memory_space<vmem_shared>>)
      tpu.yield
    }) : () -> ()
    %run_scoped3A = arith.constant 0 : i32
    "tpu.region"() ({
      %run_scoped3A_47 = tpu.sem_alloc : memref<!tpu.dma_semaphore, #tpu.memory_space<semaphore_mem>>
      %dma_start3A_48 = arith.constant 0 : i32
      %dma_start3A_49 = tpu.memref_slice %arg3[%arg0, %arg1, %run_scoped3A, %dma_start3A_48] : memref<2x16x1x10000xi32, #tpu.memory_space<hbm>> -> memref<1x1x1x10000xi32, #tpu.memory_space<hbm>>
      %dma_start3A_50 = tpu.memref_squeeze %dma_start3A_49 : memref<1x1x1x10000xi32, #tpu.memory_space<hbm>> -> memref<10000xi32, #tpu.memory_space<hbm>>
      %dma_start3A_51 = arith.constant 0 : i32
      %dma_start3A_52 = tpu.memref_slice %arg3[%arg0, %arg1, %run_scoped3A, %dma_start3A_51] : memref<2x16x1x10000xi32, #tpu.memory_space<hbm>> -> memref<1x1x1x10000xi32, #tpu.memory_space<hbm>>
      %dma_start3A_53 = tpu.memref_squeeze %dma_start3A_52 : memref<1x1x1x10000xi32, #tpu.memory_space<hbm>> -> memref<10000xi32, #tpu.memory_space<hbm>>
      tpu.enqueue_dma source(%dma_start3A_53 : memref<10000xi32, #tpu.memory_space<hbm>>) target(%arg5 : memref<10000xi32, #tpu.memory_space<vmem>>) target_semaphore(%run_scoped3A_47 : memref<!tpu.dma_semaphore, #tpu.memory_space<semaphore_mem>>)
      %dma_wait3A_54 = arith.constant 0 : i32
      %dma_wait3A_55 = tpu.memref_slice %arg3[%arg0, %arg1, %run_scoped3A, %dma_wait3A_54] : memref<2x16x1x10000xi32, #tpu.memory_space<hbm>> -> memref<1x1x1x10000xi32, #tpu.memory_space<hbm>>
      %dma_wait3A_56 = tpu.memref_squeeze %dma_wait3A_55 : memref<1x1x1x10000xi32, #tpu.memory_space<hbm>> -> memref<10000xi32, #tpu.memory_space<hbm>>
      %dma_wait3A_57 = arith.constant 0 : i32
      %dma_wait3A_58 = tpu.memref_slice %arg3[%arg0, %arg1, %run_scoped3A, %dma_wait3A_57] : memref<2x16x1x10000xi32, #tpu.memory_space<hbm>> -> memref<1x1x1x10000xi32, #tpu.memory_space<hbm>>
      %dma_wait3A_59 = tpu.memref_squeeze %dma_wait3A_58 : memref<1x1x1x10000xi32, #tpu.memory_space<hbm>> -> memref<10000xi32, #tpu.memory_space<hbm>>
      tpu.wait_dma2 semaphore(%run_scoped3A_47 : memref<!tpu.dma_semaphore, #tpu.memory_space<semaphore_mem>>) src(%dma_wait3A_59 : memref<10000xi32, #tpu.memory_space<hbm>>) dst(%arg5 : memref<10000xi32, #tpu.memory_space<vmem>>)
      tpu.yield
    }) : () -> ()
    %barrier3A = arith.constant 0 : index
    tpu.barrier barrier_id(%barrier3A)
    %mul3A_4 = arith.constant 0 : i32
    %mul3A_5 = arith.constant 136 : i32
    %mul3A_6 = arith.muli %mul3A_4, %mul3A_5 : i32
    %multiple_of3A_7 = tpu.assume_multiple %mul3A_6, 8 : i32
    %dma_start3A = tpu.memref_slice %arg5[%multiple_of3A_7] : memref<10000xi32, #tpu.memory_space<vmem>> -> memref<136xi32, #tpu.memory_space<vmem>>
    %dma_start3A_8 = arith.constant 0 : i32
    %dma_start3A_9 = arith.constant 0 : i32
    %dma_start3A_10 = tpu.memref_slice %arg8[%dma_start3A_8, %dma_start3A_9] : memref<10240x128xf32, #tpu.memory_space<vmem_shared>> -> memref<10240x128xf32, #tpu.memory_space<vmem_shared>>
    tpu.enqueue_indirect_dma source(%dma_start3A_10 : memref<10240x128xf32, #tpu.memory_space<vmem_shared>>) target(%arg6 : memref<136x128xf32, #tpu.memory_space<vmem>>) offsets(%dma_start3A : memref<136xi32, #tpu.memory_space<vmem>>) semaphore(%arg9 : memref<!tpu.dma_semaphore, #tpu.memory_space<semaphore_mem>>)
    %mul3A_11 = arith.constant 1 : i32
    %mul3A_12 = arith.constant 136 : i32
    %mul3A_13 = arith.muli %mul3A_11, %mul3A_12 : i32
    %multiple_of3A_14 = tpu.assume_multiple %mul3A_13, 8 : i32
    %dma_start3A_15 = tpu.memref_slice %arg5[%multiple_of3A_14] : memref<10000xi32, #tpu.memory_space<vmem>> -> memref<136xi32, #tpu.memory_space<vmem>>
    %dma_start3A_16 = arith.constant 0 : i32
    %dma_start3A_17 = arith.constant 0 : i32
    %dma_start3A_18 = tpu.memref_slice %arg8[%dma_start3A_16, %dma_start3A_17] : memref<10240x128xf32, #tpu.memory_space<vmem_shared>> -> memref<10240x128xf32, #tpu.memory_space<vmem_shared>>
    tpu.enqueue_indirect_dma source(%dma_start3A_18 : memref<10240x128xf32, #tpu.memory_space<vmem_shared>>) target(%arg7 : memref<136x128xf32, #tpu.memory_space<vmem>>) offsets(%dma_start3A_15 : memref<136xi32, #tpu.memory_space<vmem>>) semaphore(%arg10 : memref<!tpu.dma_semaphore, #tpu.memory_space<semaphore_mem>>)
    %scan3A = arith.constant 0 : i32
    %scan3A_19 = arith.constant 0 : i32
    %scan3A_20 = arith.constant 36 : i32
    %scan3A_21 = arith.addi %scan3A_19, %scan3A_20 : i32
    %scan3A_22 = arith.constant 1 : i32
    %scan3A_23 = scf.for %scan3A_47 = %scan3A_19 to %scan3A_21 step %scan3A_22 iter_args(%scan3A_48 = %scan3A) -> (i32)  : i32 {
      %mul3A_49 = arith.constant 2 : i32
      %mul3A_50 = arith.muli %mul3A_49, %scan3A_47 : i32
      %add3A_51 = arith.constant 0 : i32
      %add3A_52 = arith.addi %mul3A_50, %add3A_51 : i32
      %dma_wait3A_53 = arith.constant 0 : i32
      %dma_wait3A_54 = arith.constant 0 : i32
      %dma_wait3A_55 = arith.constant 0 : i32
      %dma_wait3A_56 = tpu.memref_slice %arg2[%dma_wait3A_53, %dma_wait3A_54, %dma_wait3A_55] : memref<2x10240x128xf32, #tpu.memory_space<hbm>> -> memref<1x136x128xf32, #tpu.memory_space<hbm>>
      %dma_wait3A_57 = tpu.memref_squeeze %dma_wait3A_56 : memref<1x136x128xf32, #tpu.memory_space<hbm>> -> memref<136x128xf32, #tpu.memory_space<hbm>>
      %dma_wait3A_58 = arith.constant 0 : i32
      %dma_wait3A_59 = arith.constant 0 : i32
      %dma_wait3A_60 = tpu.memref_slice %arg2[%dma_wait3A_53, %dma_wait3A_58, %dma_wait3A_59] : memref<2x10240x128xf32, #tpu.memory_space<hbm>> -> memref<1x136x128xf32, #tpu.memory_space<hbm>>
      %dma_wait3A_61 = tpu.memref_squeeze %dma_wait3A_60 : memref<1x136x128xf32, #tpu.memory_space<hbm>> -> memref<136x128xf32, #tpu.memory_space<hbm>>
      tpu.wait_dma2 semaphore(%arg9 : memref<!tpu.dma_semaphore, #tpu.memory_space<semaphore_mem>>) src(%dma_wait3A_61 : memref<136x128xf32, #tpu.memory_space<hbm>>) dst(%arg6 : memref<136x128xf32, #tpu.memory_space<vmem>>)
      %mul3A_62 = arith.constant 136 : i32
      %mul3A_63 = arith.muli %add3A_52, %mul3A_62 : i32
      %add3A_64 = arith.addi %multiple_of3A, %mul3A_63 : i32
      %multiple_of3A_65 = tpu.assume_multiple %add3A_64, 8 : i32
      %dma_start3A_66 = arith.constant 0 : i32
      %dma_start3A_67 = tpu.memref_slice %arg4[%arg0, %multiple_of3A_65, %dma_start3A_66] : memref<2x160000x128xf32, #tpu.memory_space<hbm>> -> memref<1x136x128xf32, #tpu.memory_space<hbm>>
      %dma_start3A_68 = tpu.memref_squeeze %dma_start3A_67 : memref<1x136x128xf32, #tpu.memory_space<hbm>> -> memref<136x128xf32, #tpu.memory_space<hbm>>
      %dma_start3A_69 = arith.constant 0 : i32
      %dma_start3A_70 = tpu.memref_slice %arg4[%arg0, %multiple_of3A_65, %dma_start3A_69] : memref<2x160000x128xf32, #tpu.memory_space<hbm>> -> memref<1x136x128xf32, #tpu.memory_space<hbm>>
      %dma_start3A_71 = tpu.memref_squeeze %dma_start3A_70 : memref<1x136x128xf32, #tpu.memory_space<hbm>> -> memref<136x128xf32, #tpu.memory_space<hbm>>
      tpu.enqueue_dma source(%arg6 : memref<136x128xf32, #tpu.memory_space<vmem>>) target(%dma_start3A_71 : memref<136x128xf32, #tpu.memory_space<hbm>>) target_semaphore(%arg11 : memref<!tpu.dma_semaphore, #tpu.memory_space<semaphore_mem>>)
      %add3A_72 = arith.constant 2 : i32
      %add3A_73 = arith.addi %add3A_52, %add3A_72 : i32
      %lt3A = arith.constant 73 : i32
      %lt3A_74 = arith.cmpi slt, %add3A_73, %lt3A : i32
      %convert_element_type3A = arith.extui %lt3A_74 : i1 to i32
      %cond3A = arith.constant 0 : i32
      %cond3A_75 = arith.cmpi ne, %convert_element_type3A, %cond3A : i32
      scf.if %cond3A_75 {
        %dma_wait3A_107 = arith.constant 0 : i32
        %dma_wait3A_108 = arith.constant 0 : i32
        %dma_wait3A_109 = arith.constant 0 : i32
        %dma_wait3A_110 = tpu.memref_slice %arg2[%dma_wait3A_107, %dma_wait3A_108, %dma_wait3A_109] : memref<2x10240x128xf32, #tpu.memory_space<hbm>> -> memref<1x136x128xf32, #tpu.memory_space<hbm>>
        %dma_wait3A_111 = tpu.memref_squeeze %dma_wait3A_110 : memref<1x136x128xf32, #tpu.memory_space<hbm>> -> memref<136x128xf32, #tpu.memory_space<hbm>>
        %dma_wait3A_112 = arith.constant 0 : i32
        %dma_wait3A_113 = arith.constant 0 : i32
        %dma_wait3A_114 = tpu.memref_slice %arg2[%dma_wait3A_107, %dma_wait3A_112, %dma_wait3A_113] : memref<2x10240x128xf32, #tpu.memory_space<hbm>> -> memref<1x136x128xf32, #tpu.memory_space<hbm>>
        %dma_wait3A_115 = tpu.memref_squeeze %dma_wait3A_114 : memref<1x136x128xf32, #tpu.memory_space<hbm>> -> memref<136x128xf32, #tpu.memory_space<hbm>>
        tpu.wait_dma2 semaphore(%arg11 : memref<!tpu.dma_semaphore, #tpu.memory_space<semaphore_mem>>) src(%dma_wait3A_115 : memref<136x128xf32, #tpu.memory_space<hbm>>) dst(%arg6 : memref<136x128xf32, #tpu.memory_space<vmem>>)
        %add3A_116 = arith.constant 2 : i32
        %add3A_117 = arith.addi %add3A_52, %add3A_116 : i32
        %mul3A_118 = arith.constant 136 : i32
        %mul3A_119 = arith.muli %add3A_117, %mul3A_118 : i32
        %multiple_of3A_120 = tpu.assume_multiple %mul3A_119, 8 : i32
        %dma_start3A_121 = tpu.memref_slice %arg5[%multiple_of3A_120] : memref<10000xi32, #tpu.memory_space<vmem>> -> memref<136xi32, #tpu.memory_space<vmem>>
        %dma_start3A_122 = arith.constant 0 : i32
        %dma_start3A_123 = arith.constant 0 : i32
        %dma_start3A_124 = tpu.memref_slice %arg8[%dma_start3A_122, %dma_start3A_123] : memref<10240x128xf32, #tpu.memory_space<vmem_shared>> -> memref<10240x128xf32, #tpu.memory_space<vmem_shared>>
        tpu.enqueue_indirect_dma source(%dma_start3A_124 : memref<10240x128xf32, #tpu.memory_space<vmem_shared>>) target(%arg6 : memref<136x128xf32, #tpu.memory_space<vmem>>) offsets(%dma_start3A_121 : memref<136xi32, #tpu.memory_space<vmem>>) semaphore(%arg9 : memref<!tpu.dma_semaphore, #tpu.memory_space<semaphore_mem>>)
      } else {
      }
      %mul3A_76 = arith.constant 2 : i32
      %mul3A_77 = arith.muli %mul3A_76, %scan3A_47 : i32
      %add3A_78 = arith.constant 1 : i32
      %add3A_79 = arith.addi %mul3A_77, %add3A_78 : i32
      %dma_wait3A_80 = arith.constant 0 : i32
      %dma_wait3A_81 = arith.constant 0 : i32
      %dma_wait3A_82 = arith.constant 0 : i32
      %dma_wait3A_83 = tpu.memref_slice %arg2[%dma_wait3A_80, %dma_wait3A_81, %dma_wait3A_82] : memref<2x10240x128xf32, #tpu.memory_space<hbm>> -> memref<1x136x128xf32, #tpu.memory_space<hbm>>
      %dma_wait3A_84 = tpu.memref_squeeze %dma_wait3A_83 : memref<1x136x128xf32, #tpu.memory_space<hbm>> -> memref<136x128xf32, #tpu.memory_space<hbm>>
      %dma_wait3A_85 = arith.constant 0 : i32
      %dma_wait3A_86 = arith.constant 0 : i32
      %dma_wait3A_87 = tpu.memref_slice %arg2[%dma_wait3A_80, %dma_wait3A_85, %dma_wait3A_86] : memref<2x10240x128xf32, #tpu.memory_space<hbm>> -> memref<1x136x128xf32, #tpu.memory_space<hbm>>
      %dma_wait3A_88 = tpu.memref_squeeze %dma_wait3A_87 : memref<1x136x128xf32, #tpu.memory_space<hbm>> -> memref<136x128xf32, #tpu.memory_space<hbm>>
      tpu.wait_dma2 semaphore(%arg10 : memref<!tpu.dma_semaphore, #tpu.memory_space<semaphore_mem>>) src(%dma_wait3A_88 : memref<136x128xf32, #tpu.memory_space<hbm>>) dst(%arg7 : memref<136x128xf32, #tpu.memory_space<vmem>>)
      %mul3A_89 = arith.constant 136 : i32
      %mul3A_90 = arith.muli %add3A_79, %mul3A_89 : i32
      %add3A_91 = arith.addi %multiple_of3A, %mul3A_90 : i32
      %multiple_of3A_92 = tpu.assume_multiple %add3A_91, 8 : i32
      %dma_start3A_93 = arith.constant 0 : i32
      %dma_start3A_94 = tpu.memref_slice %arg4[%arg0, %multiple_of3A_92, %dma_start3A_93] : memref<2x160000x128xf32, #tpu.memory_space<hbm>> -> memref<1x136x128xf32, #tpu.memory_space<hbm>>
      %dma_start3A_95 = tpu.memref_squeeze %dma_start3A_94 : memref<1x136x128xf32, #tpu.memory_space<hbm>> -> memref<136x128xf32, #tpu.memory_space<hbm>>
      %dma_start3A_96 = arith.constant 0 : i32
      %dma_start3A_97 = tpu.memref_slice %arg4[%arg0, %multiple_of3A_92, %dma_start3A_96] : memref<2x160000x128xf32, #tpu.memory_space<hbm>> -> memref<1x136x128xf32, #tpu.memory_space<hbm>>
      %dma_start3A_98 = tpu.memref_squeeze %dma_start3A_97 : memref<1x136x128xf32, #tpu.memory_space<hbm>> -> memref<136x128xf32, #tpu.memory_space<hbm>>
      tpu.enqueue_dma source(%arg7 : memref<136x128xf32, #tpu.memory_space<vmem>>) target(%dma_start3A_98 : memref<136x128xf32, #tpu.memory_space<hbm>>) target_semaphore(%arg12 : memref<!tpu.dma_semaphore, #tpu.memory_space<semaphore_mem>>)
      %add3A_99 = arith.constant 2 : i32
      %add3A_100 = arith.addi %add3A_79, %add3A_99 : i32
      %lt3A_101 = arith.constant 73 : i32
      %lt3A_102 = arith.cmpi slt, %add3A_100, %lt3A_101 : i32
      %convert_element_type3A_103 = arith.extui %lt3A_102 : i1 to i32
      %cond3A_104 = arith.constant 0 : i32
      %cond3A_105 = arith.cmpi ne, %convert_element_type3A_103, %cond3A_104 : i32
      scf.if %cond3A_105 {
        %dma_wait3A_107 = arith.constant 0 : i32
        %dma_wait3A_108 = arith.constant 0 : i32
        %dma_wait3A_109 = arith.constant 0 : i32
        %dma_wait3A_110 = tpu.memref_slice %arg2[%dma_wait3A_107, %dma_wait3A_108, %dma_wait3A_109] : memref<2x10240x128xf32, #tpu.memory_space<hbm>> -> memref<1x136x128xf32, #tpu.memory_space<hbm>>
        %dma_wait3A_111 = tpu.memref_squeeze %dma_wait3A_110 : memref<1x136x128xf32, #tpu.memory_space<hbm>> -> memref<136x128xf32, #tpu.memory_space<hbm>>
        %dma_wait3A_112 = arith.constant 0 : i32
        %dma_wait3A_113 = arith.constant 0 : i32
        %dma_wait3A_114 = tpu.memref_slice %arg2[%dma_wait3A_107, %dma_wait3A_112, %dma_wait3A_113] : memref<2x10240x128xf32, #tpu.memory_space<hbm>> -> memref<1x136x128xf32, #tpu.memory_space<hbm>>
        %dma_wait3A_115 = tpu.memref_squeeze %dma_wait3A_114 : memref<1x136x128xf32, #tpu.memory_space<hbm>> -> memref<136x128xf32, #tpu.memory_space<hbm>>
        tpu.wait_dma2 semaphore(%arg12 : memref<!tpu.dma_semaphore, #tpu.memory_space<semaphore_mem>>) src(%dma_wait3A_115 : memref<136x128xf32, #tpu.memory_space<hbm>>) dst(%arg7 : memref<136x128xf32, #tpu.memory_space<vmem>>)
        %add3A_116 = arith.constant 2 : i32
        %add3A_117 = arith.addi %add3A_79, %add3A_116 : i32
        %mul3A_118 = arith.constant 136 : i32
        %mul3A_119 = arith.muli %add3A_117, %mul3A_118 : i32
        %multiple_of3A_120 = tpu.assume_multiple %mul3A_119, 8 : i32
        %dma_start3A_121 = tpu.memref_slice %arg5[%multiple_of3A_120] : memref<10000xi32, #tpu.memory_space<vmem>> -> memref<136xi32, #tpu.memory_space<vmem>>
        %dma_start3A_122 = arith.constant 0 : i32
        %dma_start3A_123 = arith.constant 0 : i32
        %dma_start3A_124 = tpu.memref_slice %arg8[%dma_start3A_122, %dma_start3A_123] : memref<10240x128xf32, #tpu.memory_space<vmem_shared>> -> memref<10240x128xf32, #tpu.memory_space<vmem_shared>>
        tpu.enqueue_indirect_dma source(%dma_start3A_124 : memref<10240x128xf32, #tpu.memory_space<vmem_shared>>) target(%arg7 : memref<136x128xf32, #tpu.memory_space<vmem>>) offsets(%dma_start3A_121 : memref<136xi32, #tpu.memory_space<vmem>>) semaphore(%arg10 : memref<!tpu.dma_semaphore, #tpu.memory_space<semaphore_mem>>)
      } else {
      }
      %scan3A_106 = arith.constant 0 : i32
      scf.yield %scan3A_106 : i32
    }
    %scan3A_24 = arith.constant 36 : i32
    %dma_wait3A = arith.constant 0 : i32
    %dma_wait3A_25 = arith.constant 0 : i32
    %dma_wait3A_26 = arith.constant 0 : i32
    %dma_wait3A_27 = tpu.memref_slice %arg2[%dma_wait3A, %dma_wait3A_25, %dma_wait3A_26] : memref<2x10240x128xf32, #tpu.memory_space<hbm>> -> memref<1x136x128xf32, #tpu.memory_space<hbm>>
    %dma_wait3A_28 = tpu.memref_squeeze %dma_wait3A_27 : memref<1x136x128xf32, #tpu.memory_space<hbm>> -> memref<136x128xf32, #tpu.memory_space<hbm>>
    %dma_wait3A_29 = arith.constant 0 : i32
    %dma_wait3A_30 = arith.constant 0 : i32
    %dma_wait3A_31 = tpu.memref_slice %arg2[%dma_wait3A, %dma_wait3A_29, %dma_wait3A_30] : memref<2x10240x128xf32, #tpu.memory_space<hbm>> -> memref<1x136x128xf32, #tpu.memory_space<hbm>>
    %dma_wait3A_32 = tpu.memref_squeeze %dma_wait3A_31 : memref<1x136x128xf32, #tpu.memory_space<hbm>> -> memref<136x128xf32, #tpu.memory_space<hbm>>
    tpu.wait_dma2 semaphore(%arg9 : memref<!tpu.dma_semaphore, #tpu.memory_space<semaphore_mem>>) src(%dma_wait3A_32 : memref<136x128xf32, #tpu.memory_space<hbm>>) dst(%arg6 : memref<136x128xf32, #tpu.memory_space<vmem>>)
    %add3A = arith.constant 9792 : i32
    %add3A_33 = arith.addi %multiple_of3A, %add3A : i32
    %multiple_of3A_34 = tpu.assume_multiple %add3A_33, 8 : i32
    "tpu.region"() ({
      %run_scoped3A_47 = tpu.sem_alloc : memref<!tpu.dma_semaphore, #tpu.memory_space<semaphore_mem>>
      %dma_start3A_48 = arith.constant 0 : i32
      %dma_start3A_49 = tpu.memref_slice %arg4[%arg0, %multiple_of3A_34, %dma_start3A_48] : memref<2x160000x128xf32, #tpu.memory_space<hbm>> -> memref<1x136x128xf32, #tpu.memory_space<hbm>>
      %dma_start3A_50 = tpu.memref_squeeze %dma_start3A_49 : memref<1x136x128xf32, #tpu.memory_space<hbm>> -> memref<136x128xf32, #tpu.memory_space<hbm>>
      %dma_start3A_51 = arith.constant 0 : i32
      %dma_start3A_52 = tpu.memref_slice %arg4[%arg0, %multiple_of3A_34, %dma_start3A_51] : memref<2x160000x128xf32, #tpu.memory_space<hbm>> -> memref<1x136x128xf32, #tpu.memory_space<hbm>>
      %dma_start3A_53 = tpu.memref_squeeze %dma_start3A_52 : memref<1x136x128xf32, #tpu.memory_space<hbm>> -> memref<136x128xf32, #tpu.memory_space<hbm>>
      tpu.enqueue_dma source(%arg6 : memref<136x128xf32, #tpu.memory_space<vmem>>) target(%dma_start3A_53 : memref<136x128xf32, #tpu.memory_space<hbm>>) target_semaphore(%run_scoped3A_47 : memref<!tpu.dma_semaphore, #tpu.memory_space<semaphore_mem>>)
      %dma_wait3A_54 = arith.constant 0 : i32
      %dma_wait3A_55 = tpu.memref_slice %arg4[%arg0, %multiple_of3A_34, %dma_wait3A_54] : memref<2x160000x128xf32, #tpu.memory_space<hbm>> -> memref<1x136x128xf32, #tpu.memory_space<hbm>>
      %dma_wait3A_56 = tpu.memref_squeeze %dma_wait3A_55 : memref<1x136x128xf32, #tpu.memory_space<hbm>> -> memref<136x128xf32, #tpu.memory_space<hbm>>
      %dma_wait3A_57 = arith.constant 0 : i32
      %dma_wait3A_58 = tpu.memref_slice %arg4[%arg0, %multiple_of3A_34, %dma_wait3A_57] : memref<2x160000x128xf32, #tpu.memory_space<hbm>> -> memref<1x136x128xf32, #tpu.memory_space<hbm>>
      %dma_wait3A_59 = tpu.memref_squeeze %dma_wait3A_58 : memref<1x136x128xf32, #tpu.memory_space<hbm>> -> memref<136x128xf32, #tpu.memory_space<hbm>>
      tpu.wait_dma2 semaphore(%run_scoped3A_47 : memref<!tpu.dma_semaphore, #tpu.memory_space<semaphore_mem>>) src(%arg6 : memref<136x128xf32, #tpu.memory_space<vmem>>) dst(%dma_wait3A_59 : memref<136x128xf32, #tpu.memory_space<hbm>>)
      tpu.yield
    }) : () -> ()
    %dma_wait3A_35 = arith.constant 0 : i32
    %dma_wait3A_36 = arith.constant 0 : i32
    %dma_wait3A_37 = arith.constant 0 : i32
    %dma_wait3A_38 = tpu.memref_slice %arg2[%dma_wait3A_35, %dma_wait3A_36, %dma_wait3A_37] : memref<2x10240x128xf32, #tpu.memory_space<hbm>> -> memref<1x136x128xf32, #tpu.memory_space<hbm>>
    %dma_wait3A_39 = tpu.memref_squeeze %dma_wait3A_38 : memref<1x136x128xf32, #tpu.memory_space<hbm>> -> memref<136x128xf32, #tpu.memory_space<hbm>>
    %dma_wait3A_40 = arith.constant 0 : i32
    %dma_wait3A_41 = arith.constant 0 : i32
    %dma_wait3A_42 = tpu.memref_slice %arg2[%dma_wait3A_35, %dma_wait3A_40, %dma_wait3A_41] : memref<2x10240x128xf32, #tpu.memory_space<hbm>> -> memref<1x136x128xf32, #tpu.memory_space<hbm>>
    %dma_wait3A_43 = tpu.memref_squeeze %dma_wait3A_42 : memref<1x136x128xf32, #tpu.memory_space<hbm>> -> memref<136x128xf32, #tpu.memory_space<hbm>>
    tpu.wait_dma2 semaphore(%arg12 : memref<!tpu.dma_semaphore, #tpu.memory_space<semaphore_mem>>) src(%dma_wait3A_43 : memref<136x128xf32, #tpu.memory_space<hbm>>) dst(%arg7 : memref<136x128xf32, #tpu.memory_space<vmem>>)
    %multiple_of3A_44 = arith.constant 9928 : i32
    %multiple_of3A_45 = tpu.assume_multiple %multiple_of3A_44, 8 : i32
    "tpu.region"() ({
      %run_scoped3A_47 = tpu.sem_alloc : memref<!tpu.dma_semaphore, #tpu.memory_space<semaphore_mem>>
      %dma_start3A_48 = arith.constant 0 : i32
      %dma_start3A_49 = arith.constant 0 : i32
      %dma_start3A_50 = tpu.memref_slice %arg6[%dma_start3A_48, %dma_start3A_49] : memref<136x128xf32, #tpu.memory_space<vmem>> -> memref<72x128xf32, #tpu.memory_space<vmem>>
      %dma_start3A_51 = tpu.memref_slice %arg5[%multiple_of3A_45] : memref<10000xi32, #tpu.memory_space<vmem>> -> memref<72xi32, #tpu.memory_space<vmem>>
      %dma_start3A_52 = arith.constant 0 : i32
      %dma_start3A_53 = arith.constant 0 : i32
      %dma_start3A_54 = tpu.memref_slice %arg8[%dma_start3A_52, %dma_start3A_53] : memref<10240x128xf32, #tpu.memory_space<vmem_shared>> -> memref<10240x128xf32, #tpu.memory_space<vmem_shared>>
      tpu.enqueue_indirect_dma source(%dma_start3A_54 : memref<10240x128xf32, #tpu.memory_space<vmem_shared>>) target(%dma_start3A_50 : memref<72x128xf32, #tpu.memory_space<vmem>>) offsets(%dma_start3A_51 : memref<72xi32, #tpu.memory_space<vmem>>) semaphore(%run_scoped3A_47 : memref<!tpu.dma_semaphore, #tpu.memory_space<semaphore_mem>>)
      %dma_wait3A_55 = arith.constant 0 : i32
      %dma_wait3A_56 = arith.constant 0 : i32
      %dma_wait3A_57 = tpu.memref_slice %arg6[%dma_wait3A_55, %dma_wait3A_56] : memref<136x128xf32, #tpu.memory_space<vmem>> -> memref<72x128xf32, #tpu.memory_space<vmem>>
      %dma_wait3A_58 = tpu.memref_slice %arg5[%multiple_of3A_45] : memref<10000xi32, #tpu.memory_space<vmem>> -> memref<72xi32, #tpu.memory_space<vmem>>
      %dma_wait3A_59 = arith.constant 0 : i32
      %dma_wait3A_60 = arith.constant 0 : i32
      %dma_wait3A_61 = tpu.memref_slice %arg8[%dma_wait3A_59, %dma_wait3A_60] : memref<10240x128xf32, #tpu.memory_space<vmem_shared>> -> memref<10240x128xf32, #tpu.memory_space<vmem_shared>>
      tpu.wait_indirect_dma semaphore(%run_scoped3A_47 : memref<!tpu.dma_semaphore, #tpu.memory_space<semaphore_mem>>) src(%dma_wait3A_61 : memref<10240x128xf32, #tpu.memory_space<vmem_shared>>) dst(%dma_wait3A_57 : memref<72x128xf32, #tpu.memory_space<vmem>>)
      tpu.yield
    }) : () -> ()
    %add3A_46 = arith.addi %multiple_of3A, %multiple_of3A_45 : i32
    "tpu.region"() ({
      %run_scoped3A_47 = tpu.sem_alloc : memref<!tpu.dma_semaphore, #tpu.memory_space<semaphore_mem>>
      %dma_start3A_48 = arith.constant 0 : i32
      %dma_start3A_49 = arith.constant 0 : i32
      %dma_start3A_50 = tpu.memref_slice %arg6[%dma_start3A_48, %dma_start3A_49] : memref<136x128xf32, #tpu.memory_space<vmem>> -> memref<72x128xf32, #tpu.memory_space<vmem>>
      %dma_start3A_51 = arith.constant 0 : i32
      %dma_start3A_52 = tpu.memref_slice %arg4[%arg0, %add3A_46, %dma_start3A_51] : memref<2x160000x128xf32, #tpu.memory_space<hbm>> -> memref<1x72x128xf32, #tpu.memory_space<hbm>>
      %dma_start3A_53 = tpu.memref_squeeze %dma_start3A_52 : memref<1x72x128xf32, #tpu.memory_space<hbm>> -> memref<72x128xf32, #tpu.memory_space<hbm>>
      %dma_start3A_54 = arith.constant 0 : i32
      %dma_start3A_55 = tpu.memref_slice %arg4[%arg0, %add3A_46, %dma_start3A_54] : memref<2x160000x128xf32, #tpu.memory_space<hbm>> -> memref<1x72x128xf32, #tpu.memory_space<hbm>>
      %dma_start3A_56 = tpu.memref_squeeze %dma_start3A_55 : memref<1x72x128xf32, #tpu.memory_space<hbm>> -> memref<72x128xf32, #tpu.memory_space<hbm>>
      %dma_start3A_57 = arith.constant 0 : i32
      %dma_start3A_58 = arith.constant 0 : i32
      %dma_start3A_59 = tpu.memref_slice %arg6[%dma_start3A_57, %dma_start3A_58] : memref<136x128xf32, #tpu.memory_space<vmem>> -> memref<72x128xf32, #tpu.memory_space<vmem>>
      tpu.enqueue_dma source(%dma_start3A_59 : memref<72x128xf32, #tpu.memory_space<vmem>>) target(%dma_start3A_56 : memref<72x128xf32, #tpu.memory_space<hbm>>) target_semaphore(%run_scoped3A_47 : memref<!tpu.dma_semaphore, #tpu.memory_space<semaphore_mem>>)
      %dma_wait3A_60 = arith.constant 0 : i32
      %dma_wait3A_61 = arith.constant 0 : i32
      %dma_wait3A_62 = tpu.memref_slice %arg6[%dma_wait3A_60, %dma_wait3A_61] : memref<136x128xf32, #tpu.memory_space<vmem>> -> memref<72x128xf32, #tpu.memory_space<vmem>>
      %dma_wait3A_63 = arith.constant 0 : i32
      %dma_wait3A_64 = tpu.memref_slice %arg4[%arg0, %add3A_46, %dma_wait3A_63] : memref<2x160000x128xf32, #tpu.memory_space<hbm>> -> memref<1x72x128xf32, #tpu.memory_space<hbm>>
      %dma_wait3A_65 = tpu.memref_squeeze %dma_wait3A_64 : memref<1x72x128xf32, #tpu.memory_space<hbm>> -> memref<72x128xf32, #tpu.memory_space<hbm>>
      %dma_wait3A_66 = arith.constant 0 : i32
      %dma_wait3A_67 = tpu.memref_slice %arg4[%arg0, %add3A_46, %dma_wait3A_66] : memref<2x160000x128xf32, #tpu.memory_space<hbm>> -> memref<1x72x128xf32, #tpu.memory_space<hbm>>
      %dma_wait3A_68 = tpu.memref_squeeze %dma_wait3A_67 : memref<1x72x128xf32, #tpu.memory_space<hbm>> -> memref<72x128xf32, #tpu.memory_space<hbm>>
      %dma_wait3A_69 = arith.constant 0 : i32
      %dma_wait3A_70 = arith.constant 0 : i32
      %dma_wait3A_71 = tpu.memref_slice %arg6[%dma_wait3A_69, %dma_wait3A_70] : memref<136x128xf32, #tpu.memory_space<vmem>> -> memref<72x128xf32, #tpu.memory_space<vmem>>
      tpu.wait_dma2 semaphore(%run_scoped3A_47 : memref<!tpu.dma_semaphore, #tpu.memory_space<semaphore_mem>>) src(%dma_wait3A_71 : memref<72x128xf32, #tpu.memory_space<vmem>>) dst(%dma_wait3A_68 : memref<72x128xf32, #tpu.memory_space<hbm>>)
      tpu.yield
    }) : () -> ()
    return
  }
}

#map = affine_map<(d0, d1) -> (0, 0)>
#map1 = affine_map<(d0, d1) -> (0)>
#map2 = affine_map<(d0, d1) -> (0, 0, 0)>
module attributes {stable_mosaic.version = 14 : i64} {
  func.func @k(%arg0: i32, %arg1: i32, %arg2: memref<160000x128xf32, #tpu.memory_space<hbm>>, %arg3: memref<160000xi32, #tpu.memory_space<hbm>>, %arg4: memref<10240x128xf32, #tpu.memory_space<hbm>>, %arg5: memref<2x10240x128xf32, #tpu.memory_space<hbm>>, %arg6: memref<5000xi32, #tpu.memory_space<vmem>>, %arg7: memref<104x128xf32, #tpu.memory_space<vmem>>, %arg8: memref<104x128xf32, #tpu.memory_space<vmem>>, %arg9: memref<10240x128xf32, #tpu.memory_space<vmem_shared>>, %arg10: memref<!tpu.dma_semaphore, #tpu.memory_space<semaphore_mem>>, %arg11: memref<!tpu.dma_semaphore, #tpu.memory_space<semaphore_mem>>) attributes {dimension_semantics = [#tpu.dimension_semantics<core_parallel>, #tpu.dimension_semantics<subcore_parallel>], iteration_bounds = array<i64: 2, 16>, scalar_prefetch = 0 : i64, scratch_operands = 6 : i64, tpu.core_type = #tpu.core_type<sc_vector_subcore>, window_params = [{transform_indices = #map}, {transform_indices = #map1}, {transform_indices = #map}, {transform_indices = #map2}]} {
    %mul3A = arith.constant 2 : i32
    %mul3A_0 = arith.muli %arg1, %mul3A : i32
    %add3A = arith.addi %mul3A_0, %arg0 : i32
    %mul3A_1 = arith.constant 5000 : i32
    %mul3A_2 = arith.muli %add3A, %mul3A_1 : i32
    %multiple_of3A = tpu.assume_multiple %mul3A_2, 8 : i32
    %mul3A_3 = arith.constant 640 : i32
    %mul3A_4 = arith.muli %arg1, %mul3A_3 : i32
    %multiple_of3A_5 = tpu.assume_multiple %mul3A_4, 8 : i32
    "tpu.region"() ({
      %run_scoped3A = tpu.sem_alloc : memref<!tpu.dma_semaphore, #tpu.memory_space<semaphore_mem>>
      %dma_start3A_35 = arith.constant 0 : i32
      %dma_start3A_36 = tpu.memref_slice %arg9[%multiple_of3A_5, %dma_start3A_35] : memref<10240x128xf32, #tpu.memory_space<vmem_shared>> -> memref<640x128xf32, #tpu.memory_space<vmem_shared>>
      %dma_start3A_37 = arith.constant 0 : i32
      %dma_start3A_38 = tpu.memref_slice %arg4[%multiple_of3A_5, %dma_start3A_37] : memref<10240x128xf32, #tpu.memory_space<hbm>> -> memref<640x128xf32, #tpu.memory_space<hbm>>
      tpu.enqueue_dma source(%dma_start3A_38 : memref<640x128xf32, #tpu.memory_space<hbm>>) target(%dma_start3A_36 : memref<640x128xf32, #tpu.memory_space<vmem_shared>>) target_semaphore(%run_scoped3A : memref<!tpu.dma_semaphore, #tpu.memory_space<semaphore_mem>>)
      %dma_wait3A = arith.constant 0 : i32
      %dma_wait3A_39 = tpu.memref_slice %arg9[%multiple_of3A_5, %dma_wait3A] : memref<10240x128xf32, #tpu.memory_space<vmem_shared>> -> memref<640x128xf32, #tpu.memory_space<vmem_shared>>
      %dma_wait3A_40 = arith.constant 0 : i32
      %dma_wait3A_41 = tpu.memref_slice %arg4[%multiple_of3A_5, %dma_wait3A_40] : memref<10240x128xf32, #tpu.memory_space<hbm>> -> memref<640x128xf32, #tpu.memory_space<hbm>>
      tpu.wait_dma2 semaphore(%run_scoped3A : memref<!tpu.dma_semaphore, #tpu.memory_space<semaphore_mem>>) src(%dma_wait3A_41 : memref<640x128xf32, #tpu.memory_space<hbm>>) dst(%dma_wait3A_39 : memref<640x128xf32, #tpu.memory_space<vmem_shared>>)
      tpu.yield
    }) : () -> ()
    "tpu.region"() ({
      %run_scoped3A = tpu.sem_alloc : memref<!tpu.dma_semaphore, #tpu.memory_space<semaphore_mem>>
      %dma_start3A_35 = tpu.memref_slice %arg3[%multiple_of3A] : memref<160000xi32, #tpu.memory_space<hbm>> -> memref<5000xi32, #tpu.memory_space<hbm>>
      %dma_start3A_36 = tpu.memref_slice %arg3[%multiple_of3A] : memref<160000xi32, #tpu.memory_space<hbm>> -> memref<5000xi32, #tpu.memory_space<hbm>>
      tpu.enqueue_dma source(%dma_start3A_36 : memref<5000xi32, #tpu.memory_space<hbm>>) target(%arg6 : memref<5000xi32, #tpu.memory_space<vmem>>) target_semaphore(%run_scoped3A : memref<!tpu.dma_semaphore, #tpu.memory_space<semaphore_mem>>)
      %dma_wait3A = tpu.memref_slice %arg3[%multiple_of3A] : memref<160000xi32, #tpu.memory_space<hbm>> -> memref<5000xi32, #tpu.memory_space<hbm>>
      %dma_wait3A_37 = tpu.memref_slice %arg3[%multiple_of3A] : memref<160000xi32, #tpu.memory_space<hbm>> -> memref<5000xi32, #tpu.memory_space<hbm>>
      tpu.wait_dma2 semaphore(%run_scoped3A : memref<!tpu.dma_semaphore, #tpu.memory_space<semaphore_mem>>) src(%dma_wait3A_37 : memref<5000xi32, #tpu.memory_space<hbm>>) dst(%arg6 : memref<5000xi32, #tpu.memory_space<vmem>>)
      tpu.yield
    }) : () -> ()
    %barrier3A = arith.constant 0 : index
    tpu.barrier barrier_id(%barrier3A)
    %mul3A_6 = arith.constant 0 : i32
    %mul3A_7 = arith.constant 104 : i32
    %mul3A_8 = arith.muli %mul3A_6, %mul3A_7 : i32
    %add3A_9 = arith.addi %multiple_of3A, %mul3A_8 : i32
    %multiple_of3A_10 = tpu.assume_multiple %add3A_9, 8 : i32
    %dma_start3A = arith.constant 0 : i32
    %dma_start3A_11 = tpu.memref_slice %arg2[%multiple_of3A_10, %dma_start3A] : memref<160000x128xf32, #tpu.memory_space<hbm>> -> memref<104x128xf32, #tpu.memory_space<hbm>>
    %dma_start3A_12 = arith.constant 0 : i32
    %dma_start3A_13 = tpu.memref_slice %arg2[%multiple_of3A_10, %dma_start3A_12] : memref<160000x128xf32, #tpu.memory_space<hbm>> -> memref<104x128xf32, #tpu.memory_space<hbm>>
    tpu.enqueue_dma source(%dma_start3A_13 : memref<104x128xf32, #tpu.memory_space<hbm>>) target(%arg7 : memref<104x128xf32, #tpu.memory_space<vmem>>) target_semaphore(%arg10 : memref<!tpu.dma_semaphore, #tpu.memory_space<semaphore_mem>>)
    %mul3A_14 = arith.constant 1 : i32
    %mul3A_15 = arith.constant 104 : i32
    %mul3A_16 = arith.muli %mul3A_14, %mul3A_15 : i32
    %add3A_17 = arith.addi %multiple_of3A, %mul3A_16 : i32
    %multiple_of3A_18 = tpu.assume_multiple %add3A_17, 8 : i32
    %dma_start3A_19 = arith.constant 0 : i32
    %dma_start3A_20 = tpu.memref_slice %arg2[%multiple_of3A_18, %dma_start3A_19] : memref<160000x128xf32, #tpu.memory_space<hbm>> -> memref<104x128xf32, #tpu.memory_space<hbm>>
    %dma_start3A_21 = arith.constant 0 : i32
    %dma_start3A_22 = tpu.memref_slice %arg2[%multiple_of3A_18, %dma_start3A_21] : memref<160000x128xf32, #tpu.memory_space<hbm>> -> memref<104x128xf32, #tpu.memory_space<hbm>>
    tpu.enqueue_dma source(%dma_start3A_22 : memref<104x128xf32, #tpu.memory_space<hbm>>) target(%arg8 : memref<104x128xf32, #tpu.memory_space<vmem>>) target_semaphore(%arg11 : memref<!tpu.dma_semaphore, #tpu.memory_space<semaphore_mem>>)
    %scan3A = arith.constant 0 : i32
    %scan3A_23 = arith.constant 0 : i32
    %scan3A_24 = arith.constant 24 : i32
    %scan3A_25 = arith.addi %scan3A_23, %scan3A_24 : i32
    %scan3A_26 = arith.constant 1 : i32
    %scan3A_27 = scf.for %scan3A_35 = %scan3A_23 to %scan3A_25 step %scan3A_26 iter_args(%scan3A_36 = %scan3A) -> (i32)  : i32 {
      %mul3A_37 = arith.constant 2 : i32
      %mul3A_38 = arith.muli %mul3A_37, %scan3A_35 : i32
      %add3A_39 = arith.constant 0 : i32
      %add3A_40 = arith.addi %mul3A_38, %add3A_39 : i32
      %dma_wait3A = arith.constant 0 : i32
      %dma_wait3A_41 = arith.constant 0 : i32
      %dma_wait3A_42 = tpu.memref_slice %arg2[%dma_wait3A, %dma_wait3A_41] : memref<160000x128xf32, #tpu.memory_space<hbm>> -> memref<104x128xf32, #tpu.memory_space<hbm>>
      %dma_wait3A_43 = arith.constant 0 : i32
      %dma_wait3A_44 = arith.constant 0 : i32
      %dma_wait3A_45 = tpu.memref_slice %arg2[%dma_wait3A_43, %dma_wait3A_44] : memref<160000x128xf32, #tpu.memory_space<hbm>> -> memref<104x128xf32, #tpu.memory_space<hbm>>
      tpu.wait_dma2 semaphore(%arg10 : memref<!tpu.dma_semaphore, #tpu.memory_space<semaphore_mem>>) src(%dma_wait3A_45 : memref<104x128xf32, #tpu.memory_space<hbm>>) dst(%arg7 : memref<104x128xf32, #tpu.memory_space<vmem>>)
      %mul3A_46 = arith.constant 104 : i32
      %mul3A_47 = arith.muli %add3A_40, %mul3A_46 : i32
      %multiple_of3A_48 = tpu.assume_multiple %mul3A_47, 8 : i32
      "tpu.region"() ({
        %run_scoped3A = tpu.sem_alloc : memref<!tpu.dma_semaphore, #tpu.memory_space<semaphore_mem>>
        %dma_start3A_74 = tpu.memref_slice %arg6[%multiple_of3A_48] : memref<5000xi32, #tpu.memory_space<vmem>> -> memref<104xi32, #tpu.memory_space<vmem>>
        %dma_start3A_75 = arith.constant 0 : i32
        %dma_start3A_76 = arith.constant 0 : i32
        %dma_start3A_77 = tpu.memref_slice %arg9[%dma_start3A_75, %dma_start3A_76] : memref<10240x128xf32, #tpu.memory_space<vmem_shared>> -> memref<10240x128xf32, #tpu.memory_space<vmem_shared>>
        tpu.enqueue_indirect_dma source(%arg7 : memref<104x128xf32, #tpu.memory_space<vmem>>) target(%dma_start3A_77 : memref<10240x128xf32, #tpu.memory_space<vmem_shared>>) offsets(%dma_start3A_74 : memref<104xi32, #tpu.memory_space<vmem>>) semaphore(%run_scoped3A : memref<!tpu.dma_semaphore, #tpu.memory_space<semaphore_mem>>) {add = true}
        %dma_wait3A_78 = tpu.memref_slice %arg6[%multiple_of3A_48] : memref<5000xi32, #tpu.memory_space<vmem>> -> memref<104xi32, #tpu.memory_space<vmem>>
        %dma_wait3A_79 = arith.constant 0 : i32
        %dma_wait3A_80 = arith.constant 0 : i32
        %dma_wait3A_81 = tpu.memref_slice %arg9[%dma_wait3A_79, %dma_wait3A_80] : memref<10240x128xf32, #tpu.memory_space<vmem_shared>> -> memref<10240x128xf32, #tpu.memory_space<vmem_shared>>
        tpu.wait_indirect_dma semaphore(%run_scoped3A : memref<!tpu.dma_semaphore, #tpu.memory_space<semaphore_mem>>) src(%arg7 : memref<104x128xf32, #tpu.memory_space<vmem>>) dst(%dma_wait3A_81 : memref<10240x128xf32, #tpu.memory_space<vmem_shared>>)
        tpu.yield
      }) : () -> ()
      %add3A_49 = arith.constant 2 : i32
      %add3A_50 = arith.addi %add3A_40, %add3A_49 : i32
      %lt3A = arith.constant 48 : i32
      %lt3A_51 = arith.cmpi slt, %add3A_50, %lt3A : i32
      %convert_element_type3A = arith.extui %lt3A_51 : i1 to i32
      %cond3A = arith.constant 0 : i32
      %cond3A_52 = arith.cmpi ne, %convert_element_type3A, %cond3A : i32
      scf.if %cond3A_52 {
        %add3A_74 = arith.constant 2 : i32
        %add3A_75 = arith.addi %add3A_40, %add3A_74 : i32
        %mul3A_76 = arith.constant 104 : i32
        %mul3A_77 = arith.muli %add3A_75, %mul3A_76 : i32
        %add3A_78 = arith.addi %multiple_of3A, %mul3A_77 : i32
        %multiple_of3A_79 = tpu.assume_multiple %add3A_78, 8 : i32
        %dma_start3A_80 = arith.constant 0 : i32
        %dma_start3A_81 = tpu.memref_slice %arg2[%multiple_of3A_79, %dma_start3A_80] : memref<160000x128xf32, #tpu.memory_space<hbm>> -> memref<104x128xf32, #tpu.memory_space<hbm>>
        %dma_start3A_82 = arith.constant 0 : i32
        %dma_start3A_83 = tpu.memref_slice %arg2[%multiple_of3A_79, %dma_start3A_82] : memref<160000x128xf32, #tpu.memory_space<hbm>> -> memref<104x128xf32, #tpu.memory_space<hbm>>
        tpu.enqueue_dma source(%dma_start3A_83 : memref<104x128xf32, #tpu.memory_space<hbm>>) target(%arg7 : memref<104x128xf32, #tpu.memory_space<vmem>>) target_semaphore(%arg10 : memref<!tpu.dma_semaphore, #tpu.memory_space<semaphore_mem>>)
      } else {
      }
      %mul3A_53 = arith.constant 2 : i32
      %mul3A_54 = arith.muli %mul3A_53, %scan3A_35 : i32
      %add3A_55 = arith.constant 1 : i32
      %add3A_56 = arith.addi %mul3A_54, %add3A_55 : i32
      %dma_wait3A_57 = arith.constant 0 : i32
      %dma_wait3A_58 = arith.constant 0 : i32
      %dma_wait3A_59 = tpu.memref_slice %arg2[%dma_wait3A_57, %dma_wait3A_58] : memref<160000x128xf32, #tpu.memory_space<hbm>> -> memref<104x128xf32, #tpu.memory_space<hbm>>
      %dma_wait3A_60 = arith.constant 0 : i32
      %dma_wait3A_61 = arith.constant 0 : i32
      %dma_wait3A_62 = tpu.memref_slice %arg2[%dma_wait3A_60, %dma_wait3A_61] : memref<160000x128xf32, #tpu.memory_space<hbm>> -> memref<104x128xf32, #tpu.memory_space<hbm>>
      tpu.wait_dma2 semaphore(%arg11 : memref<!tpu.dma_semaphore, #tpu.memory_space<semaphore_mem>>) src(%dma_wait3A_62 : memref<104x128xf32, #tpu.memory_space<hbm>>) dst(%arg8 : memref<104x128xf32, #tpu.memory_space<vmem>>)
      %mul3A_63 = arith.constant 104 : i32
      %mul3A_64 = arith.muli %add3A_56, %mul3A_63 : i32
      %multiple_of3A_65 = tpu.assume_multiple %mul3A_64, 8 : i32
      "tpu.region"() ({
        %run_scoped3A = tpu.sem_alloc : memref<!tpu.dma_semaphore, #tpu.memory_space<semaphore_mem>>
        %dma_start3A_74 = tpu.memref_slice %arg6[%multiple_of3A_65] : memref<5000xi32, #tpu.memory_space<vmem>> -> memref<104xi32, #tpu.memory_space<vmem>>
        %dma_start3A_75 = arith.constant 0 : i32
        %dma_start3A_76 = arith.constant 0 : i32
        %dma_start3A_77 = tpu.memref_slice %arg9[%dma_start3A_75, %dma_start3A_76] : memref<10240x128xf32, #tpu.memory_space<vmem_shared>> -> memref<10240x128xf32, #tpu.memory_space<vmem_shared>>
        tpu.enqueue_indirect_dma source(%arg8 : memref<104x128xf32, #tpu.memory_space<vmem>>) target(%dma_start3A_77 : memref<10240x128xf32, #tpu.memory_space<vmem_shared>>) offsets(%dma_start3A_74 : memref<104xi32, #tpu.memory_space<vmem>>) semaphore(%run_scoped3A : memref<!tpu.dma_semaphore, #tpu.memory_space<semaphore_mem>>) {add = true}
        %dma_wait3A_78 = tpu.memref_slice %arg6[%multiple_of3A_65] : memref<5000xi32, #tpu.memory_space<vmem>> -> memref<104xi32, #tpu.memory_space<vmem>>
        %dma_wait3A_79 = arith.constant 0 : i32
        %dma_wait3A_80 = arith.constant 0 : i32
        %dma_wait3A_81 = tpu.memref_slice %arg9[%dma_wait3A_79, %dma_wait3A_80] : memref<10240x128xf32, #tpu.memory_space<vmem_shared>> -> memref<10240x128xf32, #tpu.memory_space<vmem_shared>>
        tpu.wait_indirect_dma semaphore(%run_scoped3A : memref<!tpu.dma_semaphore, #tpu.memory_space<semaphore_mem>>) src(%arg8 : memref<104x128xf32, #tpu.memory_space<vmem>>) dst(%dma_wait3A_81 : memref<10240x128xf32, #tpu.memory_space<vmem_shared>>)
        tpu.yield
      }) : () -> ()
      %add3A_66 = arith.constant 2 : i32
      %add3A_67 = arith.addi %add3A_56, %add3A_66 : i32
      %lt3A_68 = arith.constant 48 : i32
      %lt3A_69 = arith.cmpi slt, %add3A_67, %lt3A_68 : i32
      %convert_element_type3A_70 = arith.extui %lt3A_69 : i1 to i32
      %cond3A_71 = arith.constant 0 : i32
      %cond3A_72 = arith.cmpi ne, %convert_element_type3A_70, %cond3A_71 : i32
      scf.if %cond3A_72 {
        %add3A_74 = arith.constant 2 : i32
        %add3A_75 = arith.addi %add3A_56, %add3A_74 : i32
        %mul3A_76 = arith.constant 104 : i32
        %mul3A_77 = arith.muli %add3A_75, %mul3A_76 : i32
        %add3A_78 = arith.addi %multiple_of3A, %mul3A_77 : i32
        %multiple_of3A_79 = tpu.assume_multiple %add3A_78, 8 : i32
        %dma_start3A_80 = arith.constant 0 : i32
        %dma_start3A_81 = tpu.memref_slice %arg2[%multiple_of3A_79, %dma_start3A_80] : memref<160000x128xf32, #tpu.memory_space<hbm>> -> memref<104x128xf32, #tpu.memory_space<hbm>>
        %dma_start3A_82 = arith.constant 0 : i32
        %dma_start3A_83 = tpu.memref_slice %arg2[%multiple_of3A_79, %dma_start3A_82] : memref<160000x128xf32, #tpu.memory_space<hbm>> -> memref<104x128xf32, #tpu.memory_space<hbm>>
        tpu.enqueue_dma source(%dma_start3A_83 : memref<104x128xf32, #tpu.memory_space<hbm>>) target(%arg8 : memref<104x128xf32, #tpu.memory_space<vmem>>) target_semaphore(%arg11 : memref<!tpu.dma_semaphore, #tpu.memory_space<semaphore_mem>>)
      } else {
      }
      %scan3A_73 = arith.constant 0 : i32
      scf.yield %scan3A_73 : i32
    }
    %scan3A_28 = arith.constant 24 : i32
    %add3A_29 = arith.constant 4992 : i32
    %add3A_30 = arith.addi %multiple_of3A, %add3A_29 : i32
    %multiple_of3A_31 = tpu.assume_multiple %add3A_30, 8 : i32
    "tpu.region"() ({
      %run_scoped3A = tpu.sem_alloc : memref<!tpu.dma_semaphore, #tpu.memory_space<semaphore_mem>>
      %dma_start3A_35 = arith.constant 0 : i32
      %dma_start3A_36 = arith.constant 0 : i32
      %dma_start3A_37 = tpu.memref_slice %arg7[%dma_start3A_35, %dma_start3A_36] : memref<104x128xf32, #tpu.memory_space<vmem>> -> memref<8x128xf32, #tpu.memory_space<vmem>>
      %dma_start3A_38 = arith.constant 0 : i32
      %dma_start3A_39 = tpu.memref_slice %arg2[%multiple_of3A_31, %dma_start3A_38] : memref<160000x128xf32, #tpu.memory_space<hbm>> -> memref<8x128xf32, #tpu.memory_space<hbm>>
      %dma_start3A_40 = arith.constant 0 : i32
      %dma_start3A_41 = arith.constant 0 : i32
      %dma_start3A_42 = tpu.memref_slice %arg7[%dma_start3A_40, %dma_start3A_41] : memref<104x128xf32, #tpu.memory_space<vmem>> -> memref<8x128xf32, #tpu.memory_space<vmem>>
      %dma_start3A_43 = arith.constant 0 : i32
      %dma_start3A_44 = tpu.memref_slice %arg2[%multiple_of3A_31, %dma_start3A_43] : memref<160000x128xf32, #tpu.memory_space<hbm>> -> memref<8x128xf32, #tpu.memory_space<hbm>>
      tpu.enqueue_dma source(%dma_start3A_44 : memref<8x128xf32, #tpu.memory_space<hbm>>) target(%dma_start3A_42 : memref<8x128xf32, #tpu.memory_space<vmem>>) target_semaphore(%run_scoped3A : memref<!tpu.dma_semaphore, #tpu.memory_space<semaphore_mem>>)
      %dma_wait3A = arith.constant 0 : i32
      %dma_wait3A_45 = arith.constant 0 : i32
      %dma_wait3A_46 = tpu.memref_slice %arg7[%dma_wait3A, %dma_wait3A_45] : memref<104x128xf32, #tpu.memory_space<vmem>> -> memref<8x128xf32, #tpu.memory_space<vmem>>
      %dma_wait3A_47 = arith.constant 0 : i32
      %dma_wait3A_48 = tpu.memref_slice %arg2[%multiple_of3A_31, %dma_wait3A_47] : memref<160000x128xf32, #tpu.memory_space<hbm>> -> memref<8x128xf32, #tpu.memory_space<hbm>>
      %dma_wait3A_49 = arith.constant 0 : i32
      %dma_wait3A_50 = arith.constant 0 : i32
      %dma_wait3A_51 = tpu.memref_slice %arg7[%dma_wait3A_49, %dma_wait3A_50] : memref<104x128xf32, #tpu.memory_space<vmem>> -> memref<8x128xf32, #tpu.memory_space<vmem>>
      %dma_wait3A_52 = arith.constant 0 : i32
      %dma_wait3A_53 = tpu.memref_slice %arg2[%multiple_of3A_31, %dma_wait3A_52] : memref<160000x128xf32, #tpu.memory_space<hbm>> -> memref<8x128xf32, #tpu.memory_space<hbm>>
      tpu.wait_dma2 semaphore(%run_scoped3A : memref<!tpu.dma_semaphore, #tpu.memory_space<semaphore_mem>>) src(%dma_wait3A_53 : memref<8x128xf32, #tpu.memory_space<hbm>>) dst(%dma_wait3A_51 : memref<8x128xf32, #tpu.memory_space<vmem>>)
      tpu.yield
    }) : () -> ()
    %multiple_of3A_32 = arith.constant 4992 : i32
    %multiple_of3A_33 = tpu.assume_multiple %multiple_of3A_32, 8 : i32
    "tpu.region"() ({
      %run_scoped3A = tpu.sem_alloc : memref<!tpu.dma_semaphore, #tpu.memory_space<semaphore_mem>>
      %dma_start3A_35 = arith.constant 0 : i32
      %dma_start3A_36 = arith.constant 0 : i32
      %dma_start3A_37 = tpu.memref_slice %arg7[%dma_start3A_35, %dma_start3A_36] : memref<104x128xf32, #tpu.memory_space<vmem>> -> memref<8x128xf32, #tpu.memory_space<vmem>>
      %dma_start3A_38 = tpu.memref_slice %arg6[%multiple_of3A_33] : memref<5000xi32, #tpu.memory_space<vmem>> -> memref<8xi32, #tpu.memory_space<vmem>>
      %dma_start3A_39 = arith.constant 0 : i32
      %dma_start3A_40 = arith.constant 0 : i32
      %dma_start3A_41 = tpu.memref_slice %arg9[%dma_start3A_39, %dma_start3A_40] : memref<10240x128xf32, #tpu.memory_space<vmem_shared>> -> memref<10240x128xf32, #tpu.memory_space<vmem_shared>>
      tpu.enqueue_indirect_dma source(%dma_start3A_37 : memref<8x128xf32, #tpu.memory_space<vmem>>) target(%dma_start3A_41 : memref<10240x128xf32, #tpu.memory_space<vmem_shared>>) offsets(%dma_start3A_38 : memref<8xi32, #tpu.memory_space<vmem>>) semaphore(%run_scoped3A : memref<!tpu.dma_semaphore, #tpu.memory_space<semaphore_mem>>) {add = true}
      %dma_wait3A = arith.constant 0 : i32
      %dma_wait3A_42 = arith.constant 0 : i32
      %dma_wait3A_43 = tpu.memref_slice %arg7[%dma_wait3A, %dma_wait3A_42] : memref<104x128xf32, #tpu.memory_space<vmem>> -> memref<8x128xf32, #tpu.memory_space<vmem>>
      %dma_wait3A_44 = tpu.memref_slice %arg6[%multiple_of3A_33] : memref<5000xi32, #tpu.memory_space<vmem>> -> memref<8xi32, #tpu.memory_space<vmem>>
      %dma_wait3A_45 = arith.constant 0 : i32
      %dma_wait3A_46 = arith.constant 0 : i32
      %dma_wait3A_47 = tpu.memref_slice %arg9[%dma_wait3A_45, %dma_wait3A_46] : memref<10240x128xf32, #tpu.memory_space<vmem_shared>> -> memref<10240x128xf32, #tpu.memory_space<vmem_shared>>
      tpu.wait_indirect_dma semaphore(%run_scoped3A : memref<!tpu.dma_semaphore, #tpu.memory_space<semaphore_mem>>) src(%dma_wait3A_43 : memref<8x128xf32, #tpu.memory_space<vmem>>) dst(%dma_wait3A_47 : memref<10240x128xf32, #tpu.memory_space<vmem_shared>>)
      tpu.yield
    }) : () -> ()
    %barrier3A_34 = arith.constant 0 : index
    tpu.barrier barrier_id(%barrier3A_34)
    "tpu.region"() ({
      %run_scoped3A = tpu.sem_alloc : memref<!tpu.dma_semaphore, #tpu.memory_space<semaphore_mem>>
      %dma_start3A_35 = arith.constant 0 : i32
      %dma_start3A_36 = tpu.memref_slice %arg5[%arg0, %multiple_of3A_5, %dma_start3A_35] : memref<2x10240x128xf32, #tpu.memory_space<hbm>> -> memref<1x640x128xf32, #tpu.memory_space<hbm>>
      %dma_start3A_37 = tpu.memref_squeeze %dma_start3A_36 : memref<1x640x128xf32, #tpu.memory_space<hbm>> -> memref<640x128xf32, #tpu.memory_space<hbm>>
      %dma_start3A_38 = arith.constant 0 : i32
      %dma_start3A_39 = tpu.memref_slice %arg9[%multiple_of3A_5, %dma_start3A_38] : memref<10240x128xf32, #tpu.memory_space<vmem_shared>> -> memref<640x128xf32, #tpu.memory_space<vmem_shared>>
      tpu.enqueue_dma source(%dma_start3A_39 : memref<640x128xf32, #tpu.memory_space<vmem_shared>>) target(%dma_start3A_37 : memref<640x128xf32, #tpu.memory_space<hbm>>) target_semaphore(%run_scoped3A : memref<!tpu.dma_semaphore, #tpu.memory_space<semaphore_mem>>)
      %dma_wait3A = arith.constant 0 : i32
      %dma_wait3A_40 = tpu.memref_slice %arg5[%arg0, %multiple_of3A_5, %dma_wait3A] : memref<2x10240x128xf32, #tpu.memory_space<hbm>> -> memref<1x640x128xf32, #tpu.memory_space<hbm>>
      %dma_wait3A_41 = tpu.memref_squeeze %dma_wait3A_40 : memref<1x640x128xf32, #tpu.memory_space<hbm>> -> memref<640x128xf32, #tpu.memory_space<hbm>>
      %dma_wait3A_42 = arith.constant 0 : i32
      %dma_wait3A_43 = tpu.memref_slice %arg9[%multiple_of3A_5, %dma_wait3A_42] : memref<10240x128xf32, #tpu.memory_space<vmem_shared>> -> memref<640x128xf32, #tpu.memory_space<vmem_shared>>
      tpu.wait_dma2 semaphore(%run_scoped3A : memref<!tpu.dma_semaphore, #tpu.memory_space<semaphore_mem>>) src(%dma_wait3A_43 : memref<640x128xf32, #tpu.memory_space<vmem_shared>>) dst(%dma_wait3A_41 : memref<640x128xf32, #tpu.memory_space<hbm>>)
      tpu.yield
    }) : () -> ()
    return
  }
}

#map = affine_map<(d0, d1) -> (0, 0)>
#map1 = affine_map<(d0, d1) -> (0)>
#map2 = affine_map<(d0, d1) -> (0, 0, 0)>
module attributes {stable_mosaic.version = 14 : i64} {
  func.func @k(%arg0: i32, %arg1: i32, %arg2: memref<160000x128xf32, #tpu.memory_space<hbm>>, %arg3: memref<160000xi32, #tpu.memory_space<hbm>>, %arg4: memref<10240x128xf32, #tpu.memory_space<hbm>>, %arg5: memref<2x10240x128xf32, #tpu.memory_space<hbm>>, %arg6: memref<5000xi32, #tpu.memory_space<vmem>>, %arg7: memref<104x128xf32, #tpu.memory_space<vmem>>, %arg8: memref<104x128xf32, #tpu.memory_space<vmem>>, %arg9: memref<10240x128xf32, #tpu.memory_space<vmem_shared>>, %arg10: memref<!tpu.dma_semaphore, #tpu.memory_space<semaphore_mem>>, %arg11: memref<!tpu.dma_semaphore, #tpu.memory_space<semaphore_mem>>) attributes {dimension_semantics = [#tpu.dimension_semantics<core_parallel>, #tpu.dimension_semantics<subcore_parallel>], iteration_bounds = array<i64: 2, 16>, scalar_prefetch = 0 : i64, scratch_operands = 6 : i64, tpu.core_type = #tpu.core_type<sc_vector_subcore>, window_params = [{transform_indices = #map}, {transform_indices = #map1}, {transform_indices = #map}, {transform_indices = #map2}]} {
    %mul3A = arith.constant 2 : i32
    %mul3A_0 = arith.muli %arg1, %mul3A : i32
    %add3A = arith.addi %mul3A_0, %arg0 : i32
    %mul3A_1 = arith.constant 5000 : i32
    %mul3A_2 = arith.muli %add3A, %mul3A_1 : i32
    %multiple_of3A = tpu.assume_multiple %mul3A_2, 8 : i32
    %mul3A_3 = arith.constant 640 : i32
    %mul3A_4 = arith.muli %arg1, %mul3A_3 : i32
    %multiple_of3A_5 = tpu.assume_multiple %mul3A_4, 8 : i32
    "tpu.region"() ({
      %run_scoped3A = tpu.sem_alloc : memref<!tpu.dma_semaphore, #tpu.memory_space<semaphore_mem>>
      %dma_start3A_35 = arith.constant 0 : i32
      %dma_start3A_36 = tpu.memref_slice %arg9[%multiple_of3A_5, %dma_start3A_35] : memref<10240x128xf32, #tpu.memory_space<vmem_shared>> -> memref<640x128xf32, #tpu.memory_space<vmem_shared>>
      %dma_start3A_37 = arith.constant 0 : i32
      %dma_start3A_38 = tpu.memref_slice %arg4[%multiple_of3A_5, %dma_start3A_37] : memref<10240x128xf32, #tpu.memory_space<hbm>> -> memref<640x128xf32, #tpu.memory_space<hbm>>
      tpu.enqueue_dma source(%dma_start3A_38 : memref<640x128xf32, #tpu.memory_space<hbm>>) target(%dma_start3A_36 : memref<640x128xf32, #tpu.memory_space<vmem_shared>>) target_semaphore(%run_scoped3A : memref<!tpu.dma_semaphore, #tpu.memory_space<semaphore_mem>>)
      %dma_wait3A = arith.constant 0 : i32
      %dma_wait3A_39 = tpu.memref_slice %arg9[%multiple_of3A_5, %dma_wait3A] : memref<10240x128xf32, #tpu.memory_space<vmem_shared>> -> memref<640x128xf32, #tpu.memory_space<vmem_shared>>
      %dma_wait3A_40 = arith.constant 0 : i32
      %dma_wait3A_41 = tpu.memref_slice %arg4[%multiple_of3A_5, %dma_wait3A_40] : memref<10240x128xf32, #tpu.memory_space<hbm>> -> memref<640x128xf32, #tpu.memory_space<hbm>>
      tpu.wait_dma2 semaphore(%run_scoped3A : memref<!tpu.dma_semaphore, #tpu.memory_space<semaphore_mem>>) src(%dma_wait3A_41 : memref<640x128xf32, #tpu.memory_space<hbm>>) dst(%dma_wait3A_39 : memref<640x128xf32, #tpu.memory_space<vmem_shared>>)
      tpu.yield
    }) : () -> ()
    "tpu.region"() ({
      %run_scoped3A = tpu.sem_alloc : memref<!tpu.dma_semaphore, #tpu.memory_space<semaphore_mem>>
      %dma_start3A_35 = tpu.memref_slice %arg3[%multiple_of3A] : memref<160000xi32, #tpu.memory_space<hbm>> -> memref<5000xi32, #tpu.memory_space<hbm>>
      %dma_start3A_36 = tpu.memref_slice %arg3[%multiple_of3A] : memref<160000xi32, #tpu.memory_space<hbm>> -> memref<5000xi32, #tpu.memory_space<hbm>>
      tpu.enqueue_dma source(%dma_start3A_36 : memref<5000xi32, #tpu.memory_space<hbm>>) target(%arg6 : memref<5000xi32, #tpu.memory_space<vmem>>) target_semaphore(%run_scoped3A : memref<!tpu.dma_semaphore, #tpu.memory_space<semaphore_mem>>)
      %dma_wait3A = tpu.memref_slice %arg3[%multiple_of3A] : memref<160000xi32, #tpu.memory_space<hbm>> -> memref<5000xi32, #tpu.memory_space<hbm>>
      %dma_wait3A_37 = tpu.memref_slice %arg3[%multiple_of3A] : memref<160000xi32, #tpu.memory_space<hbm>> -> memref<5000xi32, #tpu.memory_space<hbm>>
      tpu.wait_dma2 semaphore(%run_scoped3A : memref<!tpu.dma_semaphore, #tpu.memory_space<semaphore_mem>>) src(%dma_wait3A_37 : memref<5000xi32, #tpu.memory_space<hbm>>) dst(%arg6 : memref<5000xi32, #tpu.memory_space<vmem>>)
      tpu.yield
    }) : () -> ()
    %barrier3A = arith.constant 0 : index
    tpu.barrier barrier_id(%barrier3A)
    %mul3A_6 = arith.constant 0 : i32
    %mul3A_7 = arith.constant 104 : i32
    %mul3A_8 = arith.muli %mul3A_6, %mul3A_7 : i32
    %add3A_9 = arith.addi %multiple_of3A, %mul3A_8 : i32
    %multiple_of3A_10 = tpu.assume_multiple %add3A_9, 8 : i32
    %dma_start3A = arith.constant 0 : i32
    %dma_start3A_11 = tpu.memref_slice %arg2[%multiple_of3A_10, %dma_start3A] : memref<160000x128xf32, #tpu.memory_space<hbm>> -> memref<104x128xf32, #tpu.memory_space<hbm>>
    %dma_start3A_12 = arith.constant 0 : i32
    %dma_start3A_13 = tpu.memref_slice %arg2[%multiple_of3A_10, %dma_start3A_12] : memref<160000x128xf32, #tpu.memory_space<hbm>> -> memref<104x128xf32, #tpu.memory_space<hbm>>
    tpu.enqueue_dma source(%dma_start3A_13 : memref<104x128xf32, #tpu.memory_space<hbm>>) target(%arg7 : memref<104x128xf32, #tpu.memory_space<vmem>>) target_semaphore(%arg10 : memref<!tpu.dma_semaphore, #tpu.memory_space<semaphore_mem>>)
    %mul3A_14 = arith.constant 1 : i32
    %mul3A_15 = arith.constant 104 : i32
    %mul3A_16 = arith.muli %mul3A_14, %mul3A_15 : i32
    %add3A_17 = arith.addi %multiple_of3A, %mul3A_16 : i32
    %multiple_of3A_18 = tpu.assume_multiple %add3A_17, 8 : i32
    %dma_start3A_19 = arith.constant 0 : i32
    %dma_start3A_20 = tpu.memref_slice %arg2[%multiple_of3A_18, %dma_start3A_19] : memref<160000x128xf32, #tpu.memory_space<hbm>> -> memref<104x128xf32, #tpu.memory_space<hbm>>
    %dma_start3A_21 = arith.constant 0 : i32
    %dma_start3A_22 = tpu.memref_slice %arg2[%multiple_of3A_18, %dma_start3A_21] : memref<160000x128xf32, #tpu.memory_space<hbm>> -> memref<104x128xf32, #tpu.memory_space<hbm>>
    tpu.enqueue_dma source(%dma_start3A_22 : memref<104x128xf32, #tpu.memory_space<hbm>>) target(%arg8 : memref<104x128xf32, #tpu.memory_space<vmem>>) target_semaphore(%arg11 : memref<!tpu.dma_semaphore, #tpu.memory_space<semaphore_mem>>)
    %scan3A = arith.constant 0 : i32
    %scan3A_23 = arith.constant 0 : i32
    %scan3A_24 = arith.constant 24 : i32
    %scan3A_25 = arith.addi %scan3A_23, %scan3A_24 : i32
    %scan3A_26 = arith.constant 1 : i32
    %scan3A_27 = scf.for %scan3A_35 = %scan3A_23 to %scan3A_25 step %scan3A_26 iter_args(%scan3A_36 = %scan3A) -> (i32)  : i32 {
      %mul3A_37 = arith.constant 2 : i32
      %mul3A_38 = arith.muli %mul3A_37, %scan3A_35 : i32
      %add3A_39 = arith.constant 0 : i32
      %add3A_40 = arith.addi %mul3A_38, %add3A_39 : i32
      %dma_wait3A = arith.constant 0 : i32
      %dma_wait3A_41 = arith.constant 0 : i32
      %dma_wait3A_42 = tpu.memref_slice %arg2[%dma_wait3A, %dma_wait3A_41] : memref<160000x128xf32, #tpu.memory_space<hbm>> -> memref<104x128xf32, #tpu.memory_space<hbm>>
      %dma_wait3A_43 = arith.constant 0 : i32
      %dma_wait3A_44 = arith.constant 0 : i32
      %dma_wait3A_45 = tpu.memref_slice %arg2[%dma_wait3A_43, %dma_wait3A_44] : memref<160000x128xf32, #tpu.memory_space<hbm>> -> memref<104x128xf32, #tpu.memory_space<hbm>>
      tpu.wait_dma2 semaphore(%arg10 : memref<!tpu.dma_semaphore, #tpu.memory_space<semaphore_mem>>) src(%dma_wait3A_45 : memref<104x128xf32, #tpu.memory_space<hbm>>) dst(%arg7 : memref<104x128xf32, #tpu.memory_space<vmem>>)
      %mul3A_46 = arith.constant 104 : i32
      %mul3A_47 = arith.muli %add3A_40, %mul3A_46 : i32
      %multiple_of3A_48 = tpu.assume_multiple %mul3A_47, 8 : i32
      "tpu.region"() ({
        %run_scoped3A = tpu.sem_alloc : memref<!tpu.dma_semaphore, #tpu.memory_space<semaphore_mem>>
        %dma_start3A_74 = tpu.memref_slice %arg6[%multiple_of3A_48] : memref<5000xi32, #tpu.memory_space<vmem>> -> memref<104xi32, #tpu.memory_space<vmem>>
        %dma_start3A_75 = arith.constant 0 : i32
        %dma_start3A_76 = arith.constant 0 : i32
        %dma_start3A_77 = tpu.memref_slice %arg9[%dma_start3A_75, %dma_start3A_76] : memref<10240x128xf32, #tpu.memory_space<vmem_shared>> -> memref<10240x128xf32, #tpu.memory_space<vmem_shared>>
        tpu.enqueue_indirect_dma source(%arg7 : memref<104x128xf32, #tpu.memory_space<vmem>>) target(%dma_start3A_77 : memref<10240x128xf32, #tpu.memory_space<vmem_shared>>) offsets(%dma_start3A_74 : memref<104xi32, #tpu.memory_space<vmem>>) semaphore(%run_scoped3A : memref<!tpu.dma_semaphore, #tpu.memory_space<semaphore_mem>>) {add = true}
        %dma_wait3A_78 = tpu.memref_slice %arg6[%multiple_of3A_48] : memref<5000xi32, #tpu.memory_space<vmem>> -> memref<104xi32, #tpu.memory_space<vmem>>
        %dma_wait3A_79 = arith.constant 0 : i32
        %dma_wait3A_80 = arith.constant 0 : i32
        %dma_wait3A_81 = tpu.memref_slice %arg9[%dma_wait3A_79, %dma_wait3A_80] : memref<10240x128xf32, #tpu.memory_space<vmem_shared>> -> memref<10240x128xf32, #tpu.memory_space<vmem_shared>>
        tpu.wait_indirect_dma semaphore(%run_scoped3A : memref<!tpu.dma_semaphore, #tpu.memory_space<semaphore_mem>>) src(%arg7 : memref<104x128xf32, #tpu.memory_space<vmem>>) dst(%dma_wait3A_81 : memref<10240x128xf32, #tpu.memory_space<vmem_shared>>)
        tpu.yield
      }) : () -> ()
      %add3A_49 = arith.constant 2 : i32
      %add3A_50 = arith.addi %add3A_40, %add3A_49 : i32
      %lt3A = arith.constant 48 : i32
      %lt3A_51 = arith.cmpi slt, %add3A_50, %lt3A : i32
      %convert_element_type3A = arith.extui %lt3A_51 : i1 to i32
      %cond3A = arith.constant 0 : i32
      %cond3A_52 = arith.cmpi ne, %convert_element_type3A, %cond3A : i32
      scf.if %cond3A_52 {
        %add3A_74 = arith.constant 2 : i32
        %add3A_75 = arith.addi %add3A_40, %add3A_74 : i32
        %mul3A_76 = arith.constant 104 : i32
        %mul3A_77 = arith.muli %add3A_75, %mul3A_76 : i32
        %add3A_78 = arith.addi %multiple_of3A, %mul3A_77 : i32
        %multiple_of3A_79 = tpu.assume_multiple %add3A_78, 8 : i32
        %dma_start3A_80 = arith.constant 0 : i32
        %dma_start3A_81 = tpu.memref_slice %arg2[%multiple_of3A_79, %dma_start3A_80] : memref<160000x128xf32, #tpu.memory_space<hbm>> -> memref<104x128xf32, #tpu.memory_space<hbm>>
        %dma_start3A_82 = arith.constant 0 : i32
        %dma_start3A_83 = tpu.memref_slice %arg2[%multiple_of3A_79, %dma_start3A_82] : memref<160000x128xf32, #tpu.memory_space<hbm>> -> memref<104x128xf32, #tpu.memory_space<hbm>>
        tpu.enqueue_dma source(%dma_start3A_83 : memref<104x128xf32, #tpu.memory_space<hbm>>) target(%arg7 : memref<104x128xf32, #tpu.memory_space<vmem>>) target_semaphore(%arg10 : memref<!tpu.dma_semaphore, #tpu.memory_space<semaphore_mem>>)
      } else {
      }
      %mul3A_53 = arith.constant 2 : i32
      %mul3A_54 = arith.muli %mul3A_53, %scan3A_35 : i32
      %add3A_55 = arith.constant 1 : i32
      %add3A_56 = arith.addi %mul3A_54, %add3A_55 : i32
      %dma_wait3A_57 = arith.constant 0 : i32
      %dma_wait3A_58 = arith.constant 0 : i32
      %dma_wait3A_59 = tpu.memref_slice %arg2[%dma_wait3A_57, %dma_wait3A_58] : memref<160000x128xf32, #tpu.memory_space<hbm>> -> memref<104x128xf32, #tpu.memory_space<hbm>>
      %dma_wait3A_60 = arith.constant 0 : i32
      %dma_wait3A_61 = arith.constant 0 : i32
      %dma_wait3A_62 = tpu.memref_slice %arg2[%dma_wait3A_60, %dma_wait3A_61] : memref<160000x128xf32, #tpu.memory_space<hbm>> -> memref<104x128xf32, #tpu.memory_space<hbm>>
      tpu.wait_dma2 semaphore(%arg11 : memref<!tpu.dma_semaphore, #tpu.memory_space<semaphore_mem>>) src(%dma_wait3A_62 : memref<104x128xf32, #tpu.memory_space<hbm>>) dst(%arg8 : memref<104x128xf32, #tpu.memory_space<vmem>>)
      %mul3A_63 = arith.constant 104 : i32
      %mul3A_64 = arith.muli %add3A_56, %mul3A_63 : i32
      %multiple_of3A_65 = tpu.assume_multiple %mul3A_64, 8 : i32
      "tpu.region"() ({
        %run_scoped3A = tpu.sem_alloc : memref<!tpu.dma_semaphore, #tpu.memory_space<semaphore_mem>>
        %dma_start3A_74 = tpu.memref_slice %arg6[%multiple_of3A_65] : memref<5000xi32, #tpu.memory_space<vmem>> -> memref<104xi32, #tpu.memory_space<vmem>>
        %dma_start3A_75 = arith.constant 0 : i32
        %dma_start3A_76 = arith.constant 0 : i32
        %dma_start3A_77 = tpu.memref_slice %arg9[%dma_start3A_75, %dma_start3A_76] : memref<10240x128xf32, #tpu.memory_space<vmem_shared>> -> memref<10240x128xf32, #tpu.memory_space<vmem_shared>>
        tpu.enqueue_indirect_dma source(%arg8 : memref<104x128xf32, #tpu.memory_space<vmem>>) target(%dma_start3A_77 : memref<10240x128xf32, #tpu.memory_space<vmem_shared>>) offsets(%dma_start3A_74 : memref<104xi32, #tpu.memory_space<vmem>>) semaphore(%run_scoped3A : memref<!tpu.dma_semaphore, #tpu.memory_space<semaphore_mem>>) {add = true}
        %dma_wait3A_78 = tpu.memref_slice %arg6[%multiple_of3A_65] : memref<5000xi32, #tpu.memory_space<vmem>> -> memref<104xi32, #tpu.memory_space<vmem>>
        %dma_wait3A_79 = arith.constant 0 : i32
        %dma_wait3A_80 = arith.constant 0 : i32
        %dma_wait3A_81 = tpu.memref_slice %arg9[%dma_wait3A_79, %dma_wait3A_80] : memref<10240x128xf32, #tpu.memory_space<vmem_shared>> -> memref<10240x128xf32, #tpu.memory_space<vmem_shared>>
        tpu.wait_indirect_dma semaphore(%run_scoped3A : memref<!tpu.dma_semaphore, #tpu.memory_space<semaphore_mem>>) src(%arg8 : memref<104x128xf32, #tpu.memory_space<vmem>>) dst(%dma_wait3A_81 : memref<10240x128xf32, #tpu.memory_space<vmem_shared>>)
        tpu.yield
      }) : () -> ()
      %add3A_66 = arith.constant 2 : i32
      %add3A_67 = arith.addi %add3A_56, %add3A_66 : i32
      %lt3A_68 = arith.constant 48 : i32
      %lt3A_69 = arith.cmpi slt, %add3A_67, %lt3A_68 : i32
      %convert_element_type3A_70 = arith.extui %lt3A_69 : i1 to i32
      %cond3A_71 = arith.constant 0 : i32
      %cond3A_72 = arith.cmpi ne, %convert_element_type3A_70, %cond3A_71 : i32
      scf.if %cond3A_72 {
        %add3A_74 = arith.constant 2 : i32
        %add3A_75 = arith.addi %add3A_56, %add3A_74 : i32
        %mul3A_76 = arith.constant 104 : i32
        %mul3A_77 = arith.muli %add3A_75, %mul3A_76 : i32
        %add3A_78 = arith.addi %multiple_of3A, %mul3A_77 : i32
        %multiple_of3A_79 = tpu.assume_multiple %add3A_78, 8 : i32
        %dma_start3A_80 = arith.constant 0 : i32
        %dma_start3A_81 = tpu.memref_slice %arg2[%multiple_of3A_79, %dma_start3A_80] : memref<160000x128xf32, #tpu.memory_space<hbm>> -> memref<104x128xf32, #tpu.memory_space<hbm>>
        %dma_start3A_82 = arith.constant 0 : i32
        %dma_start3A_83 = tpu.memref_slice %arg2[%multiple_of3A_79, %dma_start3A_82] : memref<160000x128xf32, #tpu.memory_space<hbm>> -> memref<104x128xf32, #tpu.memory_space<hbm>>
        tpu.enqueue_dma source(%dma_start3A_83 : memref<104x128xf32, #tpu.memory_space<hbm>>) target(%arg8 : memref<104x128xf32, #tpu.memory_space<vmem>>) target_semaphore(%arg11 : memref<!tpu.dma_semaphore, #tpu.memory_space<semaphore_mem>>)
      } else {
      }
      %scan3A_73 = arith.constant 0 : i32
      scf.yield %scan3A_73 : i32
    }
    %scan3A_28 = arith.constant 24 : i32
    %add3A_29 = arith.constant 4992 : i32
    %add3A_30 = arith.addi %multiple_of3A, %add3A_29 : i32
    %multiple_of3A_31 = tpu.assume_multiple %add3A_30, 8 : i32
    "tpu.region"() ({
      %run_scoped3A = tpu.sem_alloc : memref<!tpu.dma_semaphore, #tpu.memory_space<semaphore_mem>>
      %dma_start3A_35 = arith.constant 0 : i32
      %dma_start3A_36 = arith.constant 0 : i32
      %dma_start3A_37 = tpu.memref_slice %arg7[%dma_start3A_35, %dma_start3A_36] : memref<104x128xf32, #tpu.memory_space<vmem>> -> memref<8x128xf32, #tpu.memory_space<vmem>>
      %dma_start3A_38 = arith.constant 0 : i32
      %dma_start3A_39 = tpu.memref_slice %arg2[%multiple_of3A_31, %dma_start3A_38] : memref<160000x128xf32, #tpu.memory_space<hbm>> -> memref<8x128xf32, #tpu.memory_space<hbm>>
      %dma_start3A_40 = arith.constant 0 : i32
      %dma_start3A_41 = arith.constant 0 : i32
      %dma_start3A_42 = tpu.memref_slice %arg7[%dma_start3A_40, %dma_start3A_41] : memref<104x128xf32, #tpu.memory_space<vmem>> -> memref<8x128xf32, #tpu.memory_space<vmem>>
      %dma_start3A_43 = arith.constant 0 : i32
      %dma_start3A_44 = tpu.memref_slice %arg2[%multiple_of3A_31, %dma_start3A_43] : memref<160000x128xf32, #tpu.memory_space<hbm>> -> memref<8x128xf32, #tpu.memory_space<hbm>>
      tpu.enqueue_dma source(%dma_start3A_44 : memref<8x128xf32, #tpu.memory_space<hbm>>) target(%dma_start3A_42 : memref<8x128xf32, #tpu.memory_space<vmem>>) target_semaphore(%run_scoped3A : memref<!tpu.dma_semaphore, #tpu.memory_space<semaphore_mem>>)
      %dma_wait3A = arith.constant 0 : i32
      %dma_wait3A_45 = arith.constant 0 : i32
      %dma_wait3A_46 = tpu.memref_slice %arg7[%dma_wait3A, %dma_wait3A_45] : memref<104x128xf32, #tpu.memory_space<vmem>> -> memref<8x128xf32, #tpu.memory_space<vmem>>
      %dma_wait3A_47 = arith.constant 0 : i32
      %dma_wait3A_48 = tpu.memref_slice %arg2[%multiple_of3A_31, %dma_wait3A_47] : memref<160000x128xf32, #tpu.memory_space<hbm>> -> memref<8x128xf32, #tpu.memory_space<hbm>>
      %dma_wait3A_49 = arith.constant 0 : i32
      %dma_wait3A_50 = arith.constant 0 : i32
      %dma_wait3A_51 = tpu.memref_slice %arg7[%dma_wait3A_49, %dma_wait3A_50] : memref<104x128xf32, #tpu.memory_space<vmem>> -> memref<8x128xf32, #tpu.memory_space<vmem>>
      %dma_wait3A_52 = arith.constant 0 : i32
      %dma_wait3A_53 = tpu.memref_slice %arg2[%multiple_of3A_31, %dma_wait3A_52] : memref<160000x128xf32, #tpu.memory_space<hbm>> -> memref<8x128xf32, #tpu.memory_space<hbm>>
      tpu.wait_dma2 semaphore(%run_scoped3A : memref<!tpu.dma_semaphore, #tpu.memory_space<semaphore_mem>>) src(%dma_wait3A_53 : memref<8x128xf32, #tpu.memory_space<hbm>>) dst(%dma_wait3A_51 : memref<8x128xf32, #tpu.memory_space<vmem>>)
      tpu.yield
    }) : () -> ()
    %multiple_of3A_32 = arith.constant 4992 : i32
    %multiple_of3A_33 = tpu.assume_multiple %multiple_of3A_32, 8 : i32
    "tpu.region"() ({
      %run_scoped3A = tpu.sem_alloc : memref<!tpu.dma_semaphore, #tpu.memory_space<semaphore_mem>>
      %dma_start3A_35 = arith.constant 0 : i32
      %dma_start3A_36 = arith.constant 0 : i32
      %dma_start3A_37 = tpu.memref_slice %arg7[%dma_start3A_35, %dma_start3A_36] : memref<104x128xf32, #tpu.memory_space<vmem>> -> memref<8x128xf32, #tpu.memory_space<vmem>>
      %dma_start3A_38 = tpu.memref_slice %arg6[%multiple_of3A_33] : memref<5000xi32, #tpu.memory_space<vmem>> -> memref<8xi32, #tpu.memory_space<vmem>>
      %dma_start3A_39 = arith.constant 0 : i32
      %dma_start3A_40 = arith.constant 0 : i32
      %dma_start3A_41 = tpu.memref_slice %arg9[%dma_start3A_39, %dma_start3A_40] : memref<10240x128xf32, #tpu.memory_space<vmem_shared>> -> memref<10240x128xf32, #tpu.memory_space<vmem_shared>>
      tpu.enqueue_indirect_dma source(%dma_start3A_37 : memref<8x128xf32, #tpu.memory_space<vmem>>) target(%dma_start3A_41 : memref<10240x128xf32, #tpu.memory_space<vmem_shared>>) offsets(%dma_start3A_38 : memref<8xi32, #tpu.memory_space<vmem>>) semaphore(%run_scoped3A : memref<!tpu.dma_semaphore, #tpu.memory_space<semaphore_mem>>) {add = true}
      %dma_wait3A = arith.constant 0 : i32
      %dma_wait3A_42 = arith.constant 0 : i32
      %dma_wait3A_43 = tpu.memref_slice %arg7[%dma_wait3A, %dma_wait3A_42] : memref<104x128xf32, #tpu.memory_space<vmem>> -> memref<8x128xf32, #tpu.memory_space<vmem>>
      %dma_wait3A_44 = tpu.memref_slice %arg6[%multiple_of3A_33] : memref<5000xi32, #tpu.memory_space<vmem>> -> memref<8xi32, #tpu.memory_space<vmem>>
      %dma_wait3A_45 = arith.constant 0 : i32
      %dma_wait3A_46 = arith.constant 0 : i32
      %dma_wait3A_47 = tpu.memref_slice %arg9[%dma_wait3A_45, %dma_wait3A_46] : memref<10240x128xf32, #tpu.memory_space<vmem_shared>> -> memref<10240x128xf32, #tpu.memory_space<vmem_shared>>
      tpu.wait_indirect_dma semaphore(%run_scoped3A : memref<!tpu.dma_semaphore, #tpu.memory_space<semaphore_mem>>) src(%dma_wait3A_43 : memref<8x128xf32, #tpu.memory_space<vmem>>) dst(%dma_wait3A_47 : memref<10240x128xf32, #tpu.memory_space<vmem_shared>>)
      tpu.yield
    }) : () -> ()
    %barrier3A_34 = arith.constant 0 : index
    tpu.barrier barrier_id(%barrier3A_34)
    "tpu.region"() ({
      %run_scoped3A = tpu.sem_alloc : memref<!tpu.dma_semaphore, #tpu.memory_space<semaphore_mem>>
      %dma_start3A_35 = arith.constant 0 : i32
      %dma_start3A_36 = tpu.memref_slice %arg5[%arg0, %multiple_of3A_5, %dma_start3A_35] : memref<2x10240x128xf32, #tpu.memory_space<hbm>> -> memref<1x640x128xf32, #tpu.memory_space<hbm>>
      %dma_start3A_37 = tpu.memref_squeeze %dma_start3A_36 : memref<1x640x128xf32, #tpu.memory_space<hbm>> -> memref<640x128xf32, #tpu.memory_space<hbm>>
      %dma_start3A_38 = arith.constant 0 : i32
      %dma_start3A_39 = tpu.memref_slice %arg9[%multiple_of3A_5, %dma_start3A_38] : memref<10240x128xf32, #tpu.memory_space<vmem_shared>> -> memref<640x128xf32, #tpu.memory_space<vmem_shared>>
      tpu.enqueue_dma source(%dma_start3A_39 : memref<640x128xf32, #tpu.memory_space<vmem_shared>>) target(%dma_start3A_37 : memref<640x128xf32, #tpu.memory_space<hbm>>) target_semaphore(%run_scoped3A : memref<!tpu.dma_semaphore, #tpu.memory_space<semaphore_mem>>)
      %dma_wait3A = arith.constant 0 : i32
      %dma_wait3A_40 = tpu.memref_slice %arg5[%arg0, %multiple_of3A_5, %dma_wait3A] : memref<2x10240x128xf32, #tpu.memory_space<hbm>> -> memref<1x640x128xf32, #tpu.memory_space<hbm>>
      %dma_wait3A_41 = tpu.memref_squeeze %dma_wait3A_40 : memref<1x640x128xf32, #tpu.memory_space<hbm>> -> memref<640x128xf32, #tpu.memory_space<hbm>>
      %dma_wait3A_42 = arith.constant 0 : i32
      %dma_wait3A_43 = tpu.memref_slice %arg9[%multiple_of3A_5, %dma_wait3A_42] : memref<10240x128xf32, #tpu.memory_space<vmem_shared>> -> memref<640x128xf32, #tpu.memory_space<vmem_shared>>
      tpu.wait_dma2 semaphore(%run_scoped3A : memref<!tpu.dma_semaphore, #tpu.memory_space<semaphore_mem>>) src(%dma_wait3A_43 : memref<640x128xf32, #tpu.memory_space<vmem_shared>>) dst(%dma_wait3A_41 : memref<640x128xf32, #tpu.memory_space<hbm>>)
      tpu.yield
    }) : () -> ()
    return
  }
}

module attributes {stable_mosaic.version = 14 : i64} {
  func.func @_mlp3_body(%arg0: i32, %arg1: memref<1000x128xf32, #tpu.memory_space<vmem>>, %arg2: memref<128x128xf32, #tpu.memory_space<vmem>>, %arg3: memref<1x128xf32, #tpu.memory_space<vmem>>, %arg4: memref<128x128xf32, #tpu.memory_space<vmem>>, %arg5: memref<1x128xf32, #tpu.memory_space<vmem>>, %arg6: memref<128x128xf32, #tpu.memory_space<vmem>>, %arg7: memref<1x128xf32, #tpu.memory_space<vmem>>, %arg8: memref<1000x128xf32, #tpu.memory_space<vmem>>) attributes {dimension_semantics = [#tpu.dimension_semantics<arbitrary>], iteration_bounds = array<i64: 10>, scalar_prefetch = 0 : i64, scratch_operands = 0 : i64, tpu.core_type = #tpu.core_type<tc>, window_params = [{transform_indices = @transform_0, window_bounds = array<i64: 1000, 128>}, {pipeline_mode = #tpu.pipeline_mode<synchronous>, transform_indices = @transform_1, window_bounds = array<i64: 128, 128>}, {pipeline_mode = #tpu.pipeline_mode<synchronous>, transform_indices = @transform_2, window_bounds = array<i64: 1, 128>}, {pipeline_mode = #tpu.pipeline_mode<synchronous>, transform_indices = @transform_3, window_bounds = array<i64: 128, 128>}, {pipeline_mode = #tpu.pipeline_mode<synchronous>, transform_indices = @transform_4, window_bounds = array<i64: 1, 128>}, {pipeline_mode = #tpu.pipeline_mode<synchronous>, transform_indices = @transform_5, window_bounds = array<i64: 128, 128>}, {pipeline_mode = #tpu.pipeline_mode<synchronous>, transform_indices = @transform_6, window_bounds = array<i64: 1, 128>}, {transform_indices = @transform_7, window_bounds = array<i64: 1000, 128>}]} {
    %get3A = arith.constant 0 : index
    %get3A_0 = arith.constant 0 : index
    %get3A_1 = vector.load %arg1[%get3A, %get3A_0] : memref<1000x128xf32, #tpu.memory_space<vmem>>, vector<1000x128xf32>
    %get3A_2 = arith.constant 0 : index
    %get3A_3 = arith.constant 0 : index
    %get3A_4 = vector.load %arg2[%get3A_2, %get3A_3] : memref<128x128xf32, #tpu.memory_space<vmem>>, vector<128x128xf32>
    %dot_general3A = arith.constant dense<0.000000e+00> : vector<1000x128xf32>
    %dot_general3A_5 = tpu.matmul %get3A_1, %get3A_4, %dot_general3A {dimension_numbers = #tpu.dot_dimension_numbers<[1], [0], [0], [1], [0, 0, 1, 1], [], []>, transpose_lhs_hint = false} : vector<1000x128xf32>, vector<128x128xf32>, vector<1000x128xf32> -> vector<1000x128xf32>
    %get3A_6 = arith.constant 0 : index
    %get3A_7 = arith.constant 0 : index
    %get3A_8 = vector.load %arg3[%get3A_6, %get3A_7] : memref<1x128xf32, #tpu.memory_space<vmem>>, vector<1x128xf32>
    %add3A = vector.broadcast %get3A_8 : vector<1x128xf32> to vector<1000x128xf32>
    %add3A_9 = arith.addf %dot_general3A_5, %add3A : vector<1000x128xf32>
    %max3A = arith.constant 0.000000e+00 : f32
    %max3A_10 = vector.broadcast %max3A : f32 to vector<1000x128xf32>
    %max3A_11 = arith.maximumf %add3A_9, %max3A_10 : vector<1000x128xf32>
    %get3A_12 = arith.constant 0 : index
    %get3A_13 = arith.constant 0 : index
    %get3A_14 = vector.load %arg4[%get3A_12, %get3A_13] : memref<128x128xf32, #tpu.memory_space<vmem>>, vector<128x128xf32>
    %dot_general3A_15 = arith.constant dense<0.000000e+00> : vector<1000x128xf32>
    %dot_general3A_16 = tpu.matmul %max3A_11, %get3A_14, %dot_general3A_15 {dimension_numbers = #tpu.dot_dimension_numbers<[1], [0], [0], [1], [0, 0, 1, 1], [], []>, transpose_lhs_hint = false} : vector<1000x128xf32>, vector<128x128xf32>, vector<1000x128xf32> -> vector<1000x128xf32>
    %get3A_17 = arith.constant 0 : index
    %get3A_18 = arith.constant 0 : index
    %get3A_19 = vector.load %arg5[%get3A_17, %get3A_18] : memref<1x128xf32, #tpu.memory_space<vmem>>, vector<1x128xf32>
    %add3A_20 = vector.broadcast %get3A_19 : vector<1x128xf32> to vector<1000x128xf32>
    %add3A_21 = arith.addf %dot_general3A_16, %add3A_20 : vector<1000x128xf32>
    %max3A_22 = arith.constant 0.000000e+00 : f32
    %max3A_23 = vector.broadcast %max3A_22 : f32 to vector<1000x128xf32>
    %max3A_24 = arith.maximumf %add3A_21, %max3A_23 : vector<1000x128xf32>
    %get3A_25 = arith.constant 0 : index
    %get3A_26 = arith.constant 0 : index
    %get3A_27 = vector.load %arg6[%get3A_25, %get3A_26] : memref<128x128xf32, #tpu.memory_space<vmem>>, vector<128x128xf32>
    %dot_general3A_28 = arith.constant dense<0.000000e+00> : vector<1000x128xf32>
    %dot_general3A_29 = tpu.matmul %max3A_24, %get3A_27, %dot_general3A_28 {dimension_numbers = #tpu.dot_dimension_numbers<[1], [0], [0], [1], [0, 0, 1, 1], [], []>, transpose_lhs_hint = false} : vector<1000x128xf32>, vector<128x128xf32>, vector<1000x128xf32> -> vector<1000x128xf32>
    %get3A_30 = arith.constant 0 : index
    %get3A_31 = arith.constant 0 : index
    %get3A_32 = vector.load %arg7[%get3A_30, %get3A_31] : memref<1x128xf32, #tpu.memory_space<vmem>>, vector<1x128xf32>
    %add3A_33 = vector.broadcast %get3A_32 : vector<1x128xf32> to vector<1000x128xf32>
    %add3A_34 = arith.addf %dot_general3A_29, %add3A_33 : vector<1000x128xf32>
    %swap3A = arith.constant 0 : index
    %swap3A_35 = arith.constant 0 : index
    %swap3A_36 = vector.load %arg8[%swap3A, %swap3A_35] : memref<1000x128xf32, #tpu.memory_space<vmem>>, vector<1000x128xf32>
    tpu.vector_store %arg8[%swap3A, %swap3A_35], %add3A_34 {strides = array<i32>} : memref<1000x128xf32, #tpu.memory_space<vmem>>, vector<1000x128xf32>,
    return
  }
  func.func @transform_0(%arg0: i32) -> (i32, i32) {
    %c0_i32 = arith.constant 0 : i32
    %c0_i32_0 = arith.constant 0 : i32
    return %arg0, %c0_i32 : i32, i32
  }
  func.func @transform_1(%arg0: i32) -> (i32, i32) {
    %c0_i32 = arith.constant 0 : i32
    %c0_i32_0 = arith.constant 0 : i32
    %c0_i32_1 = arith.constant 0 : i32
    return %c0_i32, %c0_i32_0 : i32, i32
  }
  func.func @transform_2(%arg0: i32) -> (i32, i32) {
    %c0_i32 = arith.constant 0 : i32
    %c0_i32_0 = arith.constant 0 : i32
    %c0_i32_1 = arith.constant 0 : i32
    return %c0_i32, %c0_i32_0 : i32, i32
  }
  func.func @transform_3(%arg0: i32) -> (i32, i32) {
    %c0_i32 = arith.constant 0 : i32
    %c0_i32_0 = arith.constant 0 : i32
    %c0_i32_1 = arith.constant 0 : i32
    return %c0_i32, %c0_i32_0 : i32, i32
  }
  func.func @transform_4(%arg0: i32) -> (i32, i32) {
    %c0_i32 = arith.constant 0 : i32
    %c0_i32_0 = arith.constant 0 : i32
    %c0_i32_1 = arith.constant 0 : i32
    return %c0_i32, %c0_i32_0 : i32, i32
  }
  func.func @transform_5(%arg0: i32) -> (i32, i32) {
    %c0_i32 = arith.constant 0 : i32
    %c0_i32_0 = arith.constant 0 : i32
    %c0_i32_1 = arith.constant 0 : i32
    return %c0_i32, %c0_i32_0 : i32, i32
  }
  func.func @transform_6(%arg0: i32) -> (i32, i32) {
    %c0_i32 = arith.constant 0 : i32
    %c0_i32_0 = arith.constant 0 : i32
    %c0_i32_1 = arith.constant 0 : i32
    return %c0_i32, %c0_i32_0 : i32, i32
  }
  func.func @transform_7(%arg0: i32) -> (i32, i32) {
    %c0_i32 = arith.constant 0 : i32
    %c0_i32_0 = arith.constant 0 : i32
    return %arg0, %c0_i32 : i32, i32
  }
}

module attributes {stable_mosaic.version = 14 : i64} {
  func.func @_proj_body(%arg0: i32, %arg1: i32, %arg2: memref<640x128xf32, #tpu.memory_space<vmem>>, %arg3: memref<1x128x128xf32, #tpu.memory_space<vmem>>, %arg4: memref<1x640x128xf32, #tpu.memory_space<vmem>>) attributes {dimension_semantics = [#tpu.dimension_semantics<arbitrary>, #tpu.dimension_semantics<arbitrary>], iteration_bounds = array<i64: 16, 2>, scalar_prefetch = 0 : i64, scratch_operands = 0 : i64, tpu.core_type = #tpu.core_type<tc>, window_params = [{transform_indices = @transform_0, window_bounds = array<i64: 640, 128>}, {transform_indices = @transform_1, window_bounds = array<i64: 1, 128, 128>}, {transform_indices = @transform_2, window_bounds = array<i64: 1, 640, 128>}]} {
    %get3A = arith.constant 0 : index
    %get3A_0 = arith.constant 0 : index
    %get3A_1 = vector.load %arg2[%get3A, %get3A_0] : memref<640x128xf32, #tpu.memory_space<vmem>>, vector<640x128xf32>
    %get3A_2 = arith.constant 0 : index
    %get3A_3 = arith.constant 0 : index
    %get3A_4 = arith.constant 0 : index
    %get3A_5 = vector.load %arg3[%get3A_2, %get3A_3, %get3A_4] : memref<1x128x128xf32, #tpu.memory_space<vmem>>, vector<1x128x128xf32>
    %get3A_6 = vector.shape_cast %get3A_5 : vector<1x128x128xf32> to vector<128x128xf32>
    %dot_general3A = arith.constant dense<0.000000e+00> : vector<640x128xf32>
    %dot_general3A_7 = tpu.matmul %get3A_1, %get3A_6, %dot_general3A {dimension_numbers = #tpu.dot_dimension_numbers<[1], [0], [0], [1], [0, 0, 1, 1], [], []>, transpose_lhs_hint = false} : vector<640x128xf32>, vector<128x128xf32>, vector<640x128xf32> -> vector<640x128xf32>
    %swap3A = arith.constant 0 : index
    %swap3A_8 = arith.constant 0 : index
    %swap3A_9 = arith.constant 0 : index
    %swap3A_10 = vector.load %arg4[%swap3A, %swap3A_8, %swap3A_9] : memref<1x640x128xf32, #tpu.memory_space<vmem>>, vector<1x640x128xf32>
    %swap3A_11 = vector.shape_cast %swap3A_10 : vector<1x640x128xf32> to vector<640x128xf32>
    %swap3A_12 = vector.shape_cast %dot_general3A_7 : vector<640x128xf32> to vector<1x640x128xf32>
    tpu.vector_store %arg4[%swap3A, %swap3A_8, %swap3A_9], %swap3A_12 {strides = array<i32>} : memref<1x640x128xf32, #tpu.memory_space<vmem>>, vector<1x640x128xf32>,
    return
  }
  func.func @transform_0(%arg0: i32, %arg1: i32) -> (i32, i32) {
    %c0_i32 = arith.constant 0 : i32
    %c0_i32_0 = arith.constant 0 : i32
    return %arg0, %c0_i32 : i32, i32
  }
  func.func @transform_1(%arg0: i32, %arg1: i32) -> (i32, i32, i32) {
    %c0_i32 = arith.constant 0 : i32
    %c0_i32_0 = arith.constant 0 : i32
    %c0_i32_1 = arith.constant 0 : i32
    return %arg1, %c0_i32, %c0_i32_0 : i32, i32, i32
  }
  func.func @transform_2(%arg0: i32, %arg1: i32) -> (i32, i32, i32) {
    %c0_i32 = arith.constant 0 : i32
    %c0_i32_0 = arith.constant 0 : i32
    return %arg1, %arg0, %c0_i32 : i32, i32, i32
  }
}

module attributes {stable_mosaic.version = 14 : i64} {
  func.func @_mlp3_body(%arg0: i32, %arg1: memref<2000x16xf32, #tpu.memory_space<vmem>>, %arg2: memref<16x128xf32, #tpu.memory_space<vmem>>, %arg3: memref<1x128xf32, #tpu.memory_space<vmem>>, %arg4: memref<128x128xf32, #tpu.memory_space<vmem>>, %arg5: memref<1x128xf32, #tpu.memory_space<vmem>>, %arg6: memref<128x128xf32, #tpu.memory_space<vmem>>, %arg7: memref<1x128xf32, #tpu.memory_space<vmem>>, %arg8: memref<2000x128xf32, #tpu.memory_space<vmem>>) attributes {dimension_semantics = [#tpu.dimension_semantics<arbitrary>], iteration_bounds = array<i64: 80>, scalar_prefetch = 0 : i64, scratch_operands = 0 : i64, tpu.core_type = #tpu.core_type<tc>, window_params = [{transform_indices = @transform_0, window_bounds = array<i64: 2000, 16>}, {pipeline_mode = #tpu.pipeline_mode<synchronous>, transform_indices = @transform_1, window_bounds = array<i64: 16, 128>}, {pipeline_mode = #tpu.pipeline_mode<synchronous>, transform_indices = @transform_2, window_bounds = array<i64: 1, 128>}, {pipeline_mode = #tpu.pipeline_mode<synchronous>, transform_indices = @transform_3, window_bounds = array<i64: 128, 128>}, {pipeline_mode = #tpu.pipeline_mode<synchronous>, transform_indices = @transform_4, window_bounds = array<i64: 1, 128>}, {pipeline_mode = #tpu.pipeline_mode<synchronous>, transform_indices = @transform_5, window_bounds = array<i64: 128, 128>}, {pipeline_mode = #tpu.pipeline_mode<synchronous>, transform_indices = @transform_6, window_bounds = array<i64: 1, 128>}, {transform_indices = @transform_7, window_bounds = array<i64: 2000, 128>}]} {
    %get3A = arith.constant 0 : index
    %get3A_0 = arith.constant 0 : index
    %get3A_1 = vector.load %arg1[%get3A, %get3A_0] : memref<2000x16xf32, #tpu.memory_space<vmem>>, vector<2000x16xf32>
    %get3A_2 = arith.constant 0 : index
    %get3A_3 = arith.constant 0 : index
    %get3A_4 = vector.load %arg2[%get3A_2, %get3A_3] : memref<16x128xf32, #tpu.memory_space<vmem>>, vector<16x128xf32>
    %dot_general3A = arith.constant dense<0.000000e+00> : vector<2000x128xf32>
    %dot_general3A_5 = tpu.matmul %get3A_1, %get3A_4, %dot_general3A {dimension_numbers = #tpu.dot_dimension_numbers<[1], [0], [0], [1], [0, 0, 1, 1], [], []>, transpose_lhs_hint = false} : vector<2000x16xf32>, vector<16x128xf32>, vector<2000x128xf32> -> vector<2000x128xf32>
    %get3A_6 = arith.constant 0 : index
    %get3A_7 = arith.constant 0 : index
    %get3A_8 = vector.load %arg3[%get3A_6, %get3A_7] : memref<1x128xf32, #tpu.memory_space<vmem>>, vector<1x128xf32>
    %add3A = vector.broadcast %get3A_8 : vector<1x128xf32> to vector<2000x128xf32>
    %add3A_9 = arith.addf %dot_general3A_5, %add3A : vector<2000x128xf32>
    %max3A = arith.constant 0.000000e+00 : f32
    %max3A_10 = vector.broadcast %max3A : f32 to vector<2000x128xf32>
    %max3A_11 = arith.maximumf %add3A_9, %max3A_10 : vector<2000x128xf32>
    %get3A_12 = arith.constant 0 : index
    %get3A_13 = arith.constant 0 : index
    %get3A_14 = vector.load %arg4[%get3A_12, %get3A_13] : memref<128x128xf32, #tpu.memory_space<vmem>>, vector<128x128xf32>
    %dot_general3A_15 = arith.constant dense<0.000000e+00> : vector<2000x128xf32>
    %dot_general3A_16 = tpu.matmul %max3A_11, %get3A_14, %dot_general3A_15 {dimension_numbers = #tpu.dot_dimension_numbers<[1], [0], [0], [1], [0, 0, 1, 1], [], []>, transpose_lhs_hint = false} : vector<2000x128xf32>, vector<128x128xf32>, vector<2000x128xf32> -> vector<2000x128xf32>
    %get3A_17 = arith.constant 0 : index
    %get3A_18 = arith.constant 0 : index
    %get3A_19 = vector.load %arg5[%get3A_17, %get3A_18] : memref<1x128xf32, #tpu.memory_space<vmem>>, vector<1x128xf32>
    %add3A_20 = vector.broadcast %get3A_19 : vector<1x128xf32> to vector<2000x128xf32>
    %add3A_21 = arith.addf %dot_general3A_16, %add3A_20 : vector<2000x128xf32>
    %max3A_22 = arith.constant 0.000000e+00 : f32
    %max3A_23 = vector.broadcast %max3A_22 : f32 to vector<2000x128xf32>
    %max3A_24 = arith.maximumf %add3A_21, %max3A_23 : vector<2000x128xf32>
    %get3A_25 = arith.constant 0 : index
    %get3A_26 = arith.constant 0 : index
    %get3A_27 = vector.load %arg6[%get3A_25, %get3A_26] : memref<128x128xf32, #tpu.memory_space<vmem>>, vector<128x128xf32>
    %dot_general3A_28 = arith.constant dense<0.000000e+00> : vector<2000x128xf32>
    %dot_general3A_29 = tpu.matmul %max3A_24, %get3A_27, %dot_general3A_28 {dimension_numbers = #tpu.dot_dimension_numbers<[1], [0], [0], [1], [0, 0, 1, 1], [], []>, transpose_lhs_hint = false} : vector<2000x128xf32>, vector<128x128xf32>, vector<2000x128xf32> -> vector<2000x128xf32>
    %get3A_30 = arith.constant 0 : index
    %get3A_31 = arith.constant 0 : index
    %get3A_32 = vector.load %arg7[%get3A_30, %get3A_31] : memref<1x128xf32, #tpu.memory_space<vmem>>, vector<1x128xf32>
    %add3A_33 = vector.broadcast %get3A_32 : vector<1x128xf32> to vector<2000x128xf32>
    %add3A_34 = arith.addf %dot_general3A_29, %add3A_33 : vector<2000x128xf32>
    %swap3A = arith.constant 0 : index
    %swap3A_35 = arith.constant 0 : index
    %swap3A_36 = vector.load %arg8[%swap3A, %swap3A_35] : memref<2000x128xf32, #tpu.memory_space<vmem>>, vector<2000x128xf32>
    tpu.vector_store %arg8[%swap3A, %swap3A_35], %add3A_34 {strides = array<i32>} : memref<2000x128xf32, #tpu.memory_space<vmem>>, vector<2000x128xf32>,
    return
  }
  func.func @transform_0(%arg0: i32) -> (i32, i32) {
    %c0_i32 = arith.constant 0 : i32
    %c0_i32_0 = arith.constant 0 : i32
    return %arg0, %c0_i32 : i32, i32
  }
  func.func @transform_1(%arg0: i32) -> (i32, i32) {
    %c0_i32 = arith.constant 0 : i32
    %c0_i32_0 = arith.constant 0 : i32
    %c0_i32_1 = arith.constant 0 : i32
    return %c0_i32, %c0_i32_0 : i32, i32
  }
  func.func @transform_2(%arg0: i32) -> (i32, i32) {
    %c0_i32 = arith.constant 0 : i32
    %c0_i32_0 = arith.constant 0 : i32
    %c0_i32_1 = arith.constant 0 : i32
    return %c0_i32, %c0_i32_0 : i32, i32
  }
  func.func @transform_3(%arg0: i32) -> (i32, i32) {
    %c0_i32 = arith.constant 0 : i32
    %c0_i32_0 = arith.constant 0 : i32
    %c0_i32_1 = arith.constant 0 : i32
    return %c0_i32, %c0_i32_0 : i32, i32
  }
  func.func @transform_4(%arg0: i32) -> (i32, i32) {
    %c0_i32 = arith.constant 0 : i32
    %c0_i32_0 = arith.constant 0 : i32
    %c0_i32_1 = arith.constant 0 : i32
    return %c0_i32, %c0_i32_0 : i32, i32
  }
  func.func @transform_5(%arg0: i32) -> (i32, i32) {
    %c0_i32 = arith.constant 0 : i32
    %c0_i32_0 = arith.constant 0 : i32
    %c0_i32_1 = arith.constant 0 : i32
    return %c0_i32, %c0_i32_0 : i32, i32
  }
  func.func @transform_6(%arg0: i32) -> (i32, i32) {
    %c0_i32 = arith.constant 0 : i32
    %c0_i32_0 = arith.constant 0 : i32
    %c0_i32_1 = arith.constant 0 : i32
    return %c0_i32, %c0_i32_0 : i32, i32
  }
  func.func @transform_7(%arg0: i32) -> (i32, i32) {
    %c0_i32 = arith.constant 0 : i32
    %c0_i32_0 = arith.constant 0 : i32
    return %arg0, %c0_i32 : i32, i32
  }
}

module attributes {stable_mosaic.version = 14 : i64} {
  func.func @_edge_body(%arg0: i32, %arg1: memref<1x2000x128xf32, #tpu.memory_space<vmem>>, %arg2: memref<1x2000x128xf32, #tpu.memory_space<vmem>>, %arg3: memref<2000x128xf32, #tpu.memory_space<vmem>>, %arg4: memref<128x128xf32, #tpu.memory_space<vmem>>, %arg5: memref<1x128xf32, #tpu.memory_space<vmem>>, %arg6: memref<128x128xf32, #tpu.memory_space<vmem>>, %arg7: memref<1x128xf32, #tpu.memory_space<vmem>>, %arg8: memref<128x128xf32, #tpu.memory_space<vmem>>, %arg9: memref<1x128xf32, #tpu.memory_space<vmem>>, %arg10: memref<2000x128xf32, #tpu.memory_space<vmem>>) attributes {dimension_semantics = [#tpu.dimension_semantics<arbitrary>], iteration_bounds = array<i64: 80>, scalar_prefetch = 0 : i64, scratch_operands = 0 : i64, tpu.core_type = #tpu.core_type<tc>, window_params = [{transform_indices = @transform_0, window_bounds = array<i64: 1, 2000, 128>}, {transform_indices = @transform_1, window_bounds = array<i64: 1, 2000, 128>}, {transform_indices = @transform_2, window_bounds = array<i64: 2000, 128>}, {pipeline_mode = #tpu.pipeline_mode<synchronous>, transform_indices = @transform_3, window_bounds = array<i64: 128, 128>}, {pipeline_mode = #tpu.pipeline_mode<synchronous>, transform_indices = @transform_4, window_bounds = array<i64: 1, 128>}, {pipeline_mode = #tpu.pipeline_mode<synchronous>, transform_indices = @transform_5, window_bounds = array<i64: 128, 128>}, {pipeline_mode = #tpu.pipeline_mode<synchronous>, transform_indices = @transform_6, window_bounds = array<i64: 1, 128>}, {pipeline_mode = #tpu.pipeline_mode<synchronous>, transform_indices = @transform_7, window_bounds = array<i64: 128, 128>}, {pipeline_mode = #tpu.pipeline_mode<synchronous>, transform_indices = @transform_8, window_bounds = array<i64: 1, 128>}, {transform_indices = @transform_9, window_bounds = array<i64: 2000, 128>}]} {
    %get3A = arith.constant 0 : index
    %get3A_0 = arith.constant 0 : index
    %get3A_1 = vector.load %arg3[%get3A, %get3A_0] : memref<2000x128xf32, #tpu.memory_space<vmem>>, vector<2000x128xf32>
    %get3A_2 = arith.constant 0 : index
    %get3A_3 = arith.constant 0 : index
    %get3A_4 = arith.constant 0 : index
    %get3A_5 = vector.load %arg1[%get3A_2, %get3A_3, %get3A_4] : memref<1x2000x128xf32, #tpu.memory_space<vmem>>, vector<1x2000x128xf32>
    %get3A_6 = vector.shape_cast %get3A_5 : vector<1x2000x128xf32> to vector<2000x128xf32>
    %get3A_7 = arith.constant 0 : index
    %get3A_8 = arith.constant 0 : index
    %get3A_9 = arith.constant 0 : index
    %get3A_10 = vector.load %arg2[%get3A_7, %get3A_8, %get3A_9] : memref<1x2000x128xf32, #tpu.memory_space<vmem>>, vector<1x2000x128xf32>
    %get3A_11 = vector.shape_cast %get3A_10 : vector<1x2000x128xf32> to vector<2000x128xf32>
    %add3A = arith.addf %get3A_6, %get3A_11 : vector<2000x128xf32>
    %get3A_12 = arith.constant 0 : index
    %get3A_13 = arith.constant 0 : index
    %get3A_14 = vector.load %arg4[%get3A_12, %get3A_13] : memref<128x128xf32, #tpu.memory_space<vmem>>, vector<128x128xf32>
    %dot_general3A = arith.constant dense<0.000000e+00> : vector<2000x128xf32>
    %dot_general3A_15 = tpu.matmul %get3A_1, %get3A_14, %dot_general3A {dimension_numbers = #tpu.dot_dimension_numbers<[1], [0], [0], [1], [0, 0, 1, 1], [], []>, transpose_lhs_hint = false} : vector<2000x128xf32>, vector<128x128xf32>, vector<2000x128xf32> -> vector<2000x128xf32>
    %add3A_16 = arith.addf %add3A, %dot_general3A_15 : vector<2000x128xf32>
    %get3A_17 = arith.constant 0 : index
    %get3A_18 = arith.constant 0 : index
    %get3A_19 = vector.load %arg5[%get3A_17, %get3A_18] : memref<1x128xf32, #tpu.memory_space<vmem>>, vector<1x128xf32>
    %add3A_20 = vector.broadcast %get3A_19 : vector<1x128xf32> to vector<2000x128xf32>
    %add3A_21 = arith.addf %add3A_16, %add3A_20 : vector<2000x128xf32>
    %max3A = arith.constant 0.000000e+00 : f32
    %max3A_22 = vector.broadcast %max3A : f32 to vector<2000x128xf32>
    %max3A_23 = arith.maximumf %add3A_21, %max3A_22 : vector<2000x128xf32>
    %get3A_24 = arith.constant 0 : index
    %get3A_25 = arith.constant 0 : index
    %get3A_26 = vector.load %arg6[%get3A_24, %get3A_25] : memref<128x128xf32, #tpu.memory_space<vmem>>, vector<128x128xf32>
    %dot_general3A_27 = arith.constant dense<0.000000e+00> : vector<2000x128xf32>
    %dot_general3A_28 = tpu.matmul %max3A_23, %get3A_26, %dot_general3A_27 {dimension_numbers = #tpu.dot_dimension_numbers<[1], [0], [0], [1], [0, 0, 1, 1], [], []>, transpose_lhs_hint = false} : vector<2000x128xf32>, vector<128x128xf32>, vector<2000x128xf32> -> vector<2000x128xf32>
    %get3A_29 = arith.constant 0 : index
    %get3A_30 = arith.constant 0 : index
    %get3A_31 = vector.load %arg7[%get3A_29, %get3A_30] : memref<1x128xf32, #tpu.memory_space<vmem>>, vector<1x128xf32>
    %add3A_32 = vector.broadcast %get3A_31 : vector<1x128xf32> to vector<2000x128xf32>
    %add3A_33 = arith.addf %dot_general3A_28, %add3A_32 : vector<2000x128xf32>
    %max3A_34 = arith.constant 0.000000e+00 : f32
    %max3A_35 = vector.broadcast %max3A_34 : f32 to vector<2000x128xf32>
    %max3A_36 = arith.maximumf %add3A_33, %max3A_35 : vector<2000x128xf32>
    %get3A_37 = arith.constant 0 : index
    %get3A_38 = arith.constant 0 : index
    %get3A_39 = vector.load %arg8[%get3A_37, %get3A_38] : memref<128x128xf32, #tpu.memory_space<vmem>>, vector<128x128xf32>
    %dot_general3A_40 = arith.constant dense<0.000000e+00> : vector<2000x128xf32>
    %dot_general3A_41 = tpu.matmul %max3A_36, %get3A_39, %dot_general3A_40 {dimension_numbers = #tpu.dot_dimension_numbers<[1], [0], [0], [1], [0, 0, 1, 1], [], []>, transpose_lhs_hint = false} : vector<2000x128xf32>, vector<128x128xf32>, vector<2000x128xf32> -> vector<2000x128xf32>
    %get3A_42 = arith.constant 0 : index
    %get3A_43 = arith.constant 0 : index
    %get3A_44 = vector.load %arg9[%get3A_42, %get3A_43] : memref<1x128xf32, #tpu.memory_space<vmem>>, vector<1x128xf32>
    %add3A_45 = vector.broadcast %get3A_44 : vector<1x128xf32> to vector<2000x128xf32>
    %add3A_46 = arith.addf %dot_general3A_41, %add3A_45 : vector<2000x128xf32>
    %add3A_47 = arith.addf %add3A_46, %get3A_1 : vector<2000x128xf32>
    %swap3A = arith.constant 0 : index
    %swap3A_48 = arith.constant 0 : index
    %swap3A_49 = vector.load %arg10[%swap3A, %swap3A_48] : memref<2000x128xf32, #tpu.memory_space<vmem>>, vector<2000x128xf32>
    tpu.vector_store %arg10[%swap3A, %swap3A_48], %add3A_47 {strides = array<i32>} : memref<2000x128xf32, #tpu.memory_space<vmem>>, vector<2000x128xf32>,
    return
  }
  func.func @transform_0(%arg0: i32) -> (i32, i32, i32) {
    %c0_i32 = arith.constant 0 : i32
    %c0_i32_0 = arith.constant 0 : i32
    %c0_i32_1 = arith.constant 0 : i32
    return %c0_i32, %arg0, %c0_i32_0 : i32, i32, i32
  }
  func.func @transform_1(%arg0: i32) -> (i32, i32, i32) {
    %c1_i32 = arith.constant 1 : i32
    %c0_i32 = arith.constant 0 : i32
    %c0_i32_0 = arith.constant 0 : i32
    return %c1_i32, %arg0, %c0_i32 : i32, i32, i32
  }
  func.func @transform_2(%arg0: i32) -> (i32, i32) {
    %c0_i32 = arith.constant 0 : i32
    %c0_i32_0 = arith.constant 0 : i32
    return %arg0, %c0_i32 : i32, i32
  }
  func.func @transform_3(%arg0: i32) -> (i32, i32) {
    %c0_i32 = arith.constant 0 : i32
    %c0_i32_0 = arith.constant 0 : i32
    %c0_i32_1 = arith.constant 0 : i32
    return %c0_i32, %c0_i32_0 : i32, i32
  }
  func.func @transform_4(%arg0: i32) -> (i32, i32) {
    %c0_i32 = arith.constant 0 : i32
    %c0_i32_0 = arith.constant 0 : i32
    %c0_i32_1 = arith.constant 0 : i32
    return %c0_i32, %c0_i32_0 : i32, i32
  }
  func.func @transform_5(%arg0: i32) -> (i32, i32) {
    %c0_i32 = arith.constant 0 : i32
    %c0_i32_0 = arith.constant 0 : i32
    %c0_i32_1 = arith.constant 0 : i32
    return %c0_i32, %c0_i32_0 : i32, i32
  }
  func.func @transform_6(%arg0: i32) -> (i32, i32) {
    %c0_i32 = arith.constant 0 : i32
    %c0_i32_0 = arith.constant 0 : i32
    %c0_i32_1 = arith.constant 0 : i32
    return %c0_i32, %c0_i32_0 : i32, i32
  }
  func.func @transform_7(%arg0: i32) -> (i32, i32) {
    %c0_i32 = arith.constant 0 : i32
    %c0_i32_0 = arith.constant 0 : i32
    %c0_i32_1 = arith.constant 0 : i32
    return %c0_i32, %c0_i32_0 : i32, i32
  }
  func.func @transform_8(%arg0: i32) -> (i32, i32) {
    %c0_i32 = arith.constant 0 : i32
    %c0_i32_0 = arith.constant 0 : i32
    %c0_i32_1 = arith.constant 0 : i32
    return %c0_i32, %c0_i32_0 : i32, i32
  }
  func.func @transform_9(%arg0: i32) -> (i32, i32) {
    %c0_i32 = arith.constant 0 : i32
    %c0_i32_0 = arith.constant 0 : i32
    return %arg0, %c0_i32 : i32, i32
  }
}

module attributes {stable_mosaic.version = 14 : i64} {
  func.func @_node_body(%arg0: i32, %arg1: memref<1000x128xf32, #tpu.memory_space<vmem>>, %arg2: memref<1x1000x128xf32, #tpu.memory_space<vmem>>, %arg3: memref<1x1000x128xf32, #tpu.memory_space<vmem>>, %arg4: memref<128x128xf32, #tpu.memory_space<vmem>>, %arg5: memref<128x128xf32, #tpu.memory_space<vmem>>, %arg6: memref<1x128xf32, #tpu.memory_space<vmem>>, %arg7: memref<128x128xf32, #tpu.memory_space<vmem>>, %arg8: memref<1x128xf32, #tpu.memory_space<vmem>>, %arg9: memref<128x128xf32, #tpu.memory_space<vmem>>, %arg10: memref<1x128xf32, #tpu.memory_space<vmem>>, %arg11: memref<1000x128xf32, #tpu.memory_space<vmem>>) attributes {dimension_semantics = [#tpu.dimension_semantics<arbitrary>], iteration_bounds = array<i64: 10>, scalar_prefetch = 0 : i64, scratch_operands = 0 : i64, tpu.core_type = #tpu.core_type<tc>, window_params = [{transform_indices = @transform_0, window_bounds = array<i64: 1000, 128>}, {transform_indices = @transform_1, window_bounds = array<i64: 1, 1000, 128>}, {transform_indices = @transform_2, window_bounds = array<i64: 1, 1000, 128>}, {pipeline_mode = #tpu.pipeline_mode<synchronous>, transform_indices = @transform_3, window_bounds = array<i64: 128, 128>}, {pipeline_mode = #tpu.pipeline_mode<synchronous>, transform_indices = @transform_4, window_bounds = array<i64: 128, 128>}, {pipeline_mode = #tpu.pipeline_mode<synchronous>, transform_indices = @transform_5, window_bounds = array<i64: 1, 128>}, {pipeline_mode = #tpu.pipeline_mode<synchronous>, transform_indices = @transform_6, window_bounds = array<i64: 128, 128>}, {pipeline_mode = #tpu.pipeline_mode<synchronous>, transform_indices = @transform_7, window_bounds = array<i64: 1, 128>}, {pipeline_mode = #tpu.pipeline_mode<synchronous>, transform_indices = @transform_8, window_bounds = array<i64: 128, 128>}, {pipeline_mode = #tpu.pipeline_mode<synchronous>, transform_indices = @transform_9, window_bounds = array<i64: 1, 128>}, {transform_indices = @transform_10, window_bounds = array<i64: 1000, 128>}]} {
    %get3A = arith.constant 0 : index
    %get3A_0 = arith.constant 0 : index
    %get3A_1 = vector.load %arg1[%get3A, %get3A_0] : memref<1000x128xf32, #tpu.memory_space<vmem>>, vector<1000x128xf32>
    %get3A_2 = arith.constant 0 : index
    %get3A_3 = arith.constant 0 : index
    %get3A_4 = arith.constant 0 : index
    %get3A_5 = vector.load %arg2[%get3A_2, %get3A_3, %get3A_4] : memref<1x1000x128xf32, #tpu.memory_space<vmem>>, vector<1x1000x128xf32>
    %get3A_6 = vector.shape_cast %get3A_5 : vector<1x1000x128xf32> to vector<1000x128xf32>
    %get3A_7 = arith.constant 0 : index
    %get3A_8 = arith.constant 0 : index
    %get3A_9 = arith.constant 0 : index
    %get3A_10 = vector.load %arg3[%get3A_7, %get3A_8, %get3A_9] : memref<1x1000x128xf32, #tpu.memory_space<vmem>>, vector<1x1000x128xf32>
    %get3A_11 = vector.shape_cast %get3A_10 : vector<1x1000x128xf32> to vector<1000x128xf32>
    %add3A = arith.addf %get3A_6, %get3A_11 : vector<1000x128xf32>
    %get3A_12 = arith.constant 0 : index
    %get3A_13 = arith.constant 0 : index
    %get3A_14 = vector.load %arg4[%get3A_12, %get3A_13] : memref<128x128xf32, #tpu.memory_space<vmem>>, vector<128x128xf32>
    %dot_general3A = arith.constant dense<0.000000e+00> : vector<1000x128xf32>
    %dot_general3A_15 = tpu.matmul %get3A_1, %get3A_14, %dot_general3A {dimension_numbers = #tpu.dot_dimension_numbers<[1], [0], [0], [1], [0, 0, 1, 1], [], []>, transpose_lhs_hint = false} : vector<1000x128xf32>, vector<128x128xf32>, vector<1000x128xf32> -> vector<1000x128xf32>
    %get3A_16 = arith.constant 0 : index
    %get3A_17 = arith.constant 0 : index
    %get3A_18 = vector.load %arg5[%get3A_16, %get3A_17] : memref<128x128xf32, #tpu.memory_space<vmem>>, vector<128x128xf32>
    %dot_general3A_19 = arith.constant dense<0.000000e+00> : vector<1000x128xf32>
    %dot_general3A_20 = tpu.matmul %add3A, %get3A_18, %dot_general3A_19 {dimension_numbers = #tpu.dot_dimension_numbers<[1], [0], [0], [1], [0, 0, 1, 1], [], []>, transpose_lhs_hint = false} : vector<1000x128xf32>, vector<128x128xf32>, vector<1000x128xf32> -> vector<1000x128xf32>
    %add3A_21 = arith.addf %dot_general3A_15, %dot_general3A_20 : vector<1000x128xf32>
    %get3A_22 = arith.constant 0 : index
    %get3A_23 = arith.constant 0 : index
    %get3A_24 = vector.load %arg6[%get3A_22, %get3A_23] : memref<1x128xf32, #tpu.memory_space<vmem>>, vector<1x128xf32>
    %add3A_25 = vector.broadcast %get3A_24 : vector<1x128xf32> to vector<1000x128xf32>
    %add3A_26 = arith.addf %add3A_21, %add3A_25 : vector<1000x128xf32>
    %max3A = arith.constant 0.000000e+00 : f32
    %max3A_27 = vector.broadcast %max3A : f32 to vector<1000x128xf32>
    %max3A_28 = arith.maximumf %add3A_26, %max3A_27 : vector<1000x128xf32>
    %get3A_29 = arith.constant 0 : index
    %get3A_30 = arith.constant 0 : index
    %get3A_31 = vector.load %arg7[%get3A_29, %get3A_30] : memref<128x128xf32, #tpu.memory_space<vmem>>, vector<128x128xf32>
    %dot_general3A_32 = arith.constant dense<0.000000e+00> : vector<1000x128xf32>
    %dot_general3A_33 = tpu.matmul %max3A_28, %get3A_31, %dot_general3A_32 {dimension_numbers = #tpu.dot_dimension_numbers<[1], [0], [0], [1], [0, 0, 1, 1], [], []>, transpose_lhs_hint = false} : vector<1000x128xf32>, vector<128x128xf32>, vector<1000x128xf32> -> vector<1000x128xf32>
    %get3A_34 = arith.constant 0 : index
    %get3A_35 = arith.constant 0 : index
    %get3A_36 = vector.load %arg8[%get3A_34, %get3A_35] : memref<1x128xf32, #tpu.memory_space<vmem>>, vector<1x128xf32>
    %add3A_37 = vector.broadcast %get3A_36 : vector<1x128xf32> to vector<1000x128xf32>
    %add3A_38 = arith.addf %dot_general3A_33, %add3A_37 : vector<1000x128xf32>
    %max3A_39 = arith.constant 0.000000e+00 : f32
    %max3A_40 = vector.broadcast %max3A_39 : f32 to vector<1000x128xf32>
    %max3A_41 = arith.maximumf %add3A_38, %max3A_40 : vector<1000x128xf32>
    %get3A_42 = arith.constant 0 : index
    %get3A_43 = arith.constant 0 : index
    %get3A_44 = vector.load %arg9[%get3A_42, %get3A_43] : memref<128x128xf32, #tpu.memory_space<vmem>>, vector<128x128xf32>
    %dot_general3A_45 = arith.constant dense<0.000000e+00> : vector<1000x128xf32>
    %dot_general3A_46 = tpu.matmul %max3A_41, %get3A_44, %dot_general3A_45 {dimension_numbers = #tpu.dot_dimension_numbers<[1], [0], [0], [1], [0, 0, 1, 1], [], []>, transpose_lhs_hint = false} : vector<1000x128xf32>, vector<128x128xf32>, vector<1000x128xf32> -> vector<1000x128xf32>
    %get3A_47 = arith.constant 0 : index
    %get3A_48 = arith.constant 0 : index
    %get3A_49 = vector.load %arg10[%get3A_47, %get3A_48] : memref<1x128xf32, #tpu.memory_space<vmem>>, vector<1x128xf32>
    %add3A_50 = vector.broadcast %get3A_49 : vector<1x128xf32> to vector<1000x128xf32>
    %add3A_51 = arith.addf %dot_general3A_46, %add3A_50 : vector<1000x128xf32>
    %add3A_52 = arith.addf %add3A_51, %get3A_1 : vector<1000x128xf32>
    %swap3A = arith.constant 0 : index
    %swap3A_53 = arith.constant 0 : index
    %swap3A_54 = vector.load %arg11[%swap3A, %swap3A_53] : memref<1000x128xf32, #tpu.memory_space<vmem>>, vector<1000x128xf32>
    tpu.vector_store %arg11[%swap3A, %swap3A_53], %add3A_52 {strides = array<i32>} : memref<1000x128xf32, #tpu.memory_space<vmem>>, vector<1000x128xf32>,
    return
  }
  func.func @transform_0(%arg0: i32) -> (i32, i32) {
    %c0_i32 = arith.constant 0 : i32
    %c0_i32_0 = arith.constant 0 : i32
    return %arg0, %c0_i32 : i32, i32
  }
  func.func @transform_1(%arg0: i32) -> (i32, i32, i32) {
    %c0_i32 = arith.constant 0 : i32
    %c0_i32_0 = arith.constant 0 : i32
    %c0_i32_1 = arith.constant 0 : i32
    return %c0_i32, %arg0, %c0_i32_0 : i32, i32, i32
  }
  func.func @transform_2(%arg0: i32) -> (i32, i32, i32) {
    %c1_i32 = arith.constant 1 : i32
    %c0_i32 = arith.constant 0 : i32
    %c0_i32_0 = arith.constant 0 : i32
    return %c1_i32, %arg0, %c0_i32 : i32, i32, i32
  }
  func.func @transform_3(%arg0: i32) -> (i32, i32) {
    %c0_i32 = arith.constant 0 : i32
    %c0_i32_0 = arith.constant 0 : i32
    %c0_i32_1 = arith.constant 0 : i32
    return %c0_i32, %c0_i32_0 : i32, i32
  }
  func.func @transform_4(%arg0: i32) -> (i32, i32) {
    %c0_i32 = arith.constant 0 : i32
    %c0_i32_0 = arith.constant 0 : i32
    %c0_i32_1 = arith.constant 0 : i32
    return %c0_i32, %c0_i32_0 : i32, i32
  }
  func.func @transform_5(%arg0: i32) -> (i32, i32) {
    %c0_i32 = arith.constant 0 : i32
    %c0_i32_0 = arith.constant 0 : i32
    %c0_i32_1 = arith.constant 0 : i32
    return %c0_i32, %c0_i32_0 : i32, i32
  }
  func.func @transform_6(%arg0: i32) -> (i32, i32) {
    %c0_i32 = arith.constant 0 : i32
    %c0_i32_0 = arith.constant 0 : i32
    %c0_i32_1 = arith.constant 0 : i32
    return %c0_i32, %c0_i32_0 : i32, i32
  }
  func.func @transform_7(%arg0: i32) -> (i32, i32) {
    %c0_i32 = arith.constant 0 : i32
    %c0_i32_0 = arith.constant 0 : i32
    %c0_i32_1 = arith.constant 0 : i32
    return %c0_i32, %c0_i32_0 : i32, i32
  }
  func.func @transform_8(%arg0: i32) -> (i32, i32) {
    %c0_i32 = arith.constant 0 : i32
    %c0_i32_0 = arith.constant 0 : i32
    %c0_i32_1 = arith.constant 0 : i32
    return %c0_i32, %c0_i32_0 : i32, i32
  }
  func.func @transform_9(%arg0: i32) -> (i32, i32) {
    %c0_i32 = arith.constant 0 : i32
    %c0_i32_0 = arith.constant 0 : i32
    %c0_i32_1 = arith.constant 0 : i32
    return %c0_i32, %c0_i32_0 : i32, i32
  }
  func.func @transform_10(%arg0: i32) -> (i32, i32) {
    %c0_i32 = arith.constant 0 : i32
    %c0_i32_0 = arith.constant 0 : i32
    return %arg0, %c0_i32 : i32, i32
  }
}

module attributes {stable_mosaic.version = 14 : i64} {
  func.func @_mlp3_body(%arg0: i32, %arg1: memref<1000x128xf32, #tpu.memory_space<vmem>>, %arg2: memref<128x128xf32, #tpu.memory_space<vmem>>, %arg3: memref<1x128xf32, #tpu.memory_space<vmem>>, %arg4: memref<128x128xf32, #tpu.memory_space<vmem>>, %arg5: memref<1x128xf32, #tpu.memory_space<vmem>>, %arg6: memref<128x3xf32, #tpu.memory_space<vmem>>, %arg7: memref<1x3xf32, #tpu.memory_space<vmem>>, %arg8: memref<1000x3xf32, #tpu.memory_space<vmem>>) attributes {dimension_semantics = [#tpu.dimension_semantics<arbitrary>], iteration_bounds = array<i64: 10>, scalar_prefetch = 0 : i64, scratch_operands = 0 : i64, tpu.core_type = #tpu.core_type<tc>, window_params = [{transform_indices = @transform_0, window_bounds = array<i64: 1000, 128>}, {pipeline_mode = #tpu.pipeline_mode<synchronous>, transform_indices = @transform_1, window_bounds = array<i64: 128, 128>}, {pipeline_mode = #tpu.pipeline_mode<synchronous>, transform_indices = @transform_2, window_bounds = array<i64: 1, 128>}, {pipeline_mode = #tpu.pipeline_mode<synchronous>, transform_indices = @transform_3, window_bounds = array<i64: 128, 128>}, {pipeline_mode = #tpu.pipeline_mode<synchronous>, transform_indices = @transform_4, window_bounds = array<i64: 1, 128>}, {pipeline_mode = #tpu.pipeline_mode<synchronous>, transform_indices = @transform_5, window_bounds = array<i64: 128, 3>}, {pipeline_mode = #tpu.pipeline_mode<synchronous>, transform_indices = @transform_6, window_bounds = array<i64: 1, 3>}, {transform_indices = @transform_7, window_bounds = array<i64: 1000, 3>}]} {
    %get3A = arith.constant 0 : index
    %get3A_0 = arith.constant 0 : index
    %get3A_1 = vector.load %arg1[%get3A, %get3A_0] : memref<1000x128xf32, #tpu.memory_space<vmem>>, vector<1000x128xf32>
    %get3A_2 = arith.constant 0 : index
    %get3A_3 = arith.constant 0 : index
    %get3A_4 = vector.load %arg2[%get3A_2, %get3A_3] : memref<128x128xf32, #tpu.memory_space<vmem>>, vector<128x128xf32>
    %dot_general3A = arith.constant dense<0.000000e+00> : vector<1000x128xf32>
    %dot_general3A_5 = tpu.matmul %get3A_1, %get3A_4, %dot_general3A {dimension_numbers = #tpu.dot_dimension_numbers<[1], [0], [0], [1], [0, 0, 1, 1], [], []>, transpose_lhs_hint = false} : vector<1000x128xf32>, vector<128x128xf32>, vector<1000x128xf32> -> vector<1000x128xf32>
    %get3A_6 = arith.constant 0 : index
    %get3A_7 = arith.constant 0 : index
    %get3A_8 = vector.load %arg3[%get3A_6, %get3A_7] : memref<1x128xf32, #tpu.memory_space<vmem>>, vector<1x128xf32>
    %add3A = vector.broadcast %get3A_8 : vector<1x128xf32> to vector<1000x128xf32>
    %add3A_9 = arith.addf %dot_general3A_5, %add3A : vector<1000x128xf32>
    %max3A = arith.constant 0.000000e+00 : f32
    %max3A_10 = vector.broadcast %max3A : f32 to vector<1000x128xf32>
    %max3A_11 = arith.maximumf %add3A_9, %max3A_10 : vector<1000x128xf32>
    %get3A_12 = arith.constant 0 : index
    %get3A_13 = arith.constant 0 : index
    %get3A_14 = vector.load %arg4[%get3A_12, %get3A_13] : memref<128x128xf32, #tpu.memory_space<vmem>>, vector<128x128xf32>
    %dot_general3A_15 = arith.constant dense<0.000000e+00> : vector<1000x128xf32>
    %dot_general3A_16 = tpu.matmul %max3A_11, %get3A_14, %dot_general3A_15 {dimension_numbers = #tpu.dot_dimension_numbers<[1], [0], [0], [1], [0, 0, 1, 1], [], []>, transpose_lhs_hint = false} : vector<1000x128xf32>, vector<128x128xf32>, vector<1000x128xf32> -> vector<1000x128xf32>
    %get3A_17 = arith.constant 0 : index
    %get3A_18 = arith.constant 0 : index
    %get3A_19 = vector.load %arg5[%get3A_17, %get3A_18] : memref<1x128xf32, #tpu.memory_space<vmem>>, vector<1x128xf32>
    %add3A_20 = vector.broadcast %get3A_19 : vector<1x128xf32> to vector<1000x128xf32>
    %add3A_21 = arith.addf %dot_general3A_16, %add3A_20 : vector<1000x128xf32>
    %max3A_22 = arith.constant 0.000000e+00 : f32
    %max3A_23 = vector.broadcast %max3A_22 : f32 to vector<1000x128xf32>
    %max3A_24 = arith.maximumf %add3A_21, %max3A_23 : vector<1000x128xf32>
    %get3A_25 = arith.constant 0 : index
    %get3A_26 = arith.constant 0 : index
    %get3A_27 = vector.load %arg6[%get3A_25, %get3A_26] : memref<128x3xf32, #tpu.memory_space<vmem>>, vector<128x3xf32>
    %dot_general3A_28 = arith.constant dense<0.000000e+00> : vector<1000x3xf32>
    %dot_general3A_29 = tpu.matmul %max3A_24, %get3A_27, %dot_general3A_28 {dimension_numbers = #tpu.dot_dimension_numbers<[1], [0], [0], [1], [0, 0, 1, 1], [], []>, transpose_lhs_hint = false} : vector<1000x128xf32>, vector<128x3xf32>, vector<1000x3xf32> -> vector<1000x3xf32>
    %get3A_30 = arith.constant 0 : index
    %get3A_31 = arith.constant 0 : index
    %get3A_32 = vector.load %arg7[%get3A_30, %get3A_31] : memref<1x3xf32, #tpu.memory_space<vmem>>, vector<1x3xf32>
    %add3A_33 = vector.broadcast %get3A_32 : vector<1x3xf32> to vector<1000x3xf32>
    %add3A_34 = arith.addf %dot_general3A_29, %add3A_33 : vector<1000x3xf32>
    %swap3A = arith.constant 0 : index
    %swap3A_35 = arith.constant 0 : index
    %swap3A_36 = vector.load %arg8[%swap3A, %swap3A_35] : memref<1000x3xf32, #tpu.memory_space<vmem>>, vector<1000x3xf32>
    tpu.vector_store %arg8[%swap3A, %swap3A_35], %add3A_34 {strides = array<i32>} : memref<1000x3xf32, #tpu.memory_space<vmem>>, vector<1000x3xf32>,
    return
  }
  func.func @transform_0(%arg0: i32) -> (i32, i32) {
    %c0_i32 = arith.constant 0 : i32
    %c0_i32_0 = arith.constant 0 : i32
    return %arg0, %c0_i32 : i32, i32
  }
  func.func @transform_1(%arg0: i32) -> (i32, i32) {
    %c0_i32 = arith.constant 0 : i32
    %c0_i32_0 = arith.constant 0 : i32
    %c0_i32_1 = arith.constant 0 : i32
    return %c0_i32, %c0_i32_0 : i32, i32
  }
  func.func @transform_2(%arg0: i32) -> (i32, i32) {
    %c0_i32 = arith.constant 0 : i32
    %c0_i32_0 = arith.constant 0 : i32
    %c0_i32_1 = arith.constant 0 : i32
    return %c0_i32, %c0_i32_0 : i32, i32
  }
  func.func @transform_3(%arg0: i32) -> (i32, i32) {
    %c0_i32 = arith.constant 0 : i32
    %c0_i32_0 = arith.constant 0 : i32
    %c0_i32_1 = arith.constant 0 : i32
    return %c0_i32, %c0_i32_0 : i32, i32
  }
  func.func @transform_4(%arg0: i32) -> (i32, i32) {
    %c0_i32 = arith.constant 0 : i32
    %c0_i32_0 = arith.constant 0 : i32
    %c0_i32_1 = arith.constant 0 : i32
    return %c0_i32, %c0_i32_0 : i32, i32
  }
  func.func @transform_5(%arg0: i32) -> (i32, i32) {
    %c0_i32 = arith.constant 0 : i32
    %c0_i32_0 = arith.constant 0 : i32
    %c0_i32_1 = arith.constant 0 : i32
    return %c0_i32, %c0_i32_0 : i32, i32
  }
  func.func @transform_6(%arg0: i32) -> (i32, i32) {
    %c0_i32 = arith.constant 0 : i32
    %c0_i32_0 = arith.constant 0 : i32
    %c0_i32_1 = arith.constant 0 : i32
    return %c0_i32, %c0_i32_0 : i32, i32
  }
  func.func @transform_7(%arg0: i32) -> (i32, i32) {
    %c0_i32 = arith.constant 0 : i32
    %c0_i32_0 = arith.constant 0 : i32
    return %arg0, %c0_i32 : i32, i32
  }
}

</mosaic_0001>

<sc_bundles>
// kernel: kernel.15.cloned.1.call-start
scs
__scs_entry_jumppad:
0x0: {  	(pc) =	sbr.rel $0x88, $3  }
0x1: {  	(tag) =	ssettag $0x0;
	lr =	simm.s32 $0x1  }
0x2: {  	[smem:$0x3F73] =	sst lr;
	_ =	strace $0xD0000000  }
0x3: {  	_ = 	snop  }
0x4: {  	_ = 	snop  }
0x5: {  	_ = 	snop  }
0x6: {  	_ = 	snop  }
0x7: {  	_ = 	snop  }
__scs_overlays_trampoline_lowered:
0x8: {  	[smem:$0x3F82] =	sst s0  }
0x9: {  	[smem:$0x3F83] =	sst s1  }
0xa: {  	[smem:$0x3F84] =	sst s2  }
0xb: {  	[smem:$0x3F85] =	sst s3  }
0xc: {  	[smem:$0x3F86] =	sst s4  }
0xd: {  	[smem:$0x3F87] =	sst s5  }
0xe: {  	[smem:$0x3F88] =	sst s6  }
0xf: {  	[smem:$0x3F89] =	sst s7  }
0x10: {  	[smem:$0x3F8A] =	sst s8  }
0x11: {  	[smem:$0x3F8B] =	sst s9;
	s0 =	simm.s32 @!p0 $0x0  }
0x12: {  	s1 =	sld [smem:$0x3F71];
	s0 =	simm.s32 @p0 $0x1  }
0x13: {  	[smem:$0x3F8C] =	sst s0;
	s0 =	simm.s32 @!p1 $0x0  }
0x14: {  	s2 =	sld [smem:$0x3F70];
	s0 =	simm.s32 @p1 $0x1  }
0x15: {  	[smem:$0x3F8D] =	sst s0;
	s0 =	simm.s32 @!p2 $0x0  }
0x16: {  	s3 =	sld [smem:$0x3FDB];
	s0 =	simm.s32 @p2 $0x1  }
0x17: {  	s4 =	simm.s32 $0x1BF5;
	[smem:$0x3F8F] =	sst s0  }
0x18: {  	s0 =	sld [smem:$0x3F72];
	_ =	swait.ge [sflag:s4], $0x0  }
0x19: {  	s7 =	sld [smem:$0x3F73]  }
0x1a: {  	s8 =	sadd.s32 $0xFFFFE003, lr  }
0x1b: {  	s9 =	sadd.s32 $0xFFFFFEF7, lr;
	s5 =	simm.s32 $0xFFFFFFFF;
	p2 =	slt.u32 s8, $0xFFFFF086  }
0x1c: {  	p1 =	slt.u32 s9, $0xF7A;
	s5 =	simm.s32 @!p2 $0x0  }
0x1d: {  	s5 =	simm.s32 @p1 $0x1;
	p0 =	seq.s32 s7, s2  }
0x1e: {  	s7 =	smul.u32 @!p0 $0xF7A, s2;
	p2 =	seq.s32 @!p0 s5, $0x0  }
0x1f: {  	s9 =	smul.u32 $0xF7A, s1;
	s8 =	simm.s32 @!p0 $0x1BF5;
	p2 =	por !p2, p0  }
0x20: {  	[sflag:s8] =	ssyncset.s32 @!p0 $0xFFFFF086;
	s6 =	sadd.s32 @!p0 s3, s7;
	s7 =	simm.s32 @!p0 $0x108  }
0x21: {  	s3 =	sadd.s32 s3, s9;
	s6 =	sadd.s32 @!p0 $0x88, s6;
	s7 =	simm.s32 @p2 $0x1082  }
0x22: {  	[simem:s7], [sflag:s8] =	dma.local @!p0 [hbm:s6], $0xF7A  }
0x23: {  	s9 =	sor.u32 $0xD0000000, s2;
	s6 =	simm.s32 $0x108;
	_ =	swait.ge @!p0 [sflag:s8], $0x0  }
0x24: {  	s3 =	sadd.s32 $0x88, s3;
	s6 =	simm.s32 @!p1 $0x1082;
	[sflag:s4] =	ssyncset.s32 $0xFFFFF086  }
0x25: {  	[simem:s6], [sflag:s4] =	dma.local [hbm:s3], $0xF7A  }
0x26: {  	[smem:$0x3F73] =	sst s1;
	(tag) =	ssettag s2;
	_ =	strace s9  }
0x27: {  	s1 =	sld [smem:$0x3F83]  }
0x28: {  	s2 =	sld [smem:$0x3F84]  }
0x29: {  	s4 =	sld [smem:$0x3F86]  }
0x2a: {  	p0 =	seq.s32 s5, $0x0;
	s5 =	sld [smem:$0x3F87]  }
0x2b: {  	s6 =	sld [smem:$0x3F88]  }
0x2c: {  	s7 =	sld [smem:$0x3F89]  }
0x2d: {  	s3 =	simm.s32 $0x108;
	s8 =	sld [smem:$0x3F8A]  }
0x2e: {  	s3 =	simm.s32 @!p0 $0x1082;
	s9 =	sld [smem:$0x3F8B]  }
0x2f: {  	lr =	sadd.s32 s0, s3;
	s0 =	sld [smem:$0x3F82]  }
0x30: {  	s3 =	sld [smem:$0x3F85]  }
0x31: {  	[smem:$0x3F8E] =	sst s10  }
0x32: {  	s10 =	sld [smem:$0x3F8C];
	_ =	sdelay $0x3  }
0x33: {  	p0 =	seq.s32 s10, $0x1;
	s10 =	sld [smem:$0x3F8E];
	_ =	sdelay $0x3  }
0x34: {  	[smem:$0x3F8E] =	sst s10  }
0x35: {  	s10 =	sld [smem:$0x3F8D];
	_ =	sdelay $0x3  }
0x36: {  	p1 =	seq.s32 s10, $0x1;
	s10 =	sld [smem:$0x3F8E];
	_ =	sdelay $0x3  }
0x37: {  	[smem:$0x3F8E] =	sst s10  }
0x38: {  	s10 =	sld [smem:$0x3F8F]  }
0x39: {  	_ = 	snop;
	(pc) =	sbr.ind lr, $3  }
0x3a: {  	_ = 	snop  }
0x3b: {  	_ = 	snop  }
0x3c: {  	p2 =	seq.s32 s10, $0x1;
	s10 =	sld [smem:$0x3F8E]  }
0x3d: {  	_ =	shalt  }
0x3e: {  	_ =	shalt  }
0x3f: {  	_ =	shalt  }
0x40: {  	_ =	shalt  }
0x41: {  	_ =	shalt  }
0x42: {  	_ =	shalt  }
0x43: {  	_ =	shalt  }
0x44: {  	_ =	shalt  }
0x45: {  	_ =	shalt  }
0x46: {  	_ =	shalt  }
0x47: {  	_ =	shalt  }
0x48: {  	_ =	shalt  }
0x49: {  	_ =	shalt  }
0x4a: {  	_ =	shalt  }
0x4b: {  	_ =	shalt  }
0x4c: {  	_ =	shalt  }
0x4d: {  	_ =	shalt  }
0x4e: {  	_ =	shalt  }
0x4f: {  	_ =	shalt  }
0x50: {  	_ =	shalt  }
0x51: {  	_ =	shalt  }
0x52: {  	_ =	shalt  }
0x53: {  	_ =	shalt  }
0x54: {  	_ =	shalt  }
0x55: {  	_ =	shalt  }
0x56: {  	_ =	shalt  }
0x57: {  	_ =	shalt  }
0x58: {  	_ =	shalt  }
0x59: {  	_ =	shalt  }
0x5a: {  	_ =	shalt  }
0x5b: {  	_ =	shalt  }
0x5c: {  	_ =	shalt  }
0x5d: {  	_ =	shalt  }
0x5e: {  	_ =	shalt  }
0x5f: {  	_ =	shalt  }
0x60: {  	_ =	shalt  }
0x61: {  	_ =	shalt  }
0x62: {  	_ =	shalt  }
0x63: {  	_ =	shalt  }
0x64: {  	_ =	shalt  }
0x65: {  	_ =	shalt  }
0x66: {  	_ =	shalt  }
0x67: {  	_ =	shalt  }
0x68: {  	_ =	shalt  }
0x69: {  	_ =	shalt  }
0x6a: {  	_ =	shalt  }
0x6b: {  	_ =	shalt  }
0x6c: {  	_ =	shalt  }
0x6d: {  	_ =	shalt  }
0x6e: {  	_ =	shalt  }
0x6f: {  	_ =	shalt  }
0x70: {  	_ =	shalt  }
0x71: {  	_ =	shalt  }
0x72: {  	_ =	shalt  }
0x73: {  	_ =	shalt  }
0x74: {  	_ =	shalt  }
0x75: {  	_ =	shalt  }
0x76: {  	_ =	shalt  }
0x77: {  	_ =	shalt  }
0x78: {  	_ =	shalt  }
0x79: {  	_ =	shalt  }
0x7a: {  	_ =	shalt  }
0x7b: {  	_ =	shalt  }
0x7c: {  	_ =	shalt  }
0x7d: {  	_ =	shalt  }
0x7e: {  	_ =	shalt  }
0x7f: {  	_ =	shalt  }
0x80: {  	_ =	shalt  }
0x81: {  	_ =	shalt  }
0x82: {  	_ =	shalt  }
0x83: {  	_ =	shalt  }
0x84: {  	_ =	shalt  }
0x85: {  	_ =	shalt  }
0x86: {  	_ =	shalt  }
0x87: {  	_ =	shalt  }
.Lfunc_end0:
.L_simem_size_0:
called_computation_lowered:
.L_overlay_start_0:
0x88: {  	s2 =	sld [smem:$0x3FD9]  }
0x89: {  	s3 =	sld [smem:$0x3FFE];
	_ =	sdelay $0x1  }
0x8a: {  	s1 =	srdreg.scid  }
0x8b: {  	s0 =	sand.u32 $0x1, s1  }
0x8c: {  	s16 =	sshll.u32 s0, $0xA;
	s2 =	sadd.s32 s3, s2  }
0x8d: {  	s2 =	sadd.s32 s2, s16  }
0x8e: {  	[smem:$0x3F9A] =	sst s2  }
0x8f: {  	_ = 	snop  }
0x90: {  	(tm) =	ssettm $0x1  }
0x91: {  	s17 =	sld [smem:$0x3FFB];
	_ =	sdelay $0x3  }
0x92: {  	_ =	strace s17  }
0x93: {  	s2 =	sld [smem:$0x3FFC];
	_ =	sdelay $0x3  }
0x94: {  	_ =	strace s2  }
0x95: {  	s2 =	sld [smem:$0x3FFD];
	_ =	sdelay $0x3  }
0x96: {  	_ =	strace s2  }
0x97: {  	_ =	strace $0x8FFFFFFF  }
0x98: {  	s18 =	sld [smem:$0x3FDB];
	_ =	sdelay $0x1  }
0x99: {  	s19 =	simm.s32 $_scs_section_size  }
0x9a: {  	s4 =	simm.s32 $_size__tile_overlayer_lowered;
	s5 =	simm.s32 $_tile_overlayer_lowered  }
0x9b: {  	s22 =	simm.s32 $0x1BFF;
	s21 =	sshll.u32 s5, $0x1;
	s2 =	sadd.s32 s19, s18  }
0x9c: {  	s6 =	simm.s32 $0x0;
	s20 =	sshll.u32 s4, $0x1;
	s4 =	sadd.s32 s21, s2  }
0x9d: {  	[timem:s6], [sflag:s22] =	dma.local [hbm:s4], s20  }
0x9e: {  	_ =	swait.ge [sflag:s22], s20  }
0x9f: {  	s3 =	ssub.s32 $0x0, s20;
	[sflag:s22] =	ssyncset.done $0x0  }
0xa0: {  	[sflag:s22] =	ssyncadd.s32 s3;
	_ =	sdelay $0x1  }
0xa1: {  	s23 =	simm.s32 $0x1B8B  }
0xa2: {  	_ =	swait.ge [sflag:s23], $0x1  }
0xa3: {  	[sflag:s23] =	ssyncset.done $0x0  }
0xa4: {  	s25 =	simm.s32 $0x1B8E;
	s24 =	sld [smem:$0x3FFE];
	[sflag:s23] =	ssyncadd.s32 $0xFFFFFFFF  }
0xa5: {  	s26 =	simm.s32 $execute0_lowered;
	[smem:$0x3FD2] =	sst s25  }
0xa6: {  	s4 =	sshll.u32 s26, $0x1;
	_ =	strace $0x80000046;
	[dreg:$0x1] =	wrdreg $0xFFFFFFFF  }
0xa7: {  	s28 =	simm.s32 $_size_execute0_lowered;
	s2 =	sadd.s32 s2, s4;
	[dreg:$0x0] =	wrdreg $0x0  }
0xa8: {  	s4 =	sshll.u32 s28, $0x1;
	[dreg:$0x2] =	wrdreg s2  }
0xa9: {  	[dreg:$0x3] =	wrdreg s4  }
0xaa: {  	[dreg:$0x4] =	wrdreg $0xC0  }
0xab: {  	_ =	task [dreg:s6], $0x5FFFF  }
0xac: {  	[dreg:$0x1] =	wrdreg $0xFFFFFFFF  }
0xad: {  	[dreg:$0x0] =	wrdreg $0x60  }
0xae: {  	[dreg:$0x2] =	wrdreg s24  }
0xaf: {  	[dreg:$0x3] =	wrdreg $0xAF800  }
0xb0: {  	[dreg:$0x4] =	wrdreg $0x9  }
0xb1: {  	_ =	task.clear_ibuf [dreg:s6], $0x5FFFF;
	_ =	strace $0x90000046  }
0xb2: {  	s29 =	simm.s32 $0x9;
	_ =	strace $0x80000048  }
0xb3: {  	_ =	swait.ge [sflag:s29], $0x1  }
0xb4: {  	[sflag:s29] =	ssyncadd.s32 $0xFFFFFFFF  }
0xb5: {  	_ =	strace $0x90000048  }
0xb6: {  	_ =	sfence  }
0xb7: {  	s30 =	sld [smem:$0x0];
	_ =	sdelay $0x2  }
0xb8: {  	s31 =	sshll.u32 s1, $0xD;
	s1 =	sshrl.u32 s1, $0x2  }
0xb9: {  	s3 =	sand.u32 $0x4000, s31;
	s1 =	sadd.s32 s1, s30  }
0xba: {  	s0 =	sor.u32 s3, s0;
	s1 =	sshll.u32 s1, $0x11  }
0xbb: {  	s0 =	sor.u32 s1, s0  }
0xbc: {  	s0 =	sadd.s32 $0x8F2B, s0  }
0xbd: {  	[sflag:s0] =	ssyncadd.remote.s32 $0x1  }
0xbe: {  	_ =	sfence.sel $0xFFFF  }
0xbf: {  	[dreg:$0x0] =	wrdreg $0xFFFFFFFF;
	(pc) =	sbr.abs _section_cstart, $3  }
0xc0: {  	[dreg:$0x1] =	wrdreg $0xFFFFFFFF  }
0xc1: {  	_ =	task.clear_ibuf [dreg:s6], $0x2FFFF;
	_ =	strace $0x9FFFFFFF  }
0xc2: {  	(tm) =	ssettm $0x7FFFFFFF  }
0xc3: {  	_ =	shalt  }
tec
execute0_lowered:
.L_overlay_start_1:
0x0: {  	(tag) =	ssettag $0x1  }
0x1: {  	s4 =	rddreg [dreg:$0x0]  }
0x2: {  	s0 =	srdreg.scid;
	s2 =	rddreg [dreg:$0x1];
	s3 =	simm.s32 $0x0  }
0x3: {  	s16 =	simm.s32 $0x88;
	s17 =	simm.s32 $0x2780;
	s5 =	sand.u32 $0x1, s0  }
0x4: {  	s18 =	simm.s32 $0x6B80;
	s0 =	stileid.u32;
	s6 =	smul.u32 $0x140000, s5  }
0x5: {  	s19 =	simm.s32 $0x1;
	s20 =	simm.s32 $0x3;
	s7 =	smul.u32 $0x14000, s0  }
0x6: {  	s21 =	simm.s32 $0x2;
	s22 =	simm.s32 $0x4;
	s8 =	smul.u32 $0x27800, s5  }
0x7: {  	s23 =	simm.s32 $0x2640;
	s24 =	simm.s32 $0x48;
	s9 =	smul.u32 $0x2780, s0  }
0x8: {  	[smem:$0x7FF] =	sst s3;
	s13 =	sadd.s32 $0x89800, s4;
	s26 =	smul.u32 $0x50000, s0  }
0x9: {  	_ =	strace $0x80000047;
	s28 =	smul.u32 $0x1388000, s5;
	s5 =	ssub.s32 $0x2, s5  }
0xa: {  	s10 =	smul.u32 $0x138800, s0;
	s30 =	sshll.u32 s0, $0x6;
	s29 =	sshrl.u32 s5, $0x1  }
0xb: {  	s6 =	sadd.s32 s7, s6;
	s25 =	sadd.s32 s9, s8;
	s8 =	sshrl.u32 s26, $0x2  }
0xc: {  	s11 =	ssub.s32 s5, s29;
	s10 =	sadd.s32 s10, s28;
	s5 =	sor.u32 $0x1C05, s30  }
0xd: {  	s26 =	simm.s32 $0x0;
	s6 =	sshrl.u32 s6, $0x3;
	s7 =	sshrl.u32 s25, $0x3  }
0xe: {  	s14 =	sadd.s32 s8, s2;
	s31 =	sshrl.u32 s10, $0x3;
	s12 =	sadd.s32 $0x4400, s10  }
0xf: {  	s10 =	smax.u32 s11, $0x1;
	s25 =	simm.s32 $0x26C8;
	s6 =	sadd.s32 s6, s4  }
0x10: {  	s7 =	sadd.s32 s7, s4;
	s15 =	sshrl.u32 s12, $0x3;
	s14 =	sshrl.u32 s14, $0x3  }
0x11: {  	s4 =	sadd.s32 $0x2FA00, s6;
	s6 =	sadd.s32 $0x7FA00, s7;
	s7 =	sadd.s32 s31, s13  }
0x12: {  	s13 =	sadd.s32 s15, s13;
	s15 =	simm.s32 $0x5;
	s8 =	sadd.s32 $0x26400, s7  }
0x13: {  	s9 =	sadd.s32 $0x26C80, s7;
	s11 =	sadd.s32 $0x25300, s7;
	s12 =	sadd.s32 $0x25B80, s7  }
.LBB2_1:
0x14: {  	[spmem:s14], [sflag:s5] =	dma.local [hbm:s4], $0x2800  }
0x15: {  	_ =	swait.ge [sflag:s15], $0x2800  }
0x16: {  	[sflag:s15] =	ssyncset.done $0x0  }
0x17: {  	[sflag:s15] =	ssyncadd.s32 $0xFFFFD800  }
0x18: {  	[tilespmem:s3], [sflag:$0x5] =	stream.linear.gather [hbm4b:s6+s3], $0x2780, $0x38;
	[tilespmem:$0x1EF80] =	vst v63  }
0x19: {  	_ =	swait.ge [sflag:s15], $0x2780  }
0x1a: {  	[sflag:s15] =	ssyncset.done $0x0  }
0x1b: {  	[sflag:s15] =	ssyncadd.s32 $0xFFFFD880  }
0x1c: {  	[bflag:$0x0] =	sbarrier.arrive $0xFFFF  }
0x1d: {  	[tilespmem:s17], [sflag:$0x1] =	stream.indirect.gather [spmem:s2], $0x80, s3, s16, $0xb8;
	[tilespmem:$0x1EF80] =	vst v63  }
0x1e: {  	_ = 	snop  }
0x1f: {  	[tilespmem:s18], [sflag:$0x2] =	stream.indirect.gather [spmem:s2], $0x80, s16, s16, $0xb8;
	[tilespmem:$0x1EF80] =	vst v63  }
0x20: {  	_ =	swait.ge [sflag:s19], $0x4400  }
0x21: {  	[sflag:s19] =	ssyncset.done $0x0  }
0x22: {  	s28 =	sadd.s32 $0x0, s7;
	[sflag:s19] =	ssyncadd.s32 $0xFFFFBC00  }
0x23: {  	[hbm4b:s28+s3] =	stream.linear.scatter [tilespmem:s17], [sflag:$0x3], $0x4400, $0x38;
	[tilespmem:$0x1EF80] =	vst v63  }
0x24: {  	_ =	swait.ge [sflag:s20], $0x4400  }
0x25: {  	[sflag:s20] =	ssyncset.done $0x0  }
0x26: {  	s28 =	simm.s32 $0x110;
	[sflag:s20] =	ssyncadd.s32 $0xFFFFBC00  }
0x27: {  	[tilespmem:s17], [sflag:$0x1] =	stream.indirect.gather [spmem:s2], $0x80, s28, s16, $0xb8;
	[tilespmem:$0x1EF80] =	vst v63  }
0x28: {  	_ =	swait.ge [sflag:s21], $0x4400  }
0x29: {  	[sflag:s21] =	ssyncset.done $0x0  }
0x2a: {  	s28 =	sadd.s32 $0x0, s13;
	[sflag:s21] =	ssyncadd.s32 $0xFFFFBC00  }
0x2b: {  	[hbm4b:s28+s3] =	stream.linear.scatter [tilespmem:s18], [sflag:$0x4], $0x4400, $0x38;
	[tilespmem:$0x1EF80] =	vst v63  }
0x2c: {  	_ =	swait.ge [sflag:s22], $0x4400  }
0x2d: {  	s29 =	simm.s32 $0x1100;
	[sflag:s22] =	ssyncset.done $0x0  }
0x2e: {  	s30 =	simm.s32 $0x2A8;
	s28 =	simm.s32 $0x198;
	[sflag:s22] =	ssyncadd.s32 $0xFFFFBC00  }
.LBB2_2:
0x2f: {  	[tilespmem:s18], [sflag:$0x2] =	stream.indirect.gather [spmem:s2], $0x80, s28, s16, $0xb8;
	[tilespmem:$0x1EF80] =	vst v63  }
0x30: {  	s31 =	smov.u32 s29;
	s28 =	smov.u32 s30  }
0x31: {  	p0 =	sne.s32 s29, $0x24200;
	s29 =	sadd.s32 $0x1100, s29;
	_ =	swait.ge [sflag:s19], $0x4400  }
0x32: {  	[sflag:s19] =	ssyncset.done $0x0  }
0x33: {  	s1 =	sadd.s32 s31, s7;
	[sflag:s19] =	ssyncadd.s32 $0xFFFFBC00  }
0x34: {  	[hbm4b:s1+s3] =	stream.linear.scatter [tilespmem:s17], [sflag:$0x3], $0x4400, $0x38;
	[tilespmem:$0x1EF80] =	vst v63  }
0x35: {  	_ =	swait.ge [sflag:s20], $0x4400  }
0x36: {  	[sflag:s20] =	ssyncset.done $0x0  }
0x37: {  	s1 =	sadd.s32 $0xFFFFFF78, s30;
	[sflag:s20] =	ssyncadd.s32 $0xFFFFBC00  }
0x38: {  	[tilespmem:s17], [sflag:$0x1] =	stream.indirect.gather [spmem:s2], $0x80, s1, s16, $0xb8;
	[tilespmem:$0x1EF80] =	vst v63  }
0x39: {  	_ =	swait.ge [sflag:s21], $0x4400  }
0x3a: {  	[sflag:s21] =	ssyncset.done $0x0  }
.Ltmp0:
0x3b: {  	s1 =	sadd.s32 s31, s13;
	[sflag:s21] =	ssyncadd.s32 $0xFFFFBC00;
	(pc) =	sbr.rel @p0 .LBB2_2-.Ltmp0, $4  }
0x3c: {  	[hbm4b:s1+s3] =	stream.linear.scatter [tilespmem:s18], [sflag:$0x4], $0x4400, $0x38;
	[tilespmem:$0x1EF80] =	vst v63  }
0x3d: {  	_ =	swait.ge [sflag:s22], $0x4400  }
0x3e: {  	[sflag:s22] =	ssyncset.done $0x0  }
0x3f: {  	s30 =	sadd.s32 $0x110, s30;
	[sflag:s22] =	ssyncadd.s32 $0xFFFFBC00  }
0x40: {  	[tilespmem:s18], [sflag:$0x2] =	stream.indirect.gather [spmem:s2], $0x80, s28, s16, $0xb8;
	[tilespmem:$0x1EF80] =	vst v63  }
0x41: {  	_ =	swait.ge [sflag:s19], $0x4400  }
0x42: {  	[sflag:s19] =	ssyncset.done $0x0  }
0x43: {  	[sflag:s19] =	ssyncadd.s32 $0xFFFFBC00  }
0x44: {  	[hbm4b:s11+s3] =	stream.linear.scatter [tilespmem:s17], [sflag:$0x3], $0x4400, $0x38;
	[tilespmem:$0x1EF80] =	vst v63  }
0x45: {  	_ =	swait.ge [sflag:s20], $0x4400  }
0x46: {  	[sflag:s20] =	ssyncset.done $0x0  }
0x47: {  	[sflag:s20] =	ssyncadd.s32 $0xFFFFBC00  }
0x48: {  	[tilespmem:s17], [sflag:$0x1] =	stream.indirect.gather [spmem:s2], $0x80, s23, s16, $0xb8;
	[tilespmem:$0x1EF80] =	vst v63  }
0x49: {  	_ =	swait.ge [sflag:s21], $0x4400  }
0x4a: {  	[sflag:s21] =	ssyncset.done $0x0  }
0x4b: {  	[sflag:s21] =	ssyncadd.s32 $0xFFFFBC00  }
0x4c: {  	[hbm4b:s12+s3] =	stream.linear.scatter [tilespmem:s18], [sflag:$0x4], $0x4400, $0x38;
	[tilespmem:$0x1EF80] =	vst v63  }
0x4d: {  	_ =	swait.ge [sflag:s19], $0x4400  }
0x4e: {  	[sflag:s19] =	ssyncset.done $0x0  }
0x4f: {  	[sflag:s19] =	ssyncadd.s32 $0xFFFFBC00  }
0x50: {  	[hbm4b:s8+s3] =	stream.linear.scatter [tilespmem:s17], [sflag:$0x5], $0x4400, $0x38;
	[tilespmem:$0x1EF80] =	vst v63  }
0x51: {  	_ =	swait.ge [sflag:s15], $0x4400  }
0x52: {  	[sflag:s15] =	ssyncset.done $0x0  }
0x53: {  	[sflag:s15] =	ssyncadd.s32 $0xFFFFBC00  }
0x54: {  	_ =	swait.ge [sflag:s22], $0x4400  }
0x55: {  	[sflag:s22] =	ssyncset.done $0x0  }
0x56: {  	[sflag:s22] =	ssyncadd.s32 $0xFFFFBC00  }
0x57: {  	[tilespmem:s17], [sflag:$0x5] =	stream.indirect.gather [spmem:s2], $0x80, s25, s24, $0xb8;
	[tilespmem:$0x1EF80] =	vst v63  }
0x58: {  	s26 =	sadd.s32 $0x1, s26;
	_ =	swait.ge [sflag:s15], $0x2400  }
0x59: {  	p0 =	sne.s32 s26, s10;
	[sflag:s15] =	ssyncset.done $0x0  }
.Ltmp1:
0x5a: {  	[sflag:s15] =	ssyncadd.s32 $0xFFFFDC00;
	(pc) =	sbr.rel @p0 .LBB2_1-.Ltmp1, $4  }
0x5b: {  	[hbm4b:s9+s3] =	stream.linear.scatter [tilespmem:s17], [sflag:$0x5], $0x2400, $0x38;
	[tilespmem:$0x1EF80] =	vst v63  }
0x5c: {  	_ =	swait.ge [sflag:s15], $0x2400  }
0x5d: {  	[sflag:s15] =	ssyncset.done $0x0  }
0x5e: {  	[sflag:s15] =	ssyncadd.s32 $0xFFFFDC00  }
0x5f: {  	_ =	sfence.sel $0x180000  }
0x60: {  	[bflag:$0x0] =	sbarrier.arrive $0xFFFF  }
0x61: {  	_ =	strace $0x90000047  }
0x62: {  	[bflag:$0x2] =	sbarrier.arrive $0xFFFF  }
0x63: {  	p0 =	sne.s32 s0, $0x0;
	s0 =	rddreg [dreg:$0x2]  }
0x64: {  	s0 =	sadd.s32 @!p0 $0x100000, s0  }
0x65: {  	[sflag:s0] =	ssyncadd.tile.s32 @!p0 $0x1;
	_ =	shalt  }
.Lfunc_end2:
_tile_overlayer_lowered:
.L_overlay_start_2:
0x66: {  	(tag) =	ssettag $0x2  }
0x67: {  	s0 =	rddreg [dreg:$0x0];
	s2 =	stileid.u32  }
0x68: {  	s1 =	rddreg [dreg:$0x1];
	p0 =	sne.s32 s2, $0x0  }
0x69: {  	s3 =	rddreg [dreg:$0x2];
	[bflag:$0x3] =	sbarrier.arrive $0xFFFF;
	s2 =	simm.s32 @!p0 $0x1C05  }
0x6a: {  	[timem:s3], [sflag:s2] =	dma.local @!p0 [hbm:s0], s1  }
0x6b: {  	s0 =	simm.s32 @!p0 $0x5  }
0x6c: {  	_ =	swait.ge @!p0 [sflag:s0], s1  }
0x6d: {  	s1 =	ssub.s32 @!p0 $0x0, s1;
	[sflag:s0] =	ssyncset.done @!p0 $0x0  }
0x6e: {  	[sflag:s0] =	ssyncadd.s32 @!p0 s1  }
0x6f: {  	[bflag:$0x3] =	sbarrier.arrive $0xFFFF  }
0x70: {  	_ =	shalt  }

// kernel: kernel.18.cloned.1.call-start
scs
__scs_entry_jumppad:
0x0: {  	(pc) =	sbr.rel $0x88, $3  }
0x1: {  	(tag) =	ssettag $0x0;
	lr =	simm.s32 $0x1  }
0x2: {  	[smem:$0x3F73] =	sst lr;
	_ =	strace $0xD0000000  }
0x3: {  	_ = 	snop  }
0x4: {  	_ = 	snop  }
0x5: {  	_ = 	snop  }
0x6: {  	_ = 	snop  }
0x7: {  	_ = 	snop  }
__scs_overlays_trampoline_lowered:
0x8: {  	[smem:$0x3F82] =	sst s0  }
0x9: {  	[smem:$0x3F83] =	sst s1  }
0xa: {  	[smem:$0x3F84] =	sst s2  }
0xb: {  	[smem:$0x3F85] =	sst s3  }
0xc: {  	[smem:$0x3F86] =	sst s4  }
0xd: {  	[smem:$0x3F87] =	sst s5  }
0xe: {  	[smem:$0x3F88] =	sst s6  }
0xf: {  	[smem:$0x3F89] =	sst s7  }
0x10: {  	[smem:$0x3F8A] =	sst s8  }
0x11: {  	[smem:$0x3F8B] =	sst s9;
	s0 =	simm.s32 @!p0 $0x0  }
0x12: {  	s1 =	sld [smem:$0x3F71];
	s0 =	simm.s32 @p0 $0x1  }
0x13: {  	[smem:$0x3F8C] =	sst s0;
	s0 =	simm.s32 @!p1 $0x0  }
0x14: {  	s2 =	sld [smem:$0x3F70];
	s0 =	simm.s32 @p1 $0x1  }
0x15: {  	[smem:$0x3F8D] =	sst s0;
	s0 =	simm.s32 @!p2 $0x0  }
0x16: {  	s3 =	sld [smem:$0x3FDB];
	s0 =	simm.s32 @p2 $0x1  }
0x17: {  	s4 =	simm.s32 $0x1BF5;
	[smem:$0x3F8F] =	sst s0  }
0x18: {  	s0 =	sld [smem:$0x3F72];
	_ =	swait.ge [sflag:s4], $0x0  }
0x19: {  	s7 =	sld [smem:$0x3F73]  }
0x1a: {  	s8 =	sadd.s32 $0xFFFFE003, lr  }
0x1b: {  	s9 =	sadd.s32 $0xFFFFFEF7, lr;
	s5 =	simm.s32 $0xFFFFFFFF;
	p2 =	slt.u32 s8, $0xFFFFF086  }
0x1c: {  	p1 =	slt.u32 s9, $0xF7A;
	s5 =	simm.s32 @!p2 $0x0  }
0x1d: {  	s5 =	simm.s32 @p1 $0x1;
	p0 =	seq.s32 s7, s2  }
0x1e: {  	s7 =	smul.u32 @!p0 $0xF7A, s2;
	p2 =	seq.s32 @!p0 s5, $0x0  }
0x1f: {  	s9 =	smul.u32 $0xF7A, s1;
	s8 =	simm.s32 @!p0 $0x1BF5;
	p2 =	por !p2, p0  }
0x20: {  	[sflag:s8] =	ssyncset.s32 @!p0 $0xFFFFF086;
	s6 =	sadd.s32 @!p0 s3, s7;
	s7 =	simm.s32 @!p0 $0x108  }
0x21: {  	s3 =	sadd.s32 s3, s9;
	s6 =	sadd.s32 @!p0 $0x88, s6;
	s7 =	simm.s32 @p2 $0x1082  }
0x22: {  	[simem:s7], [sflag:s8] =	dma.local @!p0 [hbm:s6], $0xF7A  }
0x23: {  	s9 =	sor.u32 $0xD0000000, s2;
	s6 =	simm.s32 $0x108;
	_ =	swait.ge @!p0 [sflag:s8], $0x0  }
0x24: {  	s3 =	sadd.s32 $0x88, s3;
	s6 =	simm.s32 @!p1 $0x1082;
	[sflag:s4] =	ssyncset.s32 $0xFFFFF086  }
0x25: {  	[simem:s6], [sflag:s4] =	dma.local [hbm:s3], $0xF7A  }
0x26: {  	[smem:$0x3F73] =	sst s1;
	(tag) =	ssettag s2;
	_ =	strace s9  }
0x27: {  	s1 =	sld [smem:$0x3F83]  }
0x28: {  	s2 =	sld [smem:$0x3F84]  }
0x29: {  	s4 =	sld [smem:$0x3F86]  }
0x2a: {  	p0 =	seq.s32 s5, $0x0;
	s5 =	sld [smem:$0x3F87]  }
0x2b: {  	s6 =	sld [smem:$0x3F88]  }
0x2c: {  	s7 =	sld [smem:$0x3F89]  }
0x2d: {  	s3 =	simm.s32 $0x108;
	s8 =	sld [smem:$0x3F8A]  }
0x2e: {  	s3 =	simm.s32 @!p0 $0x1082;
	s9 =	sld [smem:$0x3F8B]  }
0x2f: {  	lr =	sadd.s32 s0, s3;
	s0 =	sld [smem:$0x3F82]  }
0x30: {  	s3 =	sld [smem:$0x3F85]  }
0x31: {  	[smem:$0x3F8E] =	sst s10  }
0x32: {  	s10 =	sld [smem:$0x3F8C];
	_ =	sdelay $0x3  }
0x33: {  	p0 =	seq.s32 s10, $0x1;
	s10 =	sld [smem:$0x3F8E];
	_ =	sdelay $0x3  }
0x34: {  	[smem:$0x3F8E] =	sst s10  }
0x35: {  	s10 =	sld [smem:$0x3F8D];
	_ =	sdelay $0x3  }
0x36: {  	p1 =	seq.s32 s10, $0x1;
	s10 =	sld [smem:$0x3F8E];
	_ =	sdelay $0x3  }
0x37: {  	[smem:$0x3F8E] =	sst s10  }
0x38: {  	s10 =	sld [smem:$0x3F8F]  }
0x39: {  	_ = 	snop;
	(pc) =	sbr.ind lr, $3  }
0x3a: {  	_ = 	snop  }
0x3b: {  	_ = 	snop  }
0x3c: {  	p2 =	seq.s32 s10, $0x1;
	s10 =	sld [smem:$0x3F8E]  }
0x3d: {  	_ =	shalt  }
0x3e: {  	_ =	shalt  }
0x3f: {  	_ =	shalt  }
0x40: {  	_ =	shalt  }
0x41: {  	_ =	shalt  }
0x42: {  	_ =	shalt  }
0x43: {  	_ =	shalt  }
0x44: {  	_ =	shalt  }
0x45: {  	_ =	shalt  }
0x46: {  	_ =	shalt  }
0x47: {  	_ =	shalt  }
0x48: {  	_ =	shalt  }
0x49: {  	_ =	shalt  }
0x4a: {  	_ =	shalt  }
0x4b: {  	_ =	shalt  }
0x4c: {  	_ =	shalt  }
0x4d: {  	_ =	shalt  }
0x4e: {  	_ =	shalt  }
0x4f: {  	_ =	shalt  }
0x50: {  	_ =	shalt  }
0x51: {  	_ =	shalt  }
0x52: {  	_ =	shalt  }
0x53: {  	_ =	shalt  }
0x54: {  	_ =	shalt  }
0x55: {  	_ =	shalt  }
0x56: {  	_ =	shalt  }
0x57: {  	_ =	shalt  }
0x58: {  	_ =	shalt  }
0x59: {  	_ =	shalt  }
0x5a: {  	_ =	shalt  }
0x5b: {  	_ =	shalt  }
0x5c: {  	_ =	shalt  }
0x5d: {  	_ =	shalt  }
0x5e: {  	_ =	shalt  }
0x5f: {  	_ =	shalt  }
0x60: {  	_ =	shalt  }
0x61: {  	_ =	shalt  }
0x62: {  	_ =	shalt  }
0x63: {  	_ =	shalt  }
0x64: {  	_ =	shalt  }
0x65: {  	_ =	shalt  }
0x66: {  	_ =	shalt  }
0x67: {  	_ =	shalt  }
0x68: {  	_ =	shalt  }
0x69: {  	_ =	shalt  }
0x6a: {  	_ =	shalt  }
0x6b: {  	_ =	shalt  }
0x6c: {  	_ =	shalt  }
0x6d: {  	_ =	shalt  }
0x6e: {  	_ =	shalt  }
0x6f: {  	_ =	shalt  }
0x70: {  	_ =	shalt  }
0x71: {  	_ =	shalt  }
0x72: {  	_ =	shalt  }
0x73: {  	_ =	shalt  }
0x74: {  	_ =	shalt  }
0x75: {  	_ =	shalt  }
0x76: {  	_ =	shalt  }
0x77: {  	_ =	shalt  }
0x78: {  	_ =	shalt  }
0x79: {  	_ =	shalt  }
0x7a: {  	_ =	shalt  }
0x7b: {  	_ =	shalt  }
0x7c: {  	_ =	shalt  }
0x7d: {  	_ =	shalt  }
0x7e: {  	_ =	shalt  }
0x7f: {  	_ =	shalt  }
0x80: {  	_ =	shalt  }
0x81: {  	_ =	shalt  }
0x82: {  	_ =	shalt  }
0x83: {  	_ =	shalt  }
0x84: {  	_ =	shalt  }
0x85: {  	_ =	shalt  }
0x86: {  	_ =	shalt  }
0x87: {  	_ =	shalt  }
.Lfunc_end0:
.L_simem_size_0:
called_computation.1_lowered:
.L_overlay_start_0:
0x88: {  	s2 =	sld [smem:$0x3FD9]  }
0x89: {  	s3 =	sld [smem:$0x3FFE];
	_ =	sdelay $0x1  }
0x8a: {  	s1 =	srdreg.scid  }
0x8b: {  	s0 =	sand.u32 $0x1, s1  }
0x8c: {  	s17 =	sshll.u32 s0, $0xA;
	s2 =	sadd.s32 s3, s2  }
0x8d: {  	s2 =	sadd.s32 s2, s17  }
0x8e: {  	[smem:$0x3F9A] =	sst s2  }
0x8f: {  	_ = 	snop  }
0x90: {  	s2 =	sld [smem:$0x3FC6];
	(tm) =	ssettm $0x1  }
0x91: {  	s18 =	sld [smem:$0x3FFB];
	_ =	sdelay $0x3  }
0x92: {  	_ =	strace s18  }
0x93: {  	s3 =	sld [smem:$0x3FFC];
	_ =	sdelay $0x3  }
0x94: {  	_ =	strace s3  }
0x95: {  	s3 =	sld [smem:$0x3FFD];
	_ =	sdelay $0x3  }
0x96: {  	_ =	strace s3  }
0x97: {  	_ =	strace $0x8FFFFFFF  }
0x98: {  	s19 =	sld [smem:$0x3FDB];
	_ =	sdelay $0x1  }
0x99: {  	s4 =	simm.s32 $_scs_section_size  }
0x9a: {  	s5 =	simm.s32 $_size__tile_overlayer_lowered;
	s6 =	simm.s32 $_tile_overlayer_lowered  }
0x9b: {  	s22 =	simm.s32 $0x1BFF;
	s21 =	sshll.u32 s6, $0x1;
	s3 =	sadd.s32 s4, s19  }
0x9c: {  	s7 =	simm.s32 $0x0;
	s20 =	sshll.u32 s5, $0x1;
	s5 =	sadd.s32 s21, s3  }
0x9d: {  	[timem:s7], [sflag:s22] =	dma.local [hbm:s5], s20  }
0x9e: {  	_ =	swait.ge [sflag:s22], s20  }
0x9f: {  	s4 =	ssub.s32 $0x0, s20;
	[sflag:s22] =	ssyncset.done $0x0  }
0xa0: {  	[sflag:s22] =	ssyncadd.s32 s4;
	_ =	sdelay $0x1  }
0xa1: {  	s23 =	simm.s32 $0x1B8B  }
0xa2: {  	_ =	swait.ge [sflag:s23], $0x1  }
0xa3: {  	[sflag:s23] =	ssyncset.done $0x0  }
0xa4: {  	s25 =	simm.s32 $0x1B8E;
	s24 =	sld [smem:$0x3FFE];
	[sflag:s23] =	ssyncadd.s32 $0xFFFFFFFF  }
0xa5: {  	s26 =	simm.s32 $execute0_lowered;
	[smem:$0x3FD2] =	sst s25  }
0xa6: {  	s5 =	sshll.u32 s26, $0x1;
	_ =	strace $0x80000049;
	[dreg:$0x1] =	wrdreg $0xFFFFFFFF  }
0xa7: {  	s28 =	simm.s32 $_size_execute0_lowered;
	s3 =	sadd.s32 s3, s5;
	[dreg:$0x0] =	wrdreg $0x0  }
0xa8: {  	s5 =	sshll.u32 s28, $0x1;
	[dreg:$0x2] =	wrdreg s3  }
0xa9: {  	[dreg:$0x3] =	wrdreg s5  }
0xaa: {  	[dreg:$0x4] =	wrdreg $0xC0  }
0xab: {  	_ =	task [dreg:s7], $0x5FFFF  }
0xac: {  	[dreg:$0x1] =	wrdreg $0xFFFFFFFF  }
0xad: {  	[dreg:$0x0] =	wrdreg $0x60  }
0xae: {  	[dreg:$0x2] =	wrdreg s24  }
0xaf: {  	[dreg:$0x3] =	wrdreg s2  }
0xb0: {  	[dreg:$0x4] =	wrdreg $0x7C000  }
0xb1: {  	[dreg:$0x5] =	wrdreg $0x9  }
0xb2: {  	_ =	task.clear_ibuf [dreg:s7], $0x6FFFF;
	_ =	strace $0x90000049  }
0xb3: {  	s29 =	simm.s32 $0x9;
	_ =	strace $0x8000004B  }
0xb4: {  	_ =	swait.ge [sflag:s29], $0x1  }
0xb5: {  	[sflag:s29] =	ssyncadd.s32 $0xFFFFFFFF  }
0xb6: {  	_ =	strace $0x9000004B  }
0xb7: {  	_ =	sfence  }
0xb8: {  	s30 =	sld [smem:$0x0];
	_ =	sdelay $0x2  }
0xb9: {  	s31 =	sshll.u32 s1, $0xD;
	s1 =	sshrl.u32 s1, $0x2  }
0xba: {  	s3 =	sand.u32 $0x4000, s31;
	s1 =	sadd.s32 s1, s30  }
0xbb: {  	s0 =	sor.u32 s3, s0;
	s1 =	sshll.u32 s1, $0x11  }
0xbc: {  	s0 =	sor.u32 s1, s0  }
0xbd: {  	s0 =	sadd.s32 $0x8F2B, s0  }
0xbe: {  	[sflag:s0] =	ssyncadd.remote.s32 $0x1  }
0xbf: {  	_ =	sfence.sel $0xFFFF  }
0xc0: {  	[dreg:$0x0] =	wrdreg $0xFFFFFFFF;
	(pc) =	sbr.abs _section_cstart, $3  }
0xc1: {  	[dreg:$0x1] =	wrdreg $0xFFFFFFFF  }
0xc2: {  	_ =	task.clear_ibuf [dreg:s7], $0x2FFFF;
	_ =	strace $0x9FFFFFFF  }
0xc3: {  	(tm) =	ssettm $0x7FFFFFFF  }
tec
execute0_lowered:
.L_overlay_start_1:
0x0: {  	(tag) =	ssettag $0x1  }
0x1: {  	s4 =	rddreg [dreg:$0x0]  }
0x2: {  	s6 =	rddreg [dreg:$0x1]  }
0x3: {  	s2 =	rddreg [dreg:$0x2]  }
0x4: {  	s0 =	rddreg [dreg:$0x3]  }
0x5: {  	s1 =	stileid.u32;
	s5 =	srdreg.scid;
	s3 =	simm.s32 $0x0  }
0x6: {  	s16 =	simm.s32 $0x4800;
	s17 =	simm.s32 $0x1;
	s7 =	smul.u32 $0x14000, s1  }
0x7: {  	s18 =	simm.s32 $0x68;
	s19 =	simm.s32 $0x2;
	s11 =	smul.u32 $0x50000, s1  }
0x8: {  	s8 =	sand.u32 $0x1, s5;
	[smem:$0x7FF] =	sst s3;
	s29 =	smul.u32 $0x27100, s1  }
0x9: {  	s10 =	sadd.s32 $0x56B800, s4;
	s20 =	sshll.u32 s1, $0x1;
	s5 =	smul.u32 $0x140000, s8  }
0xa: {  	s25 =	sshll.u32 s1, $0x6;
	s22 =	sor.u32 s8, s20;
	s31 =	smul.u32 $0x13880, s8  }
0xb: {  	_ =	strace $0x8000004A;
	s21 =	ssub.s32 $0x2, s8;
	s13 =	smul.u32 $0x1388, s22  }
0xc: {  	s20 =	simm.s32 $0x12B0;
	s9 =	sshrl.u32 s7, $0x3;
	s24 =	smul.u32 $0x13880, s22  }
0xd: {  	s23 =	sshrl.u32 s21, $0x1;
	s11 =	sshrl.u32 s11, $0x2;
	s26 =	smul.u32 $0x9C400, s22  }
0xe: {  	s22 =	simm.s32 $0x8;
	s9 =	sadd.s32 s9, s4;
	s5 =	sadd.s32 s7, s5  }
0xf: {  	s14 =	ssub.s32 s21, s23;
	s15 =	sadd.s32 s11, s2;
	s21 =	simm.s32 $0x1318  }
0x10: {  	s23 =	simm.s32 $0x1380;
	s5 =	sshrl.u32 s5, $0x3;
	s28 =	sshrl.u32 s13, $0x3  }
0x11: {  	s30 =	sshrl.u32 s26, $0x3;
	s7 =	sadd.s32 s10, s24;
	s11 =	smax.u32 s14, $0x1  }
0x12: {  	s14 =	simm.s32 $0x3;
	s24 =	simm.s32 $0x0;
	s12 =	sadd.s32 s5, s4  }
0x13: {  	s4 =	sadd.s32 $0x2FA00, s9;
	s5 =	sor.u32 $0x1C03, s25;
	s9 =	sadd.s32 s10, s30  }
0x14: {  	s6 =	sadd.s32 s6, s28;
	s10 =	sadd.s32 s29, s10;
	s8 =	sadd.s32 $0x680, s9  }
0x15: {  	s9 =	sadd.s32 $0x13800, s9;
	s13 =	sadd.s32 s31, s10;
	s10 =	sadd.s32 $0x89800, s12  }
0x16: {  	s12 =	sadd.s32 $0x1380, s13;
	s13 =	sshrl.u32 s15, $0x3;
	s15 =	simm.s32 $0x1400  }
.LBB2_1:
0x17: {  	[spmem:s13], [sflag:s5] =	dma.local [hbm:s4], $0x2800  }
0x18: {  	_ =	swait.ge [sflag:s14], $0x2800  }
0x19: {  	[sflag:s14] =	ssyncset.done $0x0  }
0x1a: {  	[sflag:s14] =	ssyncadd.s32 $0xFFFFD800  }
0x1b: {  	[tilespmem:s3], [sflag:$0x3] =	stream.linear.gather [hbm4b:s6+s3], $0x1388, $0x38;
	[tilespmem:$0x1BC00] =	vst v63  }
0x1c: {  	_ =	swait.ge [sflag:s14], $0x1388  }
0x1d: {  	[sflag:s14] =	ssyncset.done $0x0  }
0x1e: {  	[sflag:s14] =	ssyncadd.s32 $0xFFFFEC78  }
0x1f: {  	[bflag:$0x0] =	sbarrier.arrive $0xFFFF  }
0x20: {  	[tilespmem:s15], [sflag:$0x1] =	stream.linear.gather [hbm4b:s7+s3], $0x3400, $0x38;
	[tilespmem:$0x1BC00] =	vst v63  }
0x21: {  	_ = 	snop  }
0x22: {  	[tilespmem:s16], [sflag:$0x2] =	stream.linear.gather [hbm4b:s8+s3], $0x3400, $0x38;
	[tilespmem:$0x1BC00] =	vst v63  }
0x23: {  	_ =	swait.ge [sflag:s17], $0x3400  }
0x24: {  	[sflag:s17] =	ssyncset.done $0x0  }
0x25: {  	s25 =	simm.s32 $0x0;
	[sflag:s17] =	ssyncadd.s32 $0xFFFFCC00  }
0x26: {  	[spmem:s2] =	stream.indirect.scatter.add.f32 [tilespmem:s15], [sflag:$0x3], $0x80, s25, s18, $0xb8;
	[tilespmem:$0x1BC00] =	vst v63  }
0x27: {  	_ =	swait.ge [sflag:s14], $0x3400  }
0x28: {  	[sflag:s14] =	ssyncset.done $0x0  }
0x29: {  	s30 =	sadd.s32 $0xFFFFF980, s12;
	[sflag:s14] =	ssyncadd.s32 $0xFFFFCC00  }
0x2a: {  	[tilespmem:s15], [sflag:$0x1] =	stream.linear.gather [hbm4b:s30+s3], $0x3400, $0x38;
	[tilespmem:$0x1BC00] =	vst v63  }
0x2b: {  	_ =	swait.ge [sflag:s19], $0x3400  }
0x2c: {  	[sflag:s19] =	ssyncset.done $0x0  }
0x2d: {  	s31 =	simm.s32 $0x68;
	[sflag:s19] =	ssyncadd.s32 $0xFFFFCC00  }
0x2e: {  	[spmem:s2] =	stream.indirect.scatter.add.f32 [tilespmem:s16], [sflag:$0x3], $0x80, s31, s18, $0xb8;
	[tilespmem:$0x1BC00] =	vst v63  }
0x2f: {  	_ =	swait.ge [sflag:s14], $0x3400  }
0x30: {  	s26 =	sadd.s32 $0xD00, s12;
	[sflag:s14] =	ssyncset.done $0x0  }
0x31: {  	s28 =	smov.u32 s12;
	s25 =	simm.s32 $0x340;
	[sflag:s14] =	ssyncadd.s32 $0xFFFFCC00  }
.LBB2_2:
0x32: {  	[tilespmem:s16], [sflag:$0x2] =	stream.linear.gather [hbm4b:s28+s3], $0x3400, $0x38;
	[tilespmem:$0x1BC00] =	vst v63  }
0x33: {  	s29 =	smov.u32 s25;
	s28 =	smov.u32 s26  }
0x34: {  	p0 =	sne.s32 s25, $0x4780;
	s25 =	sadd.s32 $0x340, s25;
	_ =	swait.ge [sflag:s17], $0x3400  }
0x35: {  	[sflag:s17] =	ssyncset.done $0x0  }
0x36: {  	s29 =	sshra.s32 s29, $0x2;
	[sflag:s17] =	ssyncadd.s32 $0xFFFFCC00  }
0x37: {  	[spmem:s2] =	stream.indirect.scatter.add.f32 [tilespmem:s15], [sflag:$0x3], $0x80, s29, s18, $0xb8;
	[tilespmem:$0x1BC00] =	vst v63  }
0x38: {  	_ =	swait.ge [sflag:s14], $0x3400  }
0x39: {  	[sflag:s14] =	ssyncset.done $0x0  }
0x3a: {  	s30 =	sadd.s32 $0xFFFFF980, s26;
	[sflag:s14] =	ssyncadd.s32 $0xFFFFCC00  }
0x3b: {  	[tilespmem:s15], [sflag:$0x1] =	stream.linear.gather [hbm4b:s30+s3], $0x3400, $0x38;
	[tilespmem:$0x1BC00] =	vst v63  }
0x3c: {  	_ =	swait.ge [sflag:s19], $0x3400  }
0x3d: {  	[sflag:s19] =	ssyncset.done $0x0  }
.Ltmp0:
0x3e: {  	s29 =	sadd.s32 $0x68, s29;
	[sflag:s19] =	ssyncadd.s32 $0xFFFFCC00;
	(pc) =	sbr.rel @p0 .LBB2_2-.Ltmp0, $4  }
0x3f: {  	[spmem:s2] =	stream.indirect.scatter.add.f32 [tilespmem:s16], [sflag:$0x3], $0x80, s29, s18, $0xb8;
	[tilespmem:$0x1BC00] =	vst v63  }
0x40: {  	_ =	swait.ge [sflag:s14], $0x3400  }
0x41: {  	[sflag:s14] =	ssyncset.done $0x0  }
0x42: {  	s26 =	sadd.s32 $0xD00, s26;
	[sflag:s14] =	ssyncadd.s32 $0xFFFFCC00  }
0x43: {  	[tilespmem:s16], [sflag:$0x2] =	stream.linear.gather [hbm4b:s28+s3], $0x3400, $0x38;
	[tilespmem:$0x1BC00] =	vst v63  }
0x44: {  	_ =	swait.ge [sflag:s17], $0x3400  }
0x45: {  	[sflag:s17] =	ssyncset.done $0x0  }
0x46: {  	[sflag:s17] =	ssyncadd.s32 $0xFFFFCC00  }
0x47: {  	[spmem:s2] =	stream.indirect.scatter.add.f32 [tilespmem:s15], [sflag:$0x3], $0x80, s20, s18, $0xb8;
	[tilespmem:$0x1BC00] =	vst v63  }
0x48: {  	_ =	swait.ge [sflag:s14], $0x3400  }
0x49: {  	[sflag:s14] =	ssyncset.done $0x0  }
0x4a: {  	[sflag:s14] =	ssyncadd.s32 $0xFFFFCC00  }
0x4b: {  	_ =	swait.ge [sflag:s19], $0x3400  }
0x4c: {  	[sflag:s19] =	ssyncset.done $0x0  }
0x4d: {  	[sflag:s19] =	ssyncadd.s32 $0xFFFFCC00  }
0x4e: {  	[spmem:s2] =	stream.indirect.scatter.add.f32 [tilespmem:s16], [sflag:$0x3], $0x80, s21, s18, $0xb8;
	[tilespmem:$0x1BC00] =	vst v63  }
0x4f: {  	_ =	swait.ge [sflag:s14], $0x3400  }
0x50: {  	[sflag:s14] =	ssyncset.done $0x0  }
0x51: {  	[sflag:s14] =	ssyncadd.s32 $0xFFFFCC00  }
0x52: {  	[tilespmem:s15], [sflag:$0x3] =	stream.linear.gather [hbm4b:s9+s3], $0x400, $0x38;
	[tilespmem:$0x1BC00] =	vst v63  }
0x53: {  	_ =	swait.ge [sflag:s14], $0x400  }
0x54: {  	[sflag:s14] =	ssyncset.done $0x0  }
0x55: {  	[sflag:s14] =	ssyncadd.s32 $0xFFFFFC00  }
0x56: {  	[spmem:s2] =	stream.indirect.scatter.add.f32 [tilespmem:s15], [sflag:$0x3], $0x80, s23, s22, $0xb8;
	[tilespmem:$0x1BC00] =	vst v63  }
0x57: {  	_ =	swait.ge [sflag:s14], $0x400  }
0x58: {  	s24 =	sadd.s32 $0x1, s24;
	[sflag:s14] =	ssyncset.done $0x0  }
0x59: {  	p0 =	sne.s32 s24, s11;
	[sflag:s14] =	ssyncadd.s32 $0xFFFFFC00  }
.Ltmp1:
0x5a: {  	[bflag:$0x0] =	sbarrier.arrive $0xFFFF;
	(pc) =	sbr.rel @p0 .LBB2_1-.Ltmp1, $4  }
0x5b: {  	[hbm:s10], [sflag:s5] =	dma.local [spmem:s13], $0x2800  }
0x5c: {  	_ =	swait.ge [sflag:s14], $0x2800  }
0x5d: {  	[sflag:s14] =	ssyncset.done $0x0  }
0x5e: {  	[sflag:s14] =	ssyncadd.s32 $0xFFFFD800  }
0x5f: {  	_ =	sfence.sel $0x180000  }
0x60: {  	[bflag:$0x0] =	sbarrier.arrive $0xFFFF  }
0x61: {  	p0 =	sne.s32 s1, $0x0;
	_ =	strace $0x9000004A  }
0x62: {  	s0 =	sadd.s32 @!p0 $0x100000, s0;
	[bflag:$0x2] =	sbarrier.arrive $0xFFFF  }
0x63: {  	[sflag:s0] =	ssyncadd.tile.s32 @!p0 $0x1;
	_ =	shalt  }
.Lfunc_end2:
_tile_overlayer_lowered:
.L_overlay_start_2:
0x64: {  	(tag) =	ssettag $0x2  }
0x65: {  	s0 =	rddreg [dreg:$0x0];
	s2 =	stileid.u32  }
0x66: {  	s1 =	rddreg [dreg:$0x1];
	p0 =	sne.s32 s2, $0x0  }
0x67: {  	s3 =	rddreg [dreg:$0x2];
	[bflag:$0x3] =	sbarrier.arrive $0xFFFF;
	s2 =	simm.s32 @!p0 $0x1C03  }
0x68: {  	[timem:s3], [sflag:s2] =	dma.local @!p0 [hbm:s0], s1  }
0x69: {  	s0 =	simm.s32 @!p0 $0x3  }
0x6a: {  	_ =	swait.ge @!p0 [sflag:s0], s1  }
0x6b: {  	s1 =	ssub.s32 @!p0 $0x0, s1;
	[sflag:s0] =	ssyncset.done @!p0 $0x0  }
0x6c: {  	[sflag:s0] =	ssyncadd.s32 @!p0 s1  }
0x6d: {  	[bflag:$0x3] =	sbarrier.arrive $0xFFFF  }
0x6e: {  	_ =	shalt  }

// kernel: kernel.21.cloned.1.call-start
scs
__scs_entry_jumppad:
0x0: {  	(pc) =	sbr.rel $0x88, $3  }
0x1: {  	(tag) =	ssettag $0x0;
	lr =	simm.s32 $0x1  }
0x2: {  	[smem:$0x3F73] =	sst lr;
	_ =	strace $0xD0000000  }
0x3: {  	_ = 	snop  }
0x4: {  	_ = 	snop  }
0x5: {  	_ = 	snop  }
0x6: {  	_ = 	snop  }
0x7: {  	_ = 	snop  }
__scs_overlays_trampoline_lowered:
0x8: {  	[smem:$0x3F82] =	sst s0  }
0x9: {  	[smem:$0x3F83] =	sst s1  }
0xa: {  	[smem:$0x3F84] =	sst s2  }
0xb: {  	[smem:$0x3F85] =	sst s3  }
0xc: {  	[smem:$0x3F86] =	sst s4  }
0xd: {  	[smem:$0x3F87] =	sst s5  }
0xe: {  	[smem:$0x3F88] =	sst s6  }
0xf: {  	[smem:$0x3F89] =	sst s7  }
0x10: {  	[smem:$0x3F8A] =	sst s8  }
0x11: {  	[smem:$0x3F8B] =	sst s9;
	s0 =	simm.s32 @!p0 $0x0  }
0x12: {  	s1 =	sld [smem:$0x3F71];
	s0 =	simm.s32 @p0 $0x1  }
0x13: {  	[smem:$0x3F8C] =	sst s0;
	s0 =	simm.s32 @!p1 $0x0  }
0x14: {  	s2 =	sld [smem:$0x3F70];
	s0 =	simm.s32 @p1 $0x1  }
0x15: {  	[smem:$0x3F8D] =	sst s0;
	s0 =	simm.s32 @!p2 $0x0  }
0x16: {  	s3 =	sld [smem:$0x3FDB];
	s0 =	simm.s32 @p2 $0x1  }
0x17: {  	s4 =	simm.s32 $0x1BF5;
	[smem:$0x3F8F] =	sst s0  }
0x18: {  	s0 =	sld [smem:$0x3F72];
	_ =	swait.ge [sflag:s4], $0x0  }
0x19: {  	s7 =	sld [smem:$0x3F73]  }
0x1a: {  	s8 =	sadd.s32 $0xFFFFE003, lr  }
0x1b: {  	s9 =	sadd.s32 $0xFFFFFEF7, lr;
	s5 =	simm.s32 $0xFFFFFFFF;
	p2 =	slt.u32 s8, $0xFFFFF086  }
0x1c: {  	p1 =	slt.u32 s9, $0xF7A;
	s5 =	simm.s32 @!p2 $0x0  }
0x1d: {  	s5 =	simm.s32 @p1 $0x1;
	p0 =	seq.s32 s7, s2  }
0x1e: {  	s7 =	smul.u32 @!p0 $0xF7A, s2;
	p2 =	seq.s32 @!p0 s5, $0x0  }
0x1f: {  	s9 =	smul.u32 $0xF7A, s1;
	s8 =	simm.s32 @!p0 $0x1BF5;
	p2 =	por !p2, p0  }
0x20: {  	[sflag:s8] =	ssyncset.s32 @!p0 $0xFFFFF086;
	s6 =	sadd.s32 @!p0 s3, s7;
	s7 =	simm.s32 @!p0 $0x108  }
0x21: {  	s3 =	sadd.s32 s3, s9;
	s6 =	sadd.s32 @!p0 $0x88, s6;
	s7 =	simm.s32 @p2 $0x1082  }
0x22: {  	[simem:s7], [sflag:s8] =	dma.local @!p0 [hbm:s6], $0xF7A  }
0x23: {  	s9 =	sor.u32 $0xD0000000, s2;
	s6 =	simm.s32 $0x108;
	_ =	swait.ge @!p0 [sflag:s8], $0x0  }
0x24: {  	s3 =	sadd.s32 $0x88, s3;
	s6 =	simm.s32 @!p1 $0x1082;
	[sflag:s4] =	ssyncset.s32 $0xFFFFF086  }
0x25: {  	[simem:s6], [sflag:s4] =	dma.local [hbm:s3], $0xF7A  }
0x26: {  	[smem:$0x3F73] =	sst s1;
	(tag) =	ssettag s2;
	_ =	strace s9  }
0x27: {  	s1 =	sld [smem:$0x3F83]  }
0x28: {  	s2 =	sld [smem:$0x3F84]  }
0x29: {  	s4 =	sld [smem:$0x3F86]  }
0x2a: {  	p0 =	seq.s32 s5, $0x0;
	s5 =	sld [smem:$0x3F87]  }
0x2b: {  	s6 =	sld [smem:$0x3F88]  }
0x2c: {  	s7 =	sld [smem:$0x3F89]  }
0x2d: {  	s3 =	simm.s32 $0x108;
	s8 =	sld [smem:$0x3F8A]  }
0x2e: {  	s3 =	simm.s32 @!p0 $0x1082;
	s9 =	sld [smem:$0x3F8B]  }
0x2f: {  	lr =	sadd.s32 s0, s3;
	s0 =	sld [smem:$0x3F82]  }
0x30: {  	s3 =	sld [smem:$0x3F85]  }
0x31: {  	[smem:$0x3F8E] =	sst s10  }
0x32: {  	s10 =	sld [smem:$0x3F8C];
	_ =	sdelay $0x3  }
0x33: {  	p0 =	seq.s32 s10, $0x1;
	s10 =	sld [smem:$0x3F8E];
	_ =	sdelay $0x3  }
0x34: {  	[smem:$0x3F8E] =	sst s10  }
0x35: {  	s10 =	sld [smem:$0x3F8D];
	_ =	sdelay $0x3  }
0x36: {  	p1 =	seq.s32 s10, $0x1;
	s10 =	sld [smem:$0x3F8E];
	_ =	sdelay $0x3  }
0x37: {  	[smem:$0x3F8E] =	sst s10  }
0x38: {  	s10 =	sld [smem:$0x3F8F]  }
0x39: {  	_ = 	snop;
	(pc) =	sbr.ind lr, $3  }
0x3a: {  	_ = 	snop  }
0x3b: {  	_ = 	snop  }
0x3c: {  	p2 =	seq.s32 s10, $0x1;
	s10 =	sld [smem:$0x3F8E]  }
0x3d: {  	_ =	shalt  }
0x3e: {  	_ =	shalt  }
0x3f: {  	_ =	shalt  }
0x40: {  	_ =	shalt  }
0x41: {  	_ =	shalt  }
0x42: {  	_ =	shalt  }
0x43: {  	_ =	shalt  }
0x44: {  	_ =	shalt  }
0x45: {  	_ =	shalt  }
0x46: {  	_ =	shalt  }
0x47: {  	_ =	shalt  }
0x48: {  	_ =	shalt  }
0x49: {  	_ =	shalt  }
0x4a: {  	_ =	shalt  }
0x4b: {  	_ =	shalt  }
0x4c: {  	_ =	shalt  }
0x4d: {  	_ =	shalt  }
0x4e: {  	_ =	shalt  }
0x4f: {  	_ =	shalt  }
0x50: {  	_ =	shalt  }
0x51: {  	_ =	shalt  }
0x52: {  	_ =	shalt  }
0x53: {  	_ =	shalt  }
0x54: {  	_ =	shalt  }
0x55: {  	_ =	shalt  }
0x56: {  	_ =	shalt  }
0x57: {  	_ =	shalt  }
0x58: {  	_ =	shalt  }
0x59: {  	_ =	shalt  }
0x5a: {  	_ =	shalt  }
0x5b: {  	_ =	shalt  }
0x5c: {  	_ =	shalt  }
0x5d: {  	_ =	shalt  }
0x5e: {  	_ =	shalt  }
0x5f: {  	_ =	shalt  }
0x60: {  	_ =	shalt  }
0x61: {  	_ =	shalt  }
0x62: {  	_ =	shalt  }
0x63: {  	_ =	shalt  }
0x64: {  	_ =	shalt  }
0x65: {  	_ =	shalt  }
0x66: {  	_ =	shalt  }
0x67: {  	_ =	shalt  }
0x68: {  	_ =	shalt  }
0x69: {  	_ =	shalt  }
0x6a: {  	_ =	shalt  }
0x6b: {  	_ =	shalt  }
0x6c: {  	_ =	shalt  }
0x6d: {  	_ =	shalt  }
0x6e: {  	_ =	shalt  }
0x6f: {  	_ =	shalt  }
0x70: {  	_ =	shalt  }
0x71: {  	_ =	shalt  }
0x72: {  	_ =	shalt  }
0x73: {  	_ =	shalt  }
0x74: {  	_ =	shalt  }
0x75: {  	_ =	shalt  }
0x76: {  	_ =	shalt  }
0x77: {  	_ =	shalt  }
0x78: {  	_ =	shalt  }
0x79: {  	_ =	shalt  }
0x7a: {  	_ =	shalt  }
0x7b: {  	_ =	shalt  }
0x7c: {  	_ =	shalt  }
0x7d: {  	_ =	shalt  }
0x7e: {  	_ =	shalt  }
0x7f: {  	_ =	shalt  }
0x80: {  	_ =	shalt  }
0x81: {  	_ =	shalt  }
0x82: {  	_ =	shalt  }
0x83: {  	_ =	shalt  }
0x84: {  	_ =	shalt  }
0x85: {  	_ =	shalt  }
0x86: {  	_ =	shalt  }
0x87: {  	_ =	shalt  }
.Lfunc_end0:
.L_simem_size_0:
called_computation.2_lowered:
.L_overlay_start_0:
0x88: {  	s2 =	sld [smem:$0x3FD9]  }
0x89: {  	s3 =	sld [smem:$0x3FFE];
	_ =	sdelay $0x1  }
0x8a: {  	s1 =	srdreg.scid  }
0x8b: {  	s0 =	sand.u32 $0x1, s1  }
0x8c: {  	s16 =	sshll.u32 s0, $0xA;
	s2 =	sadd.s32 s3, s2  }
0x8d: {  	s2 =	sadd.s32 s2, s16  }
0x8e: {  	[smem:$0x3F9A] =	sst s2  }
0x8f: {  	_ = 	snop  }
0x90: {  	(tm) =	ssettm $0x1  }
0x91: {  	s17 =	sld [smem:$0x3FFB];
	_ =	sdelay $0x3  }
0x92: {  	_ =	strace s17  }
0x93: {  	s2 =	sld [smem:$0x3FFC];
	_ =	sdelay $0x3  }
0x94: {  	_ =	strace s2  }
0x95: {  	s2 =	sld [smem:$0x3FFD];
	_ =	sdelay $0x3  }
0x96: {  	_ =	strace s2  }
0x97: {  	_ =	strace $0x8FFFFFFF  }
0x98: {  	s18 =	sld [smem:$0x3FDB];
	_ =	sdelay $0x1  }
0x99: {  	s19 =	simm.s32 $_scs_section_size  }
0x9a: {  	s4 =	simm.s32 $_size__tile_overlayer_lowered;
	s5 =	simm.s32 $_tile_overlayer_lowered  }
0x9b: {  	s22 =	simm.s32 $0x1BFF;
	s21 =	sshll.u32 s5, $0x1;
	s2 =	sadd.s32 s19, s18  }
0x9c: {  	s6 =	simm.s32 $0x0;
	s20 =	sshll.u32 s4, $0x1;
	s4 =	sadd.s32 s21, s2  }
0x9d: {  	[timem:s6], [sflag:s22] =	dma.local [hbm:s4], s20  }
0x9e: {  	_ =	swait.ge [sflag:s22], s20  }
0x9f: {  	s3 =	ssub.s32 $0x0, s20;
	[sflag:s22] =	ssyncset.done $0x0  }
0xa0: {  	[sflag:s22] =	ssyncadd.s32 s3;
	_ =	sdelay $0x1  }
0xa1: {  	s23 =	simm.s32 $0x1B8B  }
0xa2: {  	_ =	swait.ge [sflag:s23], $0x1  }
0xa3: {  	[sflag:s23] =	ssyncset.done $0x0  }
0xa4: {  	s25 =	simm.s32 $0x1B8E;
	s24 =	sld [smem:$0x3FFE];
	[sflag:s23] =	ssyncadd.s32 $0xFFFFFFFF  }
0xa5: {  	s26 =	simm.s32 $execute0_lowered;
	[smem:$0x3FD2] =	sst s25  }
0xa6: {  	s4 =	sshll.u32 s26, $0x1;
	_ =	strace $0x8000004C;
	[dreg:$0x1] =	wrdreg $0xFFFFFFFF  }
0xa7: {  	s28 =	simm.s32 $_size_execute0_lowered;
	s2 =	sadd.s32 s2, s4;
	[dreg:$0x0] =	wrdreg $0x0  }
0xa8: {  	s4 =	sshll.u32 s28, $0x1;
	[dreg:$0x2] =	wrdreg s2  }
0xa9: {  	[dreg:$0x3] =	wrdreg s4  }
0xaa: {  	[dreg:$0x4] =	wrdreg $0xC0  }
0xab: {  	_ =	task [dreg:s6], $0x5FFFF  }
0xac: {  	[dreg:$0x1] =	wrdreg $0xFFFFFFFF  }
0xad: {  	[dreg:$0x0] =	wrdreg $0x60  }
0xae: {  	[dreg:$0x2] =	wrdreg s24  }
0xaf: {  	[dreg:$0x3] =	wrdreg $0xAF800  }
0xb0: {  	[dreg:$0x4] =	wrdreg $0x9  }
0xb1: {  	_ =	task.clear_ibuf [dreg:s6], $0x5FFFF;
	_ =	strace $0x9000004C  }
0xb2: {  	s29 =	simm.s32 $0x9;
	_ =	strace $0x8000004E  }
0xb3: {  	_ =	swait.ge [sflag:s29], $0x1  }
0xb4: {  	[sflag:s29] =	ssyncadd.s32 $0xFFFFFFFF  }
0xb5: {  	_ =	strace $0x9000004E  }
0xb6: {  	_ =	sfence  }
0xb7: {  	s30 =	sld [smem:$0x0];
	_ =	sdelay $0x2  }
0xb8: {  	s31 =	sshll.u32 s1, $0xD;
	s1 =	sshrl.u32 s1, $0x2  }
0xb9: {  	s3 =	sand.u32 $0x4000, s31;
	s1 =	sadd.s32 s1, s30  }
0xba: {  	s0 =	sor.u32 s3, s0;
	s1 =	sshll.u32 s1, $0x11  }
0xbb: {  	s0 =	sor.u32 s1, s0  }
0xbc: {  	s0 =	sadd.s32 $0x8F2B, s0  }
0xbd: {  	[sflag:s0] =	ssyncadd.remote.s32 $0x1  }
0xbe: {  	_ =	sfence.sel $0xFFFF  }
0xbf: {  	[dreg:$0x0] =	wrdreg $0xFFFFFFFF;
	(pc) =	sbr.abs _section_cstart, $3  }
0xc0: {  	[dreg:$0x1] =	wrdreg $0xFFFFFFFF  }
0xc1: {  	_ =	task.clear_ibuf [dreg:s6], $0x2FFFF;
	_ =	strace $0x9FFFFFFF  }
0xc2: {  	(tm) =	ssettm $0x7FFFFFFF  }
0xc3: {  	_ =	shalt  }
tec
execute0_lowered:
.L_overlay_start_1:
0x0: {  	(tag) =	ssettag $0x1  }
0x1: {  	s4 =	rddreg [dreg:$0x0]  }
0x2: {  	s0 =	srdreg.scid;
	s2 =	rddreg [dreg:$0x1];
	s3 =	simm.s32 $0x0  }
0x3: {  	s16 =	simm.s32 $0x88;
	s17 =	simm.s32 $0x2780;
	s5 =	sand.u32 $0x1, s0  }
0x4: {  	s18 =	simm.s32 $0x6B80;
	s0 =	stileid.u32;
	s6 =	smul.u32 $0x140000, s5  }
0x5: {  	s19 =	simm.s32 $0x1;
	s20 =	simm.s32 $0x3;
	s7 =	smul.u32 $0x14000, s0  }
0x6: {  	s21 =	simm.s32 $0x2;
	s22 =	simm.s32 $0x4;
	s8 =	smul.u32 $0x27800, s5  }
0x7: {  	s23 =	simm.s32 $0x2640;
	s24 =	simm.s32 $0x48;
	s9 =	smul.u32 $0x2780, s0  }
0x8: {  	[smem:$0x7FF] =	sst s3;
	s13 =	sadd.s32 $0x7DC800, s4;
	s26 =	smul.u32 $0x50000, s0  }
0x9: {  	_ =	strace $0x8000004D;
	s28 =	smul.u32 $0x1388000, s5;
	s5 =	ssub.s32 $0x2, s5  }
0xa: {  	s10 =	smul.u32 $0x138800, s0;
	s30 =	sshll.u32 s0, $0x6;
	s29 =	sshrl.u32 s5, $0x1  }
0xb: {  	s6 =	sadd.s32 s7, s6;
	s25 =	sadd.s32 s9, s8;
	s8 =	sshrl.u32 s26, $0x2  }
0xc: {  	s11 =	ssub.s32 s5, s29;
	s10 =	sadd.s32 s10, s28;
	s5 =	sor.u32 $0x1C05, s30  }
0xd: {  	s26 =	simm.s32 $0x0;
	s6 =	sshrl.u32 s6, $0x3;
	s7 =	sshrl.u32 s25, $0x3  }
0xe: {  	s14 =	sadd.s32 s8, s2;
	s31 =	sshrl.u32 s10, $0x3;
	s12 =	sadd.s32 $0x4400, s10  }
0xf: {  	s10 =	smax.u32 s11, $0x1;
	s25 =	simm.s32 $0x26C8;
	s6 =	sadd.s32 s6, s4  }
0x10: {  	s7 =	sadd.s32 s7, s4;
	s15 =	sshrl.u32 s12, $0x3;
	s14 =	sshrl.u32 s14, $0x3  }
0x11: {  	s4 =	sadd.s32 $0x89800, s6;
	s6 =	sadd.s32 $0x7FA00, s7;
	s7 =	sadd.s32 s31, s13  }
0x12: {  	s13 =	sadd.s32 s15, s13;
	s15 =	simm.s32 $0x5;
	s8 =	sadd.s32 $0x26400, s7  }
0x13: {  	s9 =	sadd.s32 $0x26C80, s7;
	s11 =	sadd.s32 $0x25300, s7;
	s12 =	sadd.s32 $0x25B80, s7  }
.LBB2_1:
0x14: {  	[spmem:s14], [sflag:s5] =	dma.local [hbm:s4], $0x2800  }
0x15: {  	_ =	swait.ge [sflag:s15], $0x2800  }
0x16: {  	[sflag:s15] =	ssyncset.done $0x0  }
0x17: {  	[sflag:s15] =	ssyncadd.s32 $0xFFFFD800  }
0x18: {  	[tilespmem:s3], [sflag:$0x5] =	stream.linear.gather [hbm4b:s6+s3], $0x2780, $0x38;
	[tilespmem:$0x1EF80] =	vst v63  }
0x19: {  	_ =	swait.ge [sflag:s15], $0x2780  }
0x1a: {  	[sflag:s15] =	ssyncset.done $0x0  }
0x1b: {  	[sflag:s15] =	ssyncadd.s32 $0xFFFFD880  }
0x1c: {  	[bflag:$0x0] =	sbarrier.arrive $0xFFFF  }
0x1d: {  	[tilespmem:s17], [sflag:$0x1] =	stream.indirect.gather [spmem:s2], $0x80, s3, s16, $0xb8;
	[tilespmem:$0x1EF80] =	vst v63  }
0x1e: {  	_ = 	snop  }
0x1f: {  	[tilespmem:s18], [sflag:$0x2] =	stream.indirect.gather [spmem:s2], $0x80, s16, s16, $0xb8;
	[tilespmem:$0x1EF80] =	vst v63  }
0x20: {  	_ =	swait.ge [sflag:s19], $0x4400  }
0x21: {  	[sflag:s19] =	ssyncset.done $0x0  }
0x22: {  	s28 =	sadd.s32 $0x0, s7;
	[sflag:s19] =	ssyncadd.s32 $0xFFFFBC00  }
0x23: {  	[hbm4b:s28+s3] =	stream.linear.scatter [tilespmem:s17], [sflag:$0x3], $0x4400, $0x38;
	[tilespmem:$0x1EF80] =	vst v63  }
0x24: {  	_ =	swait.ge [sflag:s20], $0x4400  }
0x25: {  	[sflag:s20] =	ssyncset.done $0x0  }
0x26: {  	s28 =	simm.s32 $0x110;
	[sflag:s20] =	ssyncadd.s32 $0xFFFFBC00  }
0x27: {  	[tilespmem:s17], [sflag:$0x1] =	stream.indirect.gather [spmem:s2], $0x80, s28, s16, $0xb8;
	[tilespmem:$0x1EF80] =	vst v63  }
0x28: {  	_ =	swait.ge [sflag:s21], $0x4400  }
0x29: {  	[sflag:s21] =	ssyncset.done $0x0  }
0x2a: {  	s28 =	sadd.s32 $0x0, s13;
	[sflag:s21] =	ssyncadd.s32 $0xFFFFBC00  }
0x2b: {  	[hbm4b:s28+s3] =	stream.linear.scatter [tilespmem:s18], [sflag:$0x4], $0x4400, $0x38;
	[tilespmem:$0x1EF80] =	vst v63  }
0x2c: {  	_ =	swait.ge [sflag:s22], $0x4400  }
0x2d: {  	s29 =	simm.s32 $0x1100;
	[sflag:s22] =	ssyncset.done $0x0  }
0x2e: {  	s30 =	simm.s32 $0x2A8;
	s28 =	simm.s32 $0x198;
	[sflag:s22] =	ssyncadd.s32 $0xFFFFBC00  }
.LBB2_2:
0x2f: {  	[tilespmem:s18], [sflag:$0x2] =	stream.indirect.gather [spmem:s2], $0x80, s28, s16, $0xb8;
	[tilespmem:$0x1EF80] =	vst v63  }
0x30: {  	s31 =	smov.u32 s29;
	s28 =	smov.u32 s30  }
0x31: {  	p0 =	sne.s32 s29, $0x24200;
	s29 =	sadd.s32 $0x1100, s29;
	_ =	swait.ge [sflag:s19], $0x4400  }
0x32: {  	[sflag:s19] =	ssyncset.done $0x0  }
0x33: {  	s1 =	sadd.s32 s31, s7;
	[sflag:s19] =	ssyncadd.s32 $0xFFFFBC00  }
0x34: {  	[hbm4b:s1+s3] =	stream.linear.scatter [tilespmem:s17], [sflag:$0x3], $0x4400, $0x38;
	[tilespmem:$0x1EF80] =	vst v63  }
0x35: {  	_ =	swait.ge [sflag:s20], $0x4400  }
0x36: {  	[sflag:s20] =	ssyncset.done $0x0  }
0x37: {  	s1 =	sadd.s32 $0xFFFFFF78, s30;
	[sflag:s20] =	ssyncadd.s32 $0xFFFFBC00  }
0x38: {  	[tilespmem:s17], [sflag:$0x1] =	stream.indirect.gather [spmem:s2], $0x80, s1, s16, $0xb8;
	[tilespmem:$0x1EF80] =	vst v63  }
0x39: {  	_ =	swait.ge [sflag:s21], $0x4400  }
0x3a: {  	[sflag:s21] =	ssyncset.done $0x0  }
.Ltmp0:
0x3b: {  	s1 =	sadd.s32 s31, s13;
	[sflag:s21] =	ssyncadd.s32 $0xFFFFBC00;
	(pc) =	sbr.rel @p0 .LBB2_2-.Ltmp0, $4  }
0x3c: {  	[hbm4b:s1+s3] =	stream.linear.scatter [tilespmem:s18], [sflag:$0x4], $0x4400, $0x38;
	[tilespmem:$0x1EF80] =	vst v63  }
0x3d: {  	_ =	swait.ge [sflag:s22], $0x4400  }
0x3e: {  	[sflag:s22] =	ssyncset.done $0x0  }
0x3f: {  	s30 =	sadd.s32 $0x110, s30;
	[sflag:s22] =	ssyncadd.s32 $0xFFFFBC00  }
0x40: {  	[tilespmem:s18], [sflag:$0x2] =	stream.indirect.gather [spmem:s2], $0x80, s28, s16, $0xb8;
	[tilespmem:$0x1EF80] =	vst v63  }
0x41: {  	_ =	swait.ge [sflag:s19], $0x4400  }
0x42: {  	[sflag:s19] =	ssyncset.done $0x0  }
0x43: {  	[sflag:s19] =	ssyncadd.s32 $0xFFFFBC00  }
0x44: {  	[hbm4b:s11+s3] =	stream.linear.scatter [tilespmem:s17], [sflag:$0x3], $0x4400, $0x38;
	[tilespmem:$0x1EF80] =	vst v63  }
0x45: {  	_ =	swait.ge [sflag:s20], $0x4400  }
0x46: {  	[sflag:s20] =	ssyncset.done $0x0  }
0x47: {  	[sflag:s20] =	ssyncadd.s32 $0xFFFFBC00  }
0x48: {  	[tilespmem:s17], [sflag:$0x1] =	stream.indirect.gather [spmem:s2], $0x80, s23, s16, $0xb8;
	[tilespmem:$0x1EF80] =	vst v63  }
0x49: {  	_ =	swait.ge [sflag:s21], $0x4400  }
0x4a: {  	[sflag:s21] =	ssyncset.done $0x0  }
0x4b: {  	[sflag:s21] =	ssyncadd.s32 $0xFFFFBC00  }
0x4c: {  	[hbm4b:s12+s3] =	stream.linear.scatter [tilespmem:s18], [sflag:$0x4], $0x4400, $0x38;
	[tilespmem:$0x1EF80] =	vst v63  }
0x4d: {  	_ =	swait.ge [sflag:s19], $0x4400  }
0x4e: {  	[sflag:s19] =	ssyncset.done $0x0  }
0x4f: {  	[sflag:s19] =	ssyncadd.s32 $0xFFFFBC00  }
0x50: {  	[hbm4b:s8+s3] =	stream.linear.scatter [tilespmem:s17], [sflag:$0x5], $0x4400, $0x38;
	[tilespmem:$0x1EF80] =	vst v63  }
0x51: {  	_ =	swait.ge [sflag:s15], $0x4400  }
0x52: {  	[sflag:s15] =	ssyncset.done $0x0  }
0x53: {  	[sflag:s15] =	ssyncadd.s32 $0xFFFFBC00  }
0x54: {  	_ =	swait.ge [sflag:s22], $0x4400  }
0x55: {  	[sflag:s22] =	ssyncset.done $0x0  }
0x56: {  	[sflag:s22] =	ssyncadd.s32 $0xFFFFBC00  }
0x57: {  	[tilespmem:s17], [sflag:$0x5] =	stream.indirect.gather [spmem:s2], $0x80, s25, s24, $0xb8;
	[tilespmem:$0x1EF80] =	vst v63  }
0x58: {  	s26 =	sadd.s32 $0x1, s26;
	_ =	swait.ge [sflag:s15], $0x2400  }
0x59: {  	p0 =	sne.s32 s26, s10;
	[sflag:s15] =	ssyncset.done $0x0  }
.Ltmp1:
0x5a: {  	[sflag:s15] =	ssyncadd.s32 $0xFFFFDC00;
	(pc) =	sbr.rel @p0 .LBB2_1-.Ltmp1, $4  }
0x5b: {  	[hbm4b:s9+s3] =	stream.linear.scatter [tilespmem:s17], [sflag:$0x5], $0x2400, $0x38;
	[tilespmem:$0x1EF80] =	vst v63  }
0x5c: {  	_ =	swait.ge [sflag:s15], $0x2400  }
0x5d: {  	[sflag:s15] =	ssyncset.done $0x0  }
0x5e: {  	[sflag:s15] =	ssyncadd.s32 $0xFFFFDC00  }
0x5f: {  	_ =	sfence.sel $0x180000  }
0x60: {  	[bflag:$0x0] =	sbarrier.arrive $0xFFFF  }
0x61: {  	_ =	strace $0x9000004D  }
0x62: {  	[bflag:$0x2] =	sbarrier.arrive $0xFFFF  }
0x63: {  	p0 =	sne.s32 s0, $0x0;
	s0 =	rddreg [dreg:$0x2]  }
0x64: {  	s0 =	sadd.s32 @!p0 $0x100000, s0  }
0x65: {  	[sflag:s0] =	ssyncadd.tile.s32 @!p0 $0x1;
	_ =	shalt  }
.Lfunc_end2:
_tile_overlayer_lowered:
.L_overlay_start_2:
0x66: {  	(tag) =	ssettag $0x2  }
0x67: {  	s0 =	rddreg [dreg:$0x0];
	s2 =	stileid.u32  }
0x68: {  	s1 =	rddreg [dreg:$0x1];
	p0 =	sne.s32 s2, $0x0  }
0x69: {  	s3 =	rddreg [dreg:$0x2];
	[bflag:$0x3] =	sbarrier.arrive $0xFFFF;
	s2 =	simm.s32 @!p0 $0x1C05  }
0x6a: {  	[timem:s3], [sflag:s2] =	dma.local @!p0 [hbm:s0], s1  }
0x6b: {  	s0 =	simm.s32 @!p0 $0x5  }
0x6c: {  	_ =	swait.ge @!p0 [sflag:s0], s1  }
0x6d: {  	s1 =	ssub.s32 @!p0 $0x0, s1;
	[sflag:s0] =	ssyncset.done @!p0 $0x0  }
0x6e: {  	[sflag:s0] =	ssyncadd.s32 @!p0 s1  }
0x6f: {  	[bflag:$0x3] =	sbarrier.arrive $0xFFFF  }
0x70: {  	_ =	shalt  }

// kernel: kernel.24.cloned.1.call-start
scs
__scs_entry_jumppad:
0x0: {  	(pc) =	sbr.rel $0x88, $3  }
0x1: {  	(tag) =	ssettag $0x0;
	lr =	simm.s32 $0x1  }
0x2: {  	[smem:$0x3F73] =	sst lr;
	_ =	strace $0xD0000000  }
0x3: {  	_ = 	snop  }
0x4: {  	_ = 	snop  }
0x5: {  	_ = 	snop  }
0x6: {  	_ = 	snop  }
0x7: {  	_ = 	snop  }
__scs_overlays_trampoline_lowered:
0x8: {  	[smem:$0x3F82] =	sst s0  }
0x9: {  	[smem:$0x3F83] =	sst s1  }
0xa: {  	[smem:$0x3F84] =	sst s2  }
0xb: {  	[smem:$0x3F85] =	sst s3  }
0xc: {  	[smem:$0x3F86] =	sst s4  }
0xd: {  	[smem:$0x3F87] =	sst s5  }
0xe: {  	[smem:$0x3F88] =	sst s6  }
0xf: {  	[smem:$0x3F89] =	sst s7  }
0x10: {  	[smem:$0x3F8A] =	sst s8  }
0x11: {  	[smem:$0x3F8B] =	sst s9;
	s0 =	simm.s32 @!p0 $0x0  }
0x12: {  	s1 =	sld [smem:$0x3F71];
	s0 =	simm.s32 @p0 $0x1  }
0x13: {  	[smem:$0x3F8C] =	sst s0;
	s0 =	simm.s32 @!p1 $0x0  }
0x14: {  	s2 =	sld [smem:$0x3F70];
	s0 =	simm.s32 @p1 $0x1  }
0x15: {  	[smem:$0x3F8D] =	sst s0;
	s0 =	simm.s32 @!p2 $0x0  }
0x16: {  	s3 =	sld [smem:$0x3FDB];
	s0 =	simm.s32 @p2 $0x1  }
0x17: {  	s4 =	simm.s32 $0x1BF5;
	[smem:$0x3F8F] =	sst s0  }
0x18: {  	s0 =	sld [smem:$0x3F72];
	_ =	swait.ge [sflag:s4], $0x0  }
0x19: {  	s7 =	sld [smem:$0x3F73]  }
0x1a: {  	s8 =	sadd.s32 $0xFFFFE003, lr  }
0x1b: {  	s9 =	sadd.s32 $0xFFFFFEF7, lr;
	s5 =	simm.s32 $0xFFFFFFFF;
	p2 =	slt.u32 s8, $0xFFFFF086  }
0x1c: {  	p1 =	slt.u32 s9, $0xF7A;
	s5 =	simm.s32 @!p2 $0x0  }
0x1d: {  	s5 =	simm.s32 @p1 $0x1;
	p0 =	seq.s32 s7, s2  }
0x1e: {  	s7 =	smul.u32 @!p0 $0xF7A, s2;
	p2 =	seq.s32 @!p0 s5, $0x0  }
0x1f: {  	s9 =	smul.u32 $0xF7A, s1;
	s8 =	simm.s32 @!p0 $0x1BF5;
	p2 =	por !p2, p0  }
0x20: {  	[sflag:s8] =	ssyncset.s32 @!p0 $0xFFFFF086;
	s6 =	sadd.s32 @!p0 s3, s7;
	s7 =	simm.s32 @!p0 $0x108  }
0x21: {  	s3 =	sadd.s32 s3, s9;
	s6 =	sadd.s32 @!p0 $0x88, s6;
	s7 =	simm.s32 @p2 $0x1082  }
0x22: {  	[simem:s7], [sflag:s8] =	dma.local @!p0 [hbm:s6], $0xF7A  }
0x23: {  	s9 =	sor.u32 $0xD0000000, s2;
	s6 =	simm.s32 $0x108;
	_ =	swait.ge @!p0 [sflag:s8], $0x0  }
0x24: {  	s3 =	sadd.s32 $0x88, s3;
	s6 =	simm.s32 @!p1 $0x1082;
	[sflag:s4] =	ssyncset.s32 $0xFFFFF086  }
0x25: {  	[simem:s6], [sflag:s4] =	dma.local [hbm:s3], $0xF7A  }
0x26: {  	[smem:$0x3F73] =	sst s1;
	(tag) =	ssettag s2;
	_ =	strace s9  }
0x27: {  	s1 =	sld [smem:$0x3F83]  }
0x28: {  	s2 =	sld [smem:$0x3F84]  }
0x29: {  	s4 =	sld [smem:$0x3F86]  }
0x2a: {  	p0 =	seq.s32 s5, $0x0;
	s5 =	sld [smem:$0x3F87]  }
0x2b: {  	s6 =	sld [smem:$0x3F88]  }
0x2c: {  	s7 =	sld [smem:$0x3F89]  }
0x2d: {  	s3 =	simm.s32 $0x108;
	s8 =	sld [smem:$0x3F8A]  }
0x2e: {  	s3 =	simm.s32 @!p0 $0x1082;
	s9 =	sld [smem:$0x3F8B]  }
0x2f: {  	lr =	sadd.s32 s0, s3;
	s0 =	sld [smem:$0x3F82]  }
0x30: {  	s3 =	sld [smem:$0x3F85]  }
0x31: {  	[smem:$0x3F8E] =	sst s10  }
0x32: {  	s10 =	sld [smem:$0x3F8C];
	_ =	sdelay $0x3  }
0x33: {  	p0 =	seq.s32 s10, $0x1;
	s10 =	sld [smem:$0x3F8E];
	_ =	sdelay $0x3  }
0x34: {  	[smem:$0x3F8E] =	sst s10  }
0x35: {  	s10 =	sld [smem:$0x3F8D];
	_ =	sdelay $0x3  }
0x36: {  	p1 =	seq.s32 s10, $0x1;
	s10 =	sld [smem:$0x3F8E];
	_ =	sdelay $0x3  }
0x37: {  	[smem:$0x3F8E] =	sst s10  }
0x38: {  	s10 =	sld [smem:$0x3F8F]  }
0x39: {  	_ = 	snop;
	(pc) =	sbr.ind lr, $3  }
0x3a: {  	_ = 	snop  }
0x3b: {  	_ = 	snop  }
0x3c: {  	p2 =	seq.s32 s10, $0x1;
	s10 =	sld [smem:$0x3F8E]  }
0x3d: {  	_ =	shalt  }
0x3e: {  	_ =	shalt  }
0x3f: {  	_ =	shalt  }
0x40: {  	_ =	shalt  }
0x41: {  	_ =	shalt  }
0x42: {  	_ =	shalt  }
0x43: {  	_ =	shalt  }
0x44: {  	_ =	shalt  }
0x45: {  	_ =	shalt  }
0x46: {  	_ =	shalt  }
0x47: {  	_ =	shalt  }
0x48: {  	_ =	shalt  }
0x49: {  	_ =	shalt  }
0x4a: {  	_ =	shalt  }
0x4b: {  	_ =	shalt  }
0x4c: {  	_ =	shalt  }
0x4d: {  	_ =	shalt  }
0x4e: {  	_ =	shalt  }
0x4f: {  	_ =	shalt  }
0x50: {  	_ =	shalt  }
0x51: {  	_ =	shalt  }
0x52: {  	_ =	shalt  }
0x53: {  	_ =	shalt  }
0x54: {  	_ =	shalt  }
0x55: {  	_ =	shalt  }
0x56: {  	_ =	shalt  }
0x57: {  	_ =	shalt  }
0x58: {  	_ =	shalt  }
0x59: {  	_ =	shalt  }
0x5a: {  	_ =	shalt  }
0x5b: {  	_ =	shalt  }
0x5c: {  	_ =	shalt  }
0x5d: {  	_ =	shalt  }
0x5e: {  	_ =	shalt  }
0x5f: {  	_ =	shalt  }
0x60: {  	_ =	shalt  }
0x61: {  	_ =	shalt  }
0x62: {  	_ =	shalt  }
0x63: {  	_ =	shalt  }
0x64: {  	_ =	shalt  }
0x65: {  	_ =	shalt  }
0x66: {  	_ =	shalt  }
0x67: {  	_ =	shalt  }
0x68: {  	_ =	shalt  }
0x69: {  	_ =	shalt  }
0x6a: {  	_ =	shalt  }
0x6b: {  	_ =	shalt  }
0x6c: {  	_ =	shalt  }
0x6d: {  	_ =	shalt  }
0x6e: {  	_ =	shalt  }
0x6f: {  	_ =	shalt  }
0x70: {  	_ =	shalt  }
0x71: {  	_ =	shalt  }
0x72: {  	_ =	shalt  }
0x73: {  	_ =	shalt  }
0x74: {  	_ =	shalt  }
0x75: {  	_ =	shalt  }
0x76: {  	_ =	shalt  }
0x77: {  	_ =	shalt  }
0x78: {  	_ =	shalt  }
0x79: {  	_ =	shalt  }
0x7a: {  	_ =	shalt  }
0x7b: {  	_ =	shalt  }
0x7c: {  	_ =	shalt  }
0x7d: {  	_ =	shalt  }
0x7e: {  	_ =	shalt  }
0x7f: {  	_ =	shalt  }
0x80: {  	_ =	shalt  }
0x81: {  	_ =	shalt  }
0x82: {  	_ =	shalt  }
0x83: {  	_ =	shalt  }
0x84: {  	_ =	shalt  }
0x85: {  	_ =	shalt  }
0x86: {  	_ =	shalt  }
0x87: {  	_ =	shalt  }
.Lfunc_end0:
.L_simem_size_0:
called_computation.3_lowered:
.L_overlay_start_0:
0x88: {  	s2 =	sld [smem:$0x3FD9]  }
0x89: {  	s3 =	sld [smem:$0x3FFE];
	_ =	sdelay $0x1  }
0x8a: {  	s1 =	srdreg.scid  }
0x8b: {  	s0 =	sand.u32 $0x1, s1  }
0x8c: {  	s17 =	sshll.u32 s0, $0xA;
	s2 =	sadd.s32 s3, s2  }
0x8d: {  	s2 =	sadd.s32 s2, s17  }
0x8e: {  	[smem:$0x3F9A] =	sst s2  }
0x8f: {  	_ = 	snop  }
0x90: {  	s2 =	sld [smem:$0x3FC6];
	(tm) =	ssettm $0x1  }
0x91: {  	s18 =	sld [smem:$0x3FFB];
	_ =	sdelay $0x3  }
0x92: {  	_ =	strace s18  }
0x93: {  	s3 =	sld [smem:$0x3FFC];
	_ =	sdelay $0x3  }
0x94: {  	_ =	strace s3  }
0x95: {  	s3 =	sld [smem:$0x3FFD];
	_ =	sdelay $0x3  }
0x96: {  	_ =	strace s3  }
0x97: {  	_ =	strace $0x8FFFFFFF  }
0x98: {  	s19 =	sld [smem:$0x3FDB];
	_ =	sdelay $0x1  }
0x99: {  	s4 =	simm.s32 $_scs_section_size  }
0x9a: {  	s5 =	simm.s32 $_size__tile_overlayer_lowered;
	s6 =	simm.s32 $_tile_overlayer_lowered  }
0x9b: {  	s22 =	simm.s32 $0x1BFF;
	s21 =	sshll.u32 s6, $0x1;
	s3 =	sadd.s32 s4, s19  }
0x9c: {  	s7 =	simm.s32 $0x0;
	s20 =	sshll.u32 s5, $0x1;
	s5 =	sadd.s32 s21, s3  }
0x9d: {  	[timem:s7], [sflag:s22] =	dma.local [hbm:s5], s20  }
0x9e: {  	_ =	swait.ge [sflag:s22], s20  }
0x9f: {  	s4 =	ssub.s32 $0x0, s20;
	[sflag:s22] =	ssyncset.done $0x0  }
0xa0: {  	[sflag:s22] =	ssyncadd.s32 s4;
	_ =	sdelay $0x1  }
0xa1: {  	s23 =	simm.s32 $0x1B8B  }
0xa2: {  	_ =	swait.ge [sflag:s23], $0x1  }
0xa3: {  	[sflag:s23] =	ssyncset.done $0x0  }
0xa4: {  	s25 =	simm.s32 $0x1B8E;
	s24 =	sld [smem:$0x3FFE];
	[sflag:s23] =	ssyncadd.s32 $0xFFFFFFFF  }
0xa5: {  	s26 =	simm.s32 $execute0_lowered;
	[smem:$0x3FD2] =	sst s25  }
0xa6: {  	s5 =	sshll.u32 s26, $0x1;
	_ =	strace $0x8000004F;
	[dreg:$0x1] =	wrdreg $0xFFFFFFFF  }
0xa7: {  	s28 =	simm.s32 $_size_execute0_lowered;
	s3 =	sadd.s32 s3, s5;
	[dreg:$0x0] =	wrdreg $0x0  }
0xa8: {  	s5 =	sshll.u32 s28, $0x1;
	[dreg:$0x2] =	wrdreg s3  }
0xa9: {  	[dreg:$0x3] =	wrdreg s5  }
0xaa: {  	[dreg:$0x4] =	wrdreg $0xC0  }
0xab: {  	_ =	task [dreg:s7], $0x5FFFF  }
0xac: {  	[dreg:$0x1] =	wrdreg $0xFFFFFFFF  }
0xad: {  	[dreg:$0x0] =	wrdreg $0x60  }
0xae: {  	[dreg:$0x2] =	wrdreg s24  }
0xaf: {  	[dreg:$0x3] =	wrdreg s2  }
0xb0: {  	[dreg:$0x4] =	wrdreg $0x7C000  }
0xb1: {  	[dreg:$0x5] =	wrdreg $0x9  }
0xb2: {  	_ =	task.clear_ibuf [dreg:s7], $0x6FFFF;
	_ =	strace $0x9000004F  }
0xb3: {  	s29 =	simm.s32 $0x9;
	_ =	strace $0x80000051  }
0xb4: {  	_ =	swait.ge [sflag:s29], $0x1  }
0xb5: {  	[sflag:s29] =	ssyncadd.s32 $0xFFFFFFFF  }
0xb6: {  	_ =	strace $0x90000051  }
0xb7: {  	_ =	sfence  }
0xb8: {  	s30 =	sld [smem:$0x0];
	_ =	sdelay $0x2  }
0xb9: {  	s31 =	sshll.u32 s1, $0xD;
	s1 =	sshrl.u32 s1, $0x2  }
0xba: {  	s3 =	sand.u32 $0x4000, s31;
	s1 =	sadd.s32 s1, s30  }
0xbb: {  	s0 =	sor.u32 s3, s0;
	s1 =	sshll.u32 s1, $0x11  }
0xbc: {  	s0 =	sor.u32 s1, s0  }
0xbd: {  	s0 =	sadd.s32 $0x8F2B, s0  }
0xbe: {  	[sflag:s0] =	ssyncadd.remote.s32 $0x1  }
0xbf: {  	_ =	sfence.sel $0xFFFF  }
0xc0: {  	[dreg:$0x0] =	wrdreg $0xFFFFFFFF;
	(pc) =	sbr.abs _section_cstart, $3  }
0xc1: {  	[dreg:$0x1] =	wrdreg $0xFFFFFFFF  }
0xc2: {  	_ =	task.clear_ibuf [dreg:s7], $0x2FFFF;
	_ =	strace $0x9FFFFFFF  }
0xc3: {  	(tm) =	ssettm $0x7FFFFFFF  }
tec
execute0_lowered:
.L_overlay_start_1:
0x0: {  	(tag) =	ssettag $0x1  }
0x1: {  	s4 =	rddreg [dreg:$0x0]  }
0x2: {  	s6 =	rddreg [dreg:$0x1]  }
0x3: {  	s2 =	rddreg [dreg:$0x2]  }
0x4: {  	s0 =	rddreg [dreg:$0x3]  }
0x5: {  	s1 =	stileid.u32;
	s5 =	srdreg.scid;
	s3 =	simm.s32 $0x0  }
0x6: {  	s16 =	simm.s32 $0x4800;
	s17 =	simm.s32 $0x1;
	s7 =	smul.u32 $0x14000, s1  }
0x7: {  	s18 =	simm.s32 $0x68;
	s19 =	simm.s32 $0x2;
	s11 =	smul.u32 $0x50000, s1  }
0x8: {  	s8 =	sand.u32 $0x1, s5;
	[smem:$0x7FF] =	sst s3;
	s29 =	smul.u32 $0x27100, s1  }
0x9: {  	s10 =	sadd.s32 $0x57A00, s4;
	s20 =	sshll.u32 s1, $0x1;
	s5 =	smul.u32 $0x140000, s8  }
0xa: {  	s25 =	sshll.u32 s1, $0x6;
	s22 =	sor.u32 s8, s20;
	s31 =	smul.u32 $0x13880, s8  }
0xb: {  	_ =	strace $0x80000050;
	s21 =	ssub.s32 $0x2, s8;
	s13 =	smul.u32 $0x1388, s22  }
0xc: {  	s20 =	simm.s32 $0x12B0;
	s9 =	sshrl.u32 s7, $0x3;
	s24 =	smul.u32 $0x13880, s22  }
0xd: {  	s23 =	sshrl.u32 s21, $0x1;
	s11 =	sshrl.u32 s11, $0x2;
	s26 =	smul.u32 $0x9C400, s22  }
0xe: {  	s22 =	simm.s32 $0x8;
	s9 =	sadd.s32 s9, s4;
	s5 =	sadd.s32 s7, s5  }
0xf: {  	s14 =	ssub.s32 s21, s23;
	s15 =	sadd.s32 s11, s2;
	s21 =	simm.s32 $0x1318  }
0x10: {  	s23 =	simm.s32 $0x1380;
	s5 =	sshrl.u32 s5, $0x3;
	s28 =	sshrl.u32 s13, $0x3  }
0x11: {  	s30 =	sshrl.u32 s26, $0x3;
	s7 =	sadd.s32 s10, s24;
	s11 =	smax.u32 s14, $0x1  }
0x12: {  	s14 =	simm.s32 $0x3;
	s24 =	simm.s32 $0x0;
	s12 =	sadd.s32 s5, s4  }
0x13: {  	s4 =	sadd.s32 $0x2FA00, s9;
	s5 =	sor.u32 $0x1C03, s25;
	s9 =	sadd.s32 s10, s30  }
0x14: {  	s6 =	sadd.s32 s6, s28;
	s10 =	sadd.s32 s29, s10;
	s8 =	sadd.s32 $0x680, s9  }
0x15: {  	s9 =	sadd.s32 $0x13800, s9;
	s13 =	sadd.s32 s31, s10;
	s10 =	sadd.s32 $0x2C8A00, s12  }
0x16: {  	s12 =	sadd.s32 $0x1380, s13;
	s13 =	sshrl.u32 s15, $0x3;
	s15 =	simm.s32 $0x1400  }
.LBB2_1:
0x17: {  	[spmem:s13], [sflag:s5] =	dma.local [hbm:s4], $0x2800  }
0x18: {  	_ =	swait.ge [sflag:s14], $0x2800  }
0x19: {  	[sflag:s14] =	ssyncset.done $0x0  }
0x1a: {  	[sflag:s14] =	ssyncadd.s32 $0xFFFFD800  }
0x1b: {  	[tilespmem:s3], [sflag:$0x3] =	stream.linear.gather [hbm4b:s6+s3], $0x1388, $0x38;
	[tilespmem:$0x1BC00] =	vst v63  }
0x1c: {  	_ =	swait.ge [sflag:s14], $0x1388  }
0x1d: {  	[sflag:s14] =	ssyncset.done $0x0  }
0x1e: {  	[sflag:s14] =	ssyncadd.s32 $0xFFFFEC78  }
0x1f: {  	[bflag:$0x0] =	sbarrier.arrive $0xFFFF  }
0x20: {  	[tilespmem:s15], [sflag:$0x1] =	stream.linear.gather [hbm4b:s7+s3], $0x3400, $0x38;
	[tilespmem:$0x1BC00] =	vst v63  }
0x21: {  	_ = 	snop  }
0x22: {  	[tilespmem:s16], [sflag:$0x2] =	stream.linear.gather [hbm4b:s8+s3], $0x3400, $0x38;
	[tilespmem:$0x1BC00] =	vst v63  }
0x23: {  	_ =	swait.ge [sflag:s17], $0x3400  }
0x24: {  	[sflag:s17] =	ssyncset.done $0x0  }
0x25: {  	s25 =	simm.s32 $0x0;
	[sflag:s17] =	ssyncadd.s32 $0xFFFFCC00  }
0x26: {  	[spmem:s2] =	stream.indirect.scatter.add.f32 [tilespmem:s15], [sflag:$0x3], $0x80, s25, s18, $0xb8;
	[tilespmem:$0x1BC00] =	vst v63  }
0x27: {  	_ =	swait.ge [sflag:s14], $0x3400  }
0x28: {  	[sflag:s14] =	ssyncset.done $0x0  }
0x29: {  	s30 =	sadd.s32 $0xFFFFF980, s12;
	[sflag:s14] =	ssyncadd.s32 $0xFFFFCC00  }
0x2a: {  	[tilespmem:s15], [sflag:$0x1] =	stream.linear.gather [hbm4b:s30+s3], $0x3400, $0x38;
	[tilespmem:$0x1BC00] =	vst v63  }
0x2b: {  	_ =	swait.ge [sflag:s19], $0x3400  }
0x2c: {  	[sflag:s19] =	ssyncset.done $0x0  }
0x2d: {  	s31 =	simm.s32 $0x68;
	[sflag:s19] =	ssyncadd.s32 $0xFFFFCC00  }
0x2e: {  	[spmem:s2] =	stream.indirect.scatter.add.f32 [tilespmem:s16], [sflag:$0x3], $0x80, s31, s18, $0xb8;
	[tilespmem:$0x1BC00] =	vst v63  }
0x2f: {  	_ =	swait.ge [sflag:s14], $0x3400  }
0x30: {  	s26 =	sadd.s32 $0xD00, s12;
	[sflag:s14] =	ssyncset.done $0x0  }
0x31: {  	s28 =	smov.u32 s12;
	s25 =	simm.s32 $0x340;
	[sflag:s14] =	ssyncadd.s32 $0xFFFFCC00  }
.LBB2_2:
0x32: {  	[tilespmem:s16], [sflag:$0x2] =	stream.linear.gather [hbm4b:s28+s3], $0x3400, $0x38;
	[tilespmem:$0x1BC00] =	vst v63  }
0x33: {  	s29 =	smov.u32 s25;
	s28 =	smov.u32 s26  }
0x34: {  	p0 =	sne.s32 s25, $0x4780;
	s25 =	sadd.s32 $0x340, s25;
	_ =	swait.ge [sflag:s17], $0x3400  }
0x35: {  	[sflag:s17] =	ssyncset.done $0x0  }
0x36: {  	s29 =	sshra.s32 s29, $0x2;
	[sflag:s17] =	ssyncadd.s32 $0xFFFFCC00  }
0x37: {  	[spmem:s2] =	stream.indirect.scatter.add.f32 [tilespmem:s15], [sflag:$0x3], $0x80, s29, s18, $0xb8;
	[tilespmem:$0x1BC00] =	vst v63  }
0x38: {  	_ =	swait.ge [sflag:s14], $0x3400  }
0x39: {  	[sflag:s14] =	ssyncset.done $0x0  }
0x3a: {  	s30 =	sadd.s32 $0xFFFFF980, s26;
	[sflag:s14] =	ssyncadd.s32 $0xFFFFCC00  }
0x3b: {  	[tilespmem:s15], [sflag:$0x1] =	stream.linear.gather [hbm4b:s30+s3], $0x3400, $0x38;
	[tilespmem:$0x1BC00] =	vst v63  }
0x3c: {  	_ =	swait.ge [sflag:s19], $0x3400  }
0x3d: {  	[sflag:s19] =	ssyncset.done $0x0  }
.Ltmp0:
0x3e: {  	s29 =	sadd.s32 $0x68, s29;
	[sflag:s19] =	ssyncadd.s32 $0xFFFFCC00;
	(pc) =	sbr.rel @p0 .LBB2_2-.Ltmp0, $4  }
0x3f: {  	[spmem:s2] =	stream.indirect.scatter.add.f32 [tilespmem:s16], [sflag:$0x3], $0x80, s29, s18, $0xb8;
	[tilespmem:$0x1BC00] =	vst v63  }
0x40: {  	_ =	swait.ge [sflag:s14], $0x3400  }
0x41: {  	[sflag:s14] =	ssyncset.done $0x0  }
0x42: {  	s26 =	sadd.s32 $0xD00, s26;
	[sflag:s14] =	ssyncadd.s32 $0xFFFFCC00  }
0x43: {  	[tilespmem:s16], [sflag:$0x2] =	stream.linear.gather [hbm4b:s28+s3], $0x3400, $0x38;
	[tilespmem:$0x1BC00] =	vst v63  }
0x44: {  	_ =	swait.ge [sflag:s17], $0x3400  }
0x45: {  	[sflag:s17] =	ssyncset.done $0x0  }
0x46: {  	[sflag:s17] =	ssyncadd.s32 $0xFFFFCC00  }
0x47: {  	[spmem:s2] =	stream.indirect.scatter.add.f32 [tilespmem:s15], [sflag:$0x3], $0x80, s20, s18, $0xb8;
	[tilespmem:$0x1BC00] =	vst v63  }
0x48: {  	_ =	swait.ge [sflag:s14], $0x3400  }
0x49: {  	[sflag:s14] =	ssyncset.done $0x0  }
0x4a: {  	[sflag:s14] =	ssyncadd.s32 $0xFFFFCC00  }
0x4b: {  	_ =	swait.ge [sflag:s19], $0x3400  }
0x4c: {  	[sflag:s19] =	ssyncset.done $0x0  }
0x4d: {  	[sflag:s19] =	ssyncadd.s32 $0xFFFFCC00  }
0x4e: {  	[spmem:s2] =	stream.indirect.scatter.add.f32 [tilespmem:s16], [sflag:$0x3], $0x80, s21, s18, $0xb8;
	[tilespmem:$0x1BC00] =	vst v63  }
0x4f: {  	_ =	swait.ge [sflag:s14], $0x3400  }
0x50: {  	[sflag:s14] =	ssyncset.done $0x0  }
0x51: {  	[sflag:s14] =	ssyncadd.s32 $0xFFFFCC00  }
0x52: {  	[tilespmem:s15], [sflag:$0x3] =	stream.linear.gather [hbm4b:s9+s3], $0x400, $0x38;
	[tilespmem:$0x1BC00] =	vst v63  }
0x53: {  	_ =	swait.ge [sflag:s14], $0x400  }
0x54: {  	[sflag:s14] =	ssyncset.done $0x0  }
0x55: {  	[sflag:s14] =	ssyncadd.s32 $0xFFFFFC00  }
0x56: {  	[spmem:s2] =	stream.indirect.scatter.add.f32 [tilespmem:s15], [sflag:$0x3], $0x80, s23, s22, $0xb8;
	[tilespmem:$0x1BC00] =	vst v63  }
0x57: {  	_ =	swait.ge [sflag:s14], $0x400  }
0x58: {  	s24 =	sadd.s32 $0x1, s24;
	[sflag:s14] =	ssyncset.done $0x0  }
0x59: {  	p0 =	sne.s32 s24, s11;
	[sflag:s14] =	ssyncadd.s32 $0xFFFFFC00  }
.Ltmp1:
0x5a: {  	[bflag:$0x0] =	sbarrier.arrive $0xFFFF;
	(pc) =	sbr.rel @p0 .LBB2_1-.Ltmp1, $4  }
0x5b: {  	[hbm:s10], [sflag:s5] =	dma.local [spmem:s13], $0x2800  }
0x5c: {  	_ =	swait.ge [sflag:s14], $0x2800  }
0x5d: {  	[sflag:s14] =	ssyncset.done $0x0  }
0x5e: {  	[sflag:s14] =	ssyncadd.s32 $0xFFFFD800  }
0x5f: {  	_ =	sfence.sel $0x180000  }
0x60: {  	[bflag:$0x0] =	sbarrier.arrive $0xFFFF  }
0x61: {  	p0 =	sne.s32 s1, $0x0;
	_ =	strace $0x90000050  }
0x62: {  	s0 =	sadd.s32 @!p0 $0x100000, s0;
	[bflag:$0x2] =	sbarrier.arrive $0xFFFF  }
0x63: {  	[sflag:s0] =	ssyncadd.tile.s32 @!p0 $0x1;
	_ =	shalt  }
.Lfunc_end2:
_tile_overlayer_lowered:
.L_overlay_start_2:
0x64: {  	(tag) =	ssettag $0x2  }
0x65: {  	s0 =	rddreg [dreg:$0x0];
	s2 =	stileid.u32  }
0x66: {  	s1 =	rddreg [dreg:$0x1];
	p0 =	sne.s32 s2, $0x0  }
0x67: {  	s3 =	rddreg [dreg:$0x2];
	[bflag:$0x3] =	sbarrier.arrive $0xFFFF;
	s2 =	simm.s32 @!p0 $0x1C03  }
0x68: {  	[timem:s3], [sflag:s2] =	dma.local @!p0 [hbm:s0], s1  }
0x69: {  	s0 =	simm.s32 @!p0 $0x3  }
0x6a: {  	_ =	swait.ge @!p0 [sflag:s0], s1  }
0x6b: {  	s1 =	ssub.s32 @!p0 $0x0, s1;
	[sflag:s0] =	ssyncset.done @!p0 $0x0  }
0x6c: {  	[sflag:s0] =	ssyncadd.s32 @!p0 s1  }
0x6d: {  	[bflag:$0x3] =	sbarrier.arrive $0xFFFF  }
0x6e: {  	_ =	shalt  }

</sc_bundles>
